<compile_context>
chip_gen: v7x
topology: tpu7x:2x2x1
jax: 0.10.2.dev20260603
libtpu: 0.0.44.dev20260713+nightly
codegen_flags: <defaults>
</compile_context>

<pallas_src>
import jax
import jax.numpy as jnp
from jax import lax
from jax.experimental import pallas as pl
from jax.experimental.pallas import tpu as pltpu
from jax.experimental.pallas import tpu_sc as plsc

_B = 1638400
_V = 1000000
_NC = 2
_NS = 16
_NW = _NC * _NS
_BPW = _B // _NW
_L = 16

_CH = 62496
_CH_LAST = _V - 15 * _CH
_SCH = 6944
_SNJ = _CH // _SCH
_SCH_LAST = 6256
_SNJ_LAST = _CH_LAST // _SCH_LAST
_SHALF = 7680

_NG = 10
_GS = 3520
_GH = 1600
_SPLIT = _NG * _GS
_BUF = 3 * (_GS + _GH)


def _landmark_body(counts_hbm, obs_hbm, idx_hbm, out_hbm, idx_v, buf_v,
                   obs_v, table_sh, isem, ssem, gs0, gs1, gs2, gh0, gh1,
                   gh2, os0, os1, os2, oh0, oh1, oh2):
    c = lax.axis_index("c")
    s = lax.axis_index("s")
    wid = s * _NC + c
    base = wid * _BPW

    def sbuf(b):
        return buf_v.at[pl.ds(b * _GS, _GS)]

    def hbuf(b):
        return buf_v.at[pl.ds(3 * _GS + b * _GH, _GH)]

    icp = pltpu.async_copy(idx_hbm.at[pl.ds(base, _BPW)], idx_v, isem)
    pltpu.sync_copy(obs_hbm, obs_v.at[pl.ds(0, 1)])
    recip = (1.0 / obs_v[pl.ds(0, _L)])[0]
    off = s * _CH
    gsem = (gs0, gs1, gs2)
    osem = (os0, os1, os2)
    hsem = (gh0, gh1, gh2)
    hosem = (oh0, oh1, oh2)

    def stage(sch, snj):
        si = [None, None]
        so = [None, None]
        for j in range(snj):
            b = j % 2
            if j >= 2:
                so[b].wait()
            si[b] = pltpu.async_copy(
                counts_hbm.at[pl.ds(off + j * sch, sch)],
                buf_v.at[pl.ds(b * _SHALF, sch)], gsem[b])
            if j >= 1:
                pb = 1 - b
                si[pb].wait()
                so[pb] = pltpu.async_copy(
                    buf_v.at[pl.ds(pb * _SHALF, sch)],
                    table_sh.at[pl.ds(off + (j - 1) * sch, sch)], osem[pb])
        lb = (snj - 1) % 2
        si[lb].wait()
        so[1 - lb].wait()
        pltpu.async_copy(
            buf_v.at[pl.ds(lb * _SHALF, sch)],
            table_sh.at[pl.ds(off + (snj - 1) * sch, sch)], ssem).wait()

    with jax.named_scope("stage_table"):
        @pl.when(s < _NS - 1)
        def _():
            stage(_SCH, _SNJ)

        @pl.when(s == _NS - 1)
        def _():
            stage(_SCH_LAST, _SNJ_LAST)

        icp.wait()
    with jax.named_scope("stage_barrier"):
        plsc.subcore_barrier()

    def scale_words(word_off, n_iter):
        def body(i, carry):
            sl = pl.ds(word_off + i * _L, _L)
            buf_v[sl] = buf_v[sl] * recip
            return carry
        lax.fori_loop(0, n_iter, body, 0)

    gS = [None, None, None]
    oS = [None, None, None]
    gH = [None, None, None]
    oH = [None, None, None]

    def process_s(p):
        pb = p % 3
        gS[pb].wait()
        scale_words(pb * _GS, _GS // _L)
        oS[pb] = pltpu.async_copy(
            sbuf(pb), out_hbm.at[pl.ds(base + p * _GS, _GS)], osem[pb])

    def process_h(p):
        pb = p % 3
        gH[pb].wait()
        scale_words(3 * _GS + pb * _GH, _GH // _L)
        oH[pb] = pltpu.async_copy(
            hbuf(pb), out_hbm.at[pl.ds(base + _SPLIT + p * _GH, _GH)],
            hosem[pb])

    with jax.named_scope("gather_loop"):
        for j in range(_NG):
            b = j % 3
            if j >= 3:
                oS[b].wait()
                oH[b].wait()
            gS[b] = pltpu.async_copy(
                table_sh.at[idx_v.at[pl.ds(j * _GS, _GS)]], sbuf(b), gsem[b])
            gH[b] = pltpu.async_copy(
                counts_hbm.at[idx_v.at[pl.ds(_SPLIT + j * _GH, _GH)]],
                hbuf(b), hsem[b])
            if j >= 2:
                process_s(j - 2)
                process_h(j - 2)

    with jax.named_scope("gather_drain"):
        process_s(_NG - 2)
        process_h(_NG - 2)
        process_s(_NG - 1)
        process_h(_NG - 1)
        for b in range(3):
            oS[b].wait()
            oH[b].wait()


def kernel(counts, obs_count, landmark_indices):
    mesh = plsc.VectorSubcoreMesh(core_axis_name="c", subcore_axis_name="s")
    k = pl.kernel(
        _landmark_body,
        mesh=mesh,
        out_type=jax.ShapeDtypeStruct((_B,), jnp.float32),
        scratch_types=[
            pltpu.VMEM((_BPW,), jnp.int32),
            pltpu.VMEM((_BUF,), jnp.float32),
            pltpu.VMEM((_L,), jnp.float32),
            pltpu.VMEM_SHARED((_V,), jnp.float32),
        ] + [pltpu.SemaphoreType.DMA] * 14,
    )
    return k(counts, obs_count, landmark_indices)

# --- scband reference (transcript-rebuilt; emitter-appended) ---
"""Pipeline reference for scband-landmark-model-49469433315727 (READ-ONLY COPY).

The authoritative reference and input builder live on the scoring server;
editing this copy changes nothing except your own understanding.
"""

import jax, jax.numpy as jnp
import numpy as np

NUM_LANDMARKS = 1000000
NUM_INDICES = 1638400
INITIAL_OBS = 10.0


def setup_inputs(seed: int = 0) -> dict:
    key = jax.random.key(seed)
    # Learned parameters sized per init_kwargs (num_landmarks=1000000)
    counts = jnp.ones((NUM_LANDMARKS,), dtype=jnp.float32) * INITIAL_OBS
    obs_count = jnp.ones((1,), dtype=jnp.float32) * NUM_LANDMARKS * INITIAL_OBS
    landmark_indices = jax.random.randint(key, (NUM_INDICES,), 0, NUM_LANDMARKS, dtype=jnp.int32)
    return {"counts": counts, "obs_count": obs_count, "landmark_indices": landmark_indices}


def reference(counts, obs_count, landmark_indices):
    # Eval-mode forward of LandmarkModel (self.training == False):
    # landmark_counts = counts.gather(0, landmark_indices).detach()
    # total_count = obs_count.detach()
    # landmark_probs = landmark_counts / total_count
    landmark_counts = jax.lax.stop_gradient(jnp.take(counts, landmark_indices, axis=0))
    total_count = jax.lax.stop_gradient(obs_count)
    landmark_probs = landmark_counts / total_count
    return landmark_probs

if __name__ == "__main__":
    import jax
    _d = setup_inputs()
    print(jax.jit(kernel)(*tuple(_d.values())))

</pallas_src>

<mosaic_0001>
#map = affine_map<(d0, d1) -> (0)>
module attributes {stable_mosaic.version = 14 : i64} {
  func.func @_landmark_body(%arg0: i32, %arg1: i32, %arg2: memref<1000000xf32, #tpu.memory_space<hbm>>, %arg3: memref<1xf32, #tpu.memory_space<hbm>>, %arg4: memref<1638400xi32, #tpu.memory_space<hbm>>, %arg5: memref<1638400xf32, #tpu.memory_space<hbm>>, %arg6: memref<51200xi32, #tpu.memory_space<vmem>>, %arg7: memref<15360xf32, #tpu.memory_space<vmem>>, %arg8: memref<16xf32, #tpu.memory_space<vmem>>, %arg9: memref<1000000xf32, #tpu.memory_space<vmem_shared>>, %arg10: memref<!tpu.dma_semaphore, #tpu.memory_space<semaphore_mem>>, %arg11: memref<!tpu.dma_semaphore, #tpu.memory_space<semaphore_mem>>, %arg12: memref<!tpu.dma_semaphore, #tpu.memory_space<semaphore_mem>>, %arg13: memref<!tpu.dma_semaphore, #tpu.memory_space<semaphore_mem>>, %arg14: memref<!tpu.dma_semaphore, #tpu.memory_space<semaphore_mem>>, %arg15: memref<!tpu.dma_semaphore, #tpu.memory_space<semaphore_mem>>, %arg16: memref<!tpu.dma_semaphore, #tpu.memory_space<semaphore_mem>>, %arg17: memref<!tpu.dma_semaphore, #tpu.memory_space<semaphore_mem>>, %arg18: memref<!tpu.dma_semaphore, #tpu.memory_space<semaphore_mem>>, %arg19: memref<!tpu.dma_semaphore, #tpu.memory_space<semaphore_mem>>, %arg20: memref<!tpu.dma_semaphore, #tpu.memory_space<semaphore_mem>>, %arg21: memref<!tpu.dma_semaphore, #tpu.memory_space<semaphore_mem>>, %arg22: memref<!tpu.dma_semaphore, #tpu.memory_space<semaphore_mem>>, %arg23: memref<!tpu.dma_semaphore, #tpu.memory_space<semaphore_mem>>) attributes {dimension_semantics = [#tpu.dimension_semantics<core_parallel>, #tpu.dimension_semantics<subcore_parallel>], iteration_bounds = array<i64: 2, 16>, scalar_prefetch = 0 : i64, scratch_operands = 18 : i64, tpu.core_type = #tpu.core_type<sc_vector_subcore>, window_params = [{transform_indices = #map}, {transform_indices = #map}, {transform_indices = #map}, {transform_indices = #map}]} {
    %mul3A = arith.constant 2 : i32
    %mul3A_0 = arith.muli %arg1, %mul3A : i32
    %add3A = arith.addi %mul3A_0, %arg0 : i32
    %mul3A_1 = arith.constant 51200 : i32
    %mul3A_2 = arith.muli %add3A, %mul3A_1 : i32
    %dma_start3A = tpu.memref_slice %arg4[%mul3A_2] : memref<1638400xi32, #tpu.memory_space<hbm>> -> memref<51200xi32, #tpu.memory_space<hbm>>
    %dma_start3A_3 = tpu.memref_slice %arg4[%mul3A_2] : memref<1638400xi32, #tpu.memory_space<hbm>> -> memref<51200xi32, #tpu.memory_space<hbm>>
    tpu.enqueue_dma source(%dma_start3A_3 : memref<51200xi32, #tpu.memory_space<hbm>>) target(%arg6 : memref<51200xi32, #tpu.memory_space<vmem>>) target_semaphore(%arg10 : memref<!tpu.dma_semaphore, #tpu.memory_space<semaphore_mem>>)
    "tpu.region"() ({
      %run_scoped3A = tpu.sem_alloc : memref<!tpu.dma_semaphore, #tpu.memory_space<semaphore_mem>>
      %dma_start3A_676 = arith.constant 0 : i32
      %dma_start3A_677 = tpu.memref_slice %arg8[%dma_start3A_676] : memref<16xf32, #tpu.memory_space<vmem>> -> memref<1xf32, #tpu.memory_space<vmem>>
      %dma_start3A_678 = arith.constant 0 : i32
      %dma_start3A_679 = tpu.memref_slice %arg8[%dma_start3A_678] : memref<16xf32, #tpu.memory_space<vmem>> -> memref<1xf32, #tpu.memory_space<vmem>>
      tpu.enqueue_dma source(%arg3 : memref<1xf32, #tpu.memory_space<hbm>>) target(%dma_start3A_679 : memref<1xf32, #tpu.memory_space<vmem>>) target_semaphore(%run_scoped3A : memref<!tpu.dma_semaphore, #tpu.memory_space<semaphore_mem>>)
      %dma_wait3A_680 = arith.constant 0 : i32
      %dma_wait3A_681 = tpu.memref_slice %arg8[%dma_wait3A_680] : memref<16xf32, #tpu.memory_space<vmem>> -> memref<1xf32, #tpu.memory_space<vmem>>
      %dma_wait3A_682 = arith.constant 0 : i32
      %dma_wait3A_683 = tpu.memref_slice %arg8[%dma_wait3A_682] : memref<16xf32, #tpu.memory_space<vmem>> -> memref<1xf32, #tpu.memory_space<vmem>>
      tpu.wait_dma2 semaphore(%run_scoped3A : memref<!tpu.dma_semaphore, #tpu.memory_space<semaphore_mem>>) src(%arg3 : memref<1xf32, #tpu.memory_space<hbm>>) dst(%dma_wait3A_683 : memref<1xf32, #tpu.memory_space<vmem>>)
      tpu.yield
    }) : () -> ()
    %get3A = arith.constant 0 : index
    %get3A_4 = tpu.vector_load %arg8[%get3A] {strides = array<i32>} : memref<16xf32, #tpu.memory_space<vmem>>, vector<16xf32>,
    %get3A_5 = vector.shape_cast %get3A_4 : vector<16xf32> to vector<16xf32>
    %div3A = arith.constant 1.000000e+00 : f32
    %div3A_6 = vector.broadcast %div3A : f32 to vector<16xf32>
    %div3A_7 = arith.divf %div3A_6, %get3A_5 : vector<16xf32>
    %slice3A = vector.extract_strided_slice %div3A_7 {offsets = [0], sizes = [1], strides = [1]} : vector<16xf32> to vector<1xf32>
    %squeeze3A = vector.extract %slice3A[0] : f32 from vector<1xf32>
    %mul3A_8 = arith.constant 62496 : i32
    %mul3A_9 = arith.muli %arg1, %mul3A_8 : i32
    %lt3A = arith.constant 15 : i32
    "tpu.trace_start"() <{level = 10 : i32, message = "stage_table"}> : () -> ()
    %lt3A_10 = arith.cmpi slt, %arg1, %lt3A : i32
    %convert_element_type3A = arith.extui %lt3A_10 : i1 to i32
    %cond3A = arith.constant 0 : i32
    %cond3A_11 = arith.cmpi ne, %convert_element_type3A, %cond3A : i32
    scf.if %cond3A_11 {
      %add3A_676 = arith.constant 0 : i32
      %add3A_677 = arith.addi %mul3A_9, %add3A_676 : i32
      %dma_start3A_678 = arith.constant 0 : i32
      %dma_start3A_679 = tpu.memref_slice %arg7[%dma_start3A_678] : memref<15360xf32, #tpu.memory_space<vmem>> -> memref<6944xf32, #tpu.memory_space<vmem>>
      %dma_start3A_680 = tpu.memref_slice %arg2[%add3A_677] : memref<1000000xf32, #tpu.memory_space<hbm>> -> memref<6944xf32, #tpu.memory_space<hbm>>
      %dma_start3A_681 = arith.constant 0 : i32
      %dma_start3A_682 = tpu.memref_slice %arg7[%dma_start3A_681] : memref<15360xf32, #tpu.memory_space<vmem>> -> memref<6944xf32, #tpu.memory_space<vmem>>
      %dma_start3A_683 = tpu.memref_slice %arg2[%add3A_677] : memref<1000000xf32, #tpu.memory_space<hbm>> -> memref<6944xf32, #tpu.memory_space<hbm>>
      tpu.enqueue_dma source(%dma_start3A_683 : memref<6944xf32, #tpu.memory_space<hbm>>) target(%dma_start3A_682 : memref<6944xf32, #tpu.memory_space<vmem>>) target_semaphore(%arg12 : memref<!tpu.dma_semaphore, #tpu.memory_space<semaphore_mem>>)
      %add3A_684 = arith.constant 6944 : i32
      %add3A_685 = arith.addi %mul3A_9, %add3A_684 : i32
      %dma_start3A_686 = arith.constant 7680 : i32
      %dma_start3A_687 = tpu.memref_slice %arg7[%dma_start3A_686] : memref<15360xf32, #tpu.memory_space<vmem>> -> memref<6944xf32, #tpu.memory_space<vmem>>
      %dma_start3A_688 = tpu.memref_slice %arg2[%add3A_685] : memref<1000000xf32, #tpu.memory_space<hbm>> -> memref<6944xf32, #tpu.memory_space<hbm>>
      %dma_start3A_689 = arith.constant 7680 : i32
      %dma_start3A_690 = tpu.memref_slice %arg7[%dma_start3A_689] : memref<15360xf32, #tpu.memory_space<vmem>> -> memref<6944xf32, #tpu.memory_space<vmem>>
      %dma_start3A_691 = tpu.memref_slice %arg2[%add3A_685] : memref<1000000xf32, #tpu.memory_space<hbm>> -> memref<6944xf32, #tpu.memory_space<hbm>>
      tpu.enqueue_dma source(%dma_start3A_691 : memref<6944xf32, #tpu.memory_space<hbm>>) target(%dma_start3A_690 : memref<6944xf32, #tpu.memory_space<vmem>>) target_semaphore(%arg13 : memref<!tpu.dma_semaphore, #tpu.memory_space<semaphore_mem>>)
      %dma_wait3A_692 = arith.constant 0 : i32
      %dma_wait3A_693 = tpu.memref_slice %arg7[%dma_wait3A_692] : memref<15360xf32, #tpu.memory_space<vmem>> -> memref<6944xf32, #tpu.memory_space<vmem>>
      %dma_wait3A_694 = tpu.memref_slice %arg2[%add3A_677] : memref<1000000xf32, #tpu.memory_space<hbm>> -> memref<6944xf32, #tpu.memory_space<hbm>>
      %dma_wait3A_695 = arith.constant 0 : i32
      %dma_wait3A_696 = tpu.memref_slice %arg7[%dma_wait3A_695] : memref<15360xf32, #tpu.memory_space<vmem>> -> memref<6944xf32, #tpu.memory_space<vmem>>
      %dma_wait3A_697 = tpu.memref_slice %arg2[%add3A_677] : memref<1000000xf32, #tpu.memory_space<hbm>> -> memref<6944xf32, #tpu.memory_space<hbm>>
      tpu.wait_dma2 semaphore(%arg12 : memref<!tpu.dma_semaphore, #tpu.memory_space<semaphore_mem>>) src(%dma_wait3A_697 : memref<6944xf32, #tpu.memory_space<hbm>>) dst(%dma_wait3A_696 : memref<6944xf32, #tpu.memory_space<vmem>>)
      %add3A_698 = arith.constant 0 : i32
      %add3A_699 = arith.addi %mul3A_9, %add3A_698 : i32
      %dma_start3A_700 = arith.constant 0 : i32
      %dma_start3A_701 = tpu.memref_slice %arg7[%dma_start3A_700] : memref<15360xf32, #tpu.memory_space<vmem>> -> memref<6944xf32, #tpu.memory_space<vmem>>
      %dma_start3A_702 = tpu.memref_slice %arg9[%add3A_699] : memref<1000000xf32, #tpu.memory_space<vmem_shared>> -> memref<6944xf32, #tpu.memory_space<vmem_shared>>
      %dma_start3A_703 = tpu.memref_slice %arg9[%add3A_699] : memref<1000000xf32, #tpu.memory_space<vmem_shared>> -> memref<6944xf32, #tpu.memory_space<vmem_shared>>
      %dma_start3A_704 = arith.constant 0 : i32
      %dma_start3A_705 = tpu.memref_slice %arg7[%dma_start3A_704] : memref<15360xf32, #tpu.memory_space<vmem>> -> memref<6944xf32, #tpu.memory_space<vmem>>
      tpu.enqueue_dma source(%dma_start3A_705 : memref<6944xf32, #tpu.memory_space<vmem>>) target(%dma_start3A_703 : memref<6944xf32, #tpu.memory_space<vmem_shared>>) target_semaphore(%arg18 : memref<!tpu.dma_semaphore, #tpu.memory_space<semaphore_mem>>)
      %dma_wait3A_706 = arith.constant 0 : i32
      %dma_wait3A_707 = tpu.memref_slice %arg7[%dma_wait3A_706] : memref<15360xf32, #tpu.memory_space<vmem>> -> memref<6944xf32, #tpu.memory_space<vmem>>
      %dma_wait3A_708 = tpu.memref_slice %arg9[%add3A_699] : memref<1000000xf32, #tpu.memory_space<vmem_shared>> -> memref<6944xf32, #tpu.memory_space<vmem_shared>>
      %dma_wait3A_709 = tpu.memref_slice %arg9[%add3A_699] : memref<1000000xf32, #tpu.memory_space<vmem_shared>> -> memref<6944xf32, #tpu.memory_space<vmem_shared>>
      %dma_wait3A_710 = arith.constant 0 : i32
      %dma_wait3A_711 = tpu.memref_slice %arg7[%dma_wait3A_710] : memref<15360xf32, #tpu.memory_space<vmem>> -> memref<6944xf32, #tpu.memory_space<vmem>>
      tpu.wait_dma2 semaphore(%arg18 : memref<!tpu.dma_semaphore, #tpu.memory_space<semaphore_mem>>) src(%dma_wait3A_711 : memref<6944xf32, #tpu.memory_space<vmem>>) dst(%dma_wait3A_709 : memref<6944xf32, #tpu.memory_space<vmem_shared>>)
      %add3A_712 = arith.constant 13888 : i32
      %add3A_713 = arith.addi %mul3A_9, %add3A_712 : i32
      %dma_start3A_714 = arith.constant 0 : i32
      %dma_start3A_715 = tpu.memref_slice %arg7[%dma_start3A_714] : memref<15360xf32, #tpu.memory_space<vmem>> -> memref<6944xf32, #tpu.memory_space<vmem>>
      %dma_start3A_716 = tpu.memref_slice %arg2[%add3A_713] : memref<1000000xf32, #tpu.memory_space<hbm>> -> memref<6944xf32, #tpu.memory_space<hbm>>
      %dma_start3A_717 = arith.constant 0 : i32
      %dma_start3A_718 = tpu.memref_slice %arg7[%dma_start3A_717] : memref<15360xf32, #tpu.memory_space<vmem>> -> memref<6944xf32, #tpu.memory_space<vmem>>
      %dma_start3A_719 = tpu.memref_slice %arg2[%add3A_713] : memref<1000000xf32, #tpu.memory_space<hbm>> -> memref<6944xf32, #tpu.memory_space<hbm>>
      tpu.enqueue_dma source(%dma_start3A_719 : memref<6944xf32, #tpu.memory_space<hbm>>) target(%dma_start3A_718 : memref<6944xf32, #tpu.memory_space<vmem>>) target_semaphore(%arg12 : memref<!tpu.dma_semaphore, #tpu.memory_space<semaphore_mem>>)
      %dma_wait3A_720 = arith.constant 7680 : i32
      %dma_wait3A_721 = tpu.memref_slice %arg7[%dma_wait3A_720] : memref<15360xf32, #tpu.memory_space<vmem>> -> memref<6944xf32, #tpu.memory_space<vmem>>
      %dma_wait3A_722 = tpu.memref_slice %arg2[%add3A_685] : memref<1000000xf32, #tpu.memory_space<hbm>> -> memref<6944xf32, #tpu.memory_space<hbm>>
      %dma_wait3A_723 = arith.constant 7680 : i32
      %dma_wait3A_724 = tpu.memref_slice %arg7[%dma_wait3A_723] : memref<15360xf32, #tpu.memory_space<vmem>> -> memref<6944xf32, #tpu.memory_space<vmem>>
      %dma_wait3A_725 = tpu.memref_slice %arg2[%add3A_685] : memref<1000000xf32, #tpu.memory_space<hbm>> -> memref<6944xf32, #tpu.memory_space<hbm>>
      tpu.wait_dma2 semaphore(%arg13 : memref<!tpu.dma_semaphore, #tpu.memory_space<semaphore_mem>>) src(%dma_wait3A_725 : memref<6944xf32, #tpu.memory_space<hbm>>) dst(%dma_wait3A_724 : memref<6944xf32, #tpu.memory_space<vmem>>)
      %add3A_726 = arith.constant 6944 : i32
      %add3A_727 = arith.addi %mul3A_9, %add3A_726 : i32
      %dma_start3A_728 = arith.constant 7680 : i32
      %dma_start3A_729 = tpu.memref_slice %arg7[%dma_start3A_728] : memref<15360xf32, #tpu.memory_space<vmem>> -> memref<6944xf32, #tpu.memory_space<vmem>>
      %dma_start3A_730 = tpu.memref_slice %arg9[%add3A_727] : memref<1000000xf32, #tpu.memory_space<vmem_shared>> -> memref<6944xf32, #tpu.memory_space<vmem_shared>>
      %dma_start3A_731 = tpu.memref_slice %arg9[%add3A_727] : memref<1000000xf32, #tpu.memory_space<vmem_shared>> -> memref<6944xf32, #tpu.memory_space<vmem_shared>>
      %dma_start3A_732 = arith.constant 7680 : i32
      %dma_start3A_733 = tpu.memref_slice %arg7[%dma_start3A_732] : memref<15360xf32, #tpu.memory_space<vmem>> -> memref<6944xf32, #tpu.memory_space<vmem>>
      tpu.enqueue_dma source(%dma_start3A_733 : memref<6944xf32, #tpu.memory_space<vmem>>) target(%dma_start3A_731 : memref<6944xf32, #tpu.memory_space<vmem_shared>>) target_semaphore(%arg19 : memref<!tpu.dma_semaphore, #tpu.memory_space<semaphore_mem>>)
      %dma_wait3A_734 = arith.constant 7680 : i32
      %dma_wait3A_735 = tpu.memref_slice %arg7[%dma_wait3A_734] : memref<15360xf32, #tpu.memory_space<vmem>> -> memref<6944xf32, #tpu.memory_space<vmem>>
      %dma_wait3A_736 = tpu.memref_slice %arg9[%add3A_727] : memref<1000000xf32, #tpu.memory_space<vmem_shared>> -> memref<6944xf32, #tpu.memory_space<vmem_shared>>
      %dma_wait3A_737 = tpu.memref_slice %arg9[%add3A_727] : memref<1000000xf32, #tpu.memory_space<vmem_shared>> -> memref<6944xf32, #tpu.memory_space<vmem_shared>>
      %dma_wait3A_738 = arith.constant 7680 : i32
      %dma_wait3A_739 = tpu.memref_slice %arg7[%dma_wait3A_738] : memref<15360xf32, #tpu.memory_space<vmem>> -> memref<6944xf32, #tpu.memory_space<vmem>>
      tpu.wait_dma2 semaphore(%arg19 : memref<!tpu.dma_semaphore, #tpu.memory_space<semaphore_mem>>) src(%dma_wait3A_739 : memref<6944xf32, #tpu.memory_space<vmem>>) dst(%dma_wait3A_737 : memref<6944xf32, #tpu.memory_space<vmem_shared>>)
      %add3A_740 = arith.constant 20832 : i32
      %add3A_741 = arith.addi %mul3A_9, %add3A_740 : i32
      %dma_start3A_742 = arith.constant 7680 : i32
      %dma_start3A_743 = tpu.memref_slice %arg7[%dma_start3A_742] : memref<15360xf32, #tpu.memory_space<vmem>> -> memref<6944xf32, #tpu.memory_space<vmem>>
      %dma_start3A_744 = tpu.memref_slice %arg2[%add3A_741] : memref<1000000xf32, #tpu.memory_space<hbm>> -> memref<6944xf32, #tpu.memory_space<hbm>>
      %dma_start3A_745 = arith.constant 7680 : i32
      %dma_start3A_746 = tpu.memref_slice %arg7[%dma_start3A_745] : memref<15360xf32, #tpu.memory_space<vmem>> -> memref<6944xf32, #tpu.memory_space<vmem>>
      %dma_start3A_747 = tpu.memref_slice %arg2[%add3A_741] : memref<1000000xf32, #tpu.memory_space<hbm>> -> memref<6944xf32, #tpu.memory_space<hbm>>
      tpu.enqueue_dma source(%dma_start3A_747 : memref<6944xf32, #tpu.memory_space<hbm>>) target(%dma_start3A_746 : memref<6944xf32, #tpu.memory_space<vmem>>) target_semaphore(%arg13 : memref<!tpu.dma_semaphore, #tpu.memory_space<semaphore_mem>>)
      %dma_wait3A_748 = arith.constant 0 : i32
      %dma_wait3A_749 = tpu.memref_slice %arg7[%dma_wait3A_748] : memref<15360xf32, #tpu.memory_space<vmem>> -> memref<6944xf32, #tpu.memory_space<vmem>>
      %dma_wait3A_750 = tpu.memref_slice %arg2[%add3A_713] : memref<1000000xf32, #tpu.memory_space<hbm>> -> memref<6944xf32, #tpu.memory_space<hbm>>
      %dma_wait3A_751 = arith.constant 0 : i32
      %dma_wait3A_752 = tpu.memref_slice %arg7[%dma_wait3A_751] : memref<15360xf32, #tpu.memory_space<vmem>> -> memref<6944xf32, #tpu.memory_space<vmem>>
      %dma_wait3A_753 = tpu.memref_slice %arg2[%add3A_713] : memref<1000000xf32, #tpu.memory_space<hbm>> -> memref<6944xf32, #tpu.memory_space<hbm>>
      tpu.wait_dma2 semaphore(%arg12 : memref<!tpu.dma_semaphore, #tpu.memory_space<semaphore_mem>>) src(%dma_wait3A_753 : memref<6944xf32, #tpu.memory_space<hbm>>) dst(%dma_wait3A_752 : memref<6944xf32, #tpu.memory_space<vmem>>)
      %add3A_754 = arith.constant 13888 : i32
      %add3A_755 = arith.addi %mul3A_9, %add3A_754 : i32
      %dma_start3A_756 = arith.constant 0 : i32
      %dma_start3A_757 = tpu.memref_slice %arg7[%dma_start3A_756] : memref<15360xf32, #tpu.memory_space<vmem>> -> memref<6944xf32, #tpu.memory_space<vmem>>
      %dma_start3A_758 = tpu.memref_slice %arg9[%add3A_755] : memref<1000000xf32, #tpu.memory_space<vmem_shared>> -> memref<6944xf32, #tpu.memory_space<vmem_shared>>
      %dma_start3A_759 = tpu.memref_slice %arg9[%add3A_755] : memref<1000000xf32, #tpu.memory_space<vmem_shared>> -> memref<6944xf32, #tpu.memory_space<vmem_shared>>
      %dma_start3A_760 = arith.constant 0 : i32
      %dma_start3A_761 = tpu.memref_slice %arg7[%dma_start3A_760] : memref<15360xf32, #tpu.memory_space<vmem>> -> memref<6944xf32, #tpu.memory_space<vmem>>
      tpu.enqueue_dma source(%dma_start3A_761 : memref<6944xf32, #tpu.memory_space<vmem>>) target(%dma_start3A_759 : memref<6944xf32, #tpu.memory_space<vmem_shared>>) target_semaphore(%arg18 : memref<!tpu.dma_semaphore, #tpu.memory_space<semaphore_mem>>)
      %dma_wait3A_762 = arith.constant 0 : i32
      %dma_wait3A_763 = tpu.memref_slice %arg7[%dma_wait3A_762] : memref<15360xf32, #tpu.memory_space<vmem>> -> memref<6944xf32, #tpu.memory_space<vmem>>
      %dma_wait3A_764 = tpu.memref_slice %arg9[%add3A_755] : memref<1000000xf32, #tpu.memory_space<vmem_shared>> -> memref<6944xf32, #tpu.memory_space<vmem_shared>>
      %dma_wait3A_765 = tpu.memref_slice %arg9[%add3A_755] : memref<1000000xf32, #tpu.memory_space<vmem_shared>> -> memref<6944xf32, #tpu.memory_space<vmem_shared>>
      %dma_wait3A_766 = arith.constant 0 : i32
      %dma_wait3A_767 = tpu.memref_slice %arg7[%dma_wait3A_766] : memref<15360xf32, #tpu.memory_space<vmem>> -> memref<6944xf32, #tpu.memory_space<vmem>>
      tpu.wait_dma2 semaphore(%arg18 : memref<!tpu.dma_semaphore, #tpu.memory_space<semaphore_mem>>) src(%dma_wait3A_767 : memref<6944xf32, #tpu.memory_space<vmem>>) dst(%dma_wait3A_765 : memref<6944xf32, #tpu.memory_space<vmem_shared>>)
      %add3A_768 = arith.constant 27776 : i32
      %add3A_769 = arith.addi %mul3A_9, %add3A_768 : i32
      %dma_start3A_770 = arith.constant 0 : i32
      %dma_start3A_771 = tpu.memref_slice %arg7[%dma_start3A_770] : memref<15360xf32, #tpu.memory_space<vmem>> -> memref<6944xf32, #tpu.memory_space<vmem>>
      %dma_start3A_772 = tpu.memref_slice %arg2[%add3A_769] : memref<1000000xf32, #tpu.memory_space<hbm>> -> memref<6944xf32, #tpu.memory_space<hbm>>
      %dma_start3A_773 = arith.constant 0 : i32
      %dma_start3A_774 = tpu.memref_slice %arg7[%dma_start3A_773] : memref<15360xf32, #tpu.memory_space<vmem>> -> memref<6944xf32, #tpu.memory_space<vmem>>
      %dma_start3A_775 = tpu.memref_slice %arg2[%add3A_769] : memref<1000000xf32, #tpu.memory_space<hbm>> -> memref<6944xf32, #tpu.memory_space<hbm>>
      tpu.enqueue_dma source(%dma_start3A_775 : memref<6944xf32, #tpu.memory_space<hbm>>) target(%dma_start3A_774 : memref<6944xf32, #tpu.memory_space<vmem>>) target_semaphore(%arg12 : memref<!tpu.dma_semaphore, #tpu.memory_space<semaphore_mem>>)
      %dma_wait3A_776 = arith.constant 7680 : i32
      %dma_wait3A_777 = tpu.memref_slice %arg7[%dma_wait3A_776] : memref<15360xf32, #tpu.memory_space<vmem>> -> memref<6944xf32, #tpu.memory_space<vmem>>
      %dma_wait3A_778 = tpu.memref_slice %arg2[%add3A_741] : memref<1000000xf32, #tpu.memory_space<hbm>> -> memref<6944xf32, #tpu.memory_space<hbm>>
      %dma_wait3A_779 = arith.constant 7680 : i32
      %dma_wait3A_780 = tpu.memref_slice %arg7[%dma_wait3A_779] : memref<15360xf32, #tpu.memory_space<vmem>> -> memref<6944xf32, #tpu.memory_space<vmem>>
      %dma_wait3A_781 = tpu.memref_slice %arg2[%add3A_741] : memref<1000000xf32, #tpu.memory_space<hbm>> -> memref<6944xf32, #tpu.memory_space<hbm>>
      tpu.wait_dma2 semaphore(%arg13 : memref<!tpu.dma_semaphore, #tpu.memory_space<semaphore_mem>>) src(%dma_wait3A_781 : memref<6944xf32, #tpu.memory_space<hbm>>) dst(%dma_wait3A_780 : memref<6944xf32, #tpu.memory_space<vmem>>)
      %add3A_782 = arith.constant 20832 : i32
      %add3A_783 = arith.addi %mul3A_9, %add3A_782 : i32
      %dma_start3A_784 = arith.constant 7680 : i32
      %dma_start3A_785 = tpu.memref_slice %arg7[%dma_start3A_784] : memref<15360xf32, #tpu.memory_space<vmem>> -> memref<6944xf32, #tpu.memory_space<vmem>>
      %dma_start3A_786 = tpu.memref_slice %arg9[%add3A_783] : memref<1000000xf32, #tpu.memory_space<vmem_shared>> -> memref<6944xf32, #tpu.memory_space<vmem_shared>>
      %dma_start3A_787 = tpu.memref_slice %arg9[%add3A_783] : memref<1000000xf32, #tpu.memory_space<vmem_shared>> -> memref<6944xf32, #tpu.memory_space<vmem_shared>>
      %dma_start3A_788 = arith.constant 7680 : i32
      %dma_start3A_789 = tpu.memref_slice %arg7[%dma_start3A_788] : memref<15360xf32, #tpu.memory_space<vmem>> -> memref<6944xf32, #tpu.memory_space<vmem>>
      tpu.enqueue_dma source(%dma_start3A_789 : memref<6944xf32, #tpu.memory_space<vmem>>) target(%dma_start3A_787 : memref<6944xf32, #tpu.memory_space<vmem_shared>>) target_semaphore(%arg19 : memref<!tpu.dma_semaphore, #tpu.memory_space<semaphore_mem>>)
      %dma_wait3A_790 = arith.constant 7680 : i32
      %dma_wait3A_791 = tpu.memref_slice %arg7[%dma_wait3A_790] : memref<15360xf32, #tpu.memory_space<vmem>> -> memref<6944xf32, #tpu.memory_space<vmem>>
      %dma_wait3A_792 = tpu.memref_slice %arg9[%add3A_783] : memref<1000000xf32, #tpu.memory_space<vmem_shared>> -> memref<6944xf32, #tpu.memory_space<vmem_shared>>
      %dma_wait3A_793 = tpu.memref_slice %arg9[%add3A_783] : memref<1000000xf32, #tpu.memory_space<vmem_shared>> -> memref<6944xf32, #tpu.memory_space<vmem_shared>>
      %dma_wait3A_794 = arith.constant 7680 : i32
      %dma_wait3A_795 = tpu.memref_slice %arg7[%dma_wait3A_794] : memref<15360xf32, #tpu.memory_space<vmem>> -> memref<6944xf32, #tpu.memory_space<vmem>>
      tpu.wait_dma2 semaphore(%arg19 : memref<!tpu.dma_semaphore, #tpu.memory_space<semaphore_mem>>) src(%dma_wait3A_795 : memref<6944xf32, #tpu.memory_space<vmem>>) dst(%dma_wait3A_793 : memref<6944xf32, #tpu.memory_space<vmem_shared>>)
      %add3A_796 = arith.constant 34720 : i32
      %add3A_797 = arith.addi %mul3A_9, %add3A_796 : i32
      %dma_start3A_798 = arith.constant 7680 : i32
      %dma_start3A_799 = tpu.memref_slice %arg7[%dma_start3A_798] : memref<15360xf32, #tpu.memory_space<vmem>> -> memref<6944xf32, #tpu.memory_space<vmem>>
      %dma_start3A_800 = tpu.memref_slice %arg2[%add3A_797] : memref<1000000xf32, #tpu.memory_space<hbm>> -> memref<6944xf32, #tpu.memory_space<hbm>>
      %dma_start3A_801 = arith.constant 7680 : i32
      %dma_start3A_802 = tpu.memref_slice %arg7[%dma_start3A_801] : memref<15360xf32, #tpu.memory_space<vmem>> -> memref<6944xf32, #tpu.memory_space<vmem>>
      %dma_start3A_803 = tpu.memref_slice %arg2[%add3A_797] : memref<1000000xf32, #tpu.memory_space<hbm>> -> memref<6944xf32, #tpu.memory_space<hbm>>
      tpu.enqueue_dma source(%dma_start3A_803 : memref<6944xf32, #tpu.memory_space<hbm>>) target(%dma_start3A_802 : memref<6944xf32, #tpu.memory_space<vmem>>) target_semaphore(%arg13 : memref<!tpu.dma_semaphore, #tpu.memory_space<semaphore_mem>>)
      %dma_wait3A_804 = arith.constant 0 : i32
      %dma_wait3A_805 = tpu.memref_slice %arg7[%dma_wait3A_804] : memref<15360xf32, #tpu.memory_space<vmem>> -> memref<6944xf32, #tpu.memory_space<vmem>>
      %dma_wait3A_806 = tpu.memref_slice %arg2[%add3A_769] : memref<1000000xf32, #tpu.memory_space<hbm>> -> memref<6944xf32, #tpu.memory_space<hbm>>
      %dma_wait3A_807 = arith.constant 0 : i32
      %dma_wait3A_808 = tpu.memref_slice %arg7[%dma_wait3A_807] : memref<15360xf32, #tpu.memory_space<vmem>> -> memref<6944xf32, #tpu.memory_space<vmem>>
      %dma_wait3A_809 = tpu.memref_slice %arg2[%add3A_769] : memref<1000000xf32, #tpu.memory_space<hbm>> -> memref<6944xf32, #tpu.memory_space<hbm>>
      tpu.wait_dma2 semaphore(%arg12 : memref<!tpu.dma_semaphore, #tpu.memory_space<semaphore_mem>>) src(%dma_wait3A_809 : memref<6944xf32, #tpu.memory_space<hbm>>) dst(%dma_wait3A_808 : memref<6944xf32, #tpu.memory_space<vmem>>)
      %add3A_810 = arith.constant 27776 : i32
      %add3A_811 = arith.addi %mul3A_9, %add3A_810 : i32
      %dma_start3A_812 = arith.constant 0 : i32
      %dma_start3A_813 = tpu.memref_slice %arg7[%dma_start3A_812] : memref<15360xf32, #tpu.memory_space<vmem>> -> memref<6944xf32, #tpu.memory_space<vmem>>
      %dma_start3A_814 = tpu.memref_slice %arg9[%add3A_811] : memref<1000000xf32, #tpu.memory_space<vmem_shared>> -> memref<6944xf32, #tpu.memory_space<vmem_shared>>
      %dma_start3A_815 = tpu.memref_slice %arg9[%add3A_811] : memref<1000000xf32, #tpu.memory_space<vmem_shared>> -> memref<6944xf32, #tpu.memory_space<vmem_shared>>
      %dma_start3A_816 = arith.constant 0 : i32
      %dma_start3A_817 = tpu.memref_slice %arg7[%dma_start3A_816] : memref<15360xf32, #tpu.memory_space<vmem>> -> memref<6944xf32, #tpu.memory_space<vmem>>
      tpu.enqueue_dma source(%dma_start3A_817 : memref<6944xf32, #tpu.memory_space<vmem>>) target(%dma_start3A_815 : memref<6944xf32, #tpu.memory_space<vmem_shared>>) target_semaphore(%arg18 : memref<!tpu.dma_semaphore, #tpu.memory_space<semaphore_mem>>)
      %dma_wait3A_818 = arith.constant 0 : i32
      %dma_wait3A_819 = tpu.memref_slice %arg7[%dma_wait3A_818] : memref<15360xf32, #tpu.memory_space<vmem>> -> memref<6944xf32, #tpu.memory_space<vmem>>
      %dma_wait3A_820 = tpu.memref_slice %arg9[%add3A_811] : memref<1000000xf32, #tpu.memory_space<vmem_shared>> -> memref<6944xf32, #tpu.memory_space<vmem_shared>>
      %dma_wait3A_821 = tpu.memref_slice %arg9[%add3A_811] : memref<1000000xf32, #tpu.memory_space<vmem_shared>> -> memref<6944xf32, #tpu.memory_space<vmem_shared>>
      %dma_wait3A_822 = arith.constant 0 : i32
      %dma_wait3A_823 = tpu.memref_slice %arg7[%dma_wait3A_822] : memref<15360xf32, #tpu.memory_space<vmem>> -> memref<6944xf32, #tpu.memory_space<vmem>>
      tpu.wait_dma2 semaphore(%arg18 : memref<!tpu.dma_semaphore, #tpu.memory_space<semaphore_mem>>) src(%dma_wait3A_823 : memref<6944xf32, #tpu.memory_space<vmem>>) dst(%dma_wait3A_821 : memref<6944xf32, #tpu.memory_space<vmem_shared>>)
      %add3A_824 = arith.constant 41664 : i32
      %add3A_825 = arith.addi %mul3A_9, %add3A_824 : i32
      %dma_start3A_826 = arith.constant 0 : i32
      %dma_start3A_827 = tpu.memref_slice %arg7[%dma_start3A_826] : memref<15360xf32, #tpu.memory_space<vmem>> -> memref<6944xf32, #tpu.memory_space<vmem>>
      %dma_start3A_828 = tpu.memref_slice %arg2[%add3A_825] : memref<1000000xf32, #tpu.memory_space<hbm>> -> memref<6944xf32, #tpu.memory_space<hbm>>
      %dma_start3A_829 = arith.constant 0 : i32
      %dma_start3A_830 = tpu.memref_slice %arg7[%dma_start3A_829] : memref<15360xf32, #tpu.memory_space<vmem>> -> memref<6944xf32, #tpu.memory_space<vmem>>
      %dma_start3A_831 = tpu.memref_slice %arg2[%add3A_825] : memref<1000000xf32, #tpu.memory_space<hbm>> -> memref<6944xf32, #tpu.memory_space<hbm>>
      tpu.enqueue_dma source(%dma_start3A_831 : memref<6944xf32, #tpu.memory_space<hbm>>) target(%dma_start3A_830 : memref<6944xf32, #tpu.memory_space<vmem>>) target_semaphore(%arg12 : memref<!tpu.dma_semaphore, #tpu.memory_space<semaphore_mem>>)
      %dma_wait3A_832 = arith.constant 7680 : i32
      %dma_wait3A_833 = tpu.memref_slice %arg7[%dma_wait3A_832] : memref<15360xf32, #tpu.memory_space<vmem>> -> memref<6944xf32, #tpu.memory_space<vmem>>
      %dma_wait3A_834 = tpu.memref_slice %arg2[%add3A_797] : memref<1000000xf32, #tpu.memory_space<hbm>> -> memref<6944xf32, #tpu.memory_space<hbm>>
      %dma_wait3A_835 = arith.constant 7680 : i32
      %dma_wait3A_836 = tpu.memref_slice %arg7[%dma_wait3A_835] : memref<15360xf32, #tpu.memory_space<vmem>> -> memref<6944xf32, #tpu.memory_space<vmem>>
      %dma_wait3A_837 = tpu.memref_slice %arg2[%add3A_797] : memref<1000000xf32, #tpu.memory_space<hbm>> -> memref<6944xf32, #tpu.memory_space<hbm>>
      tpu.wait_dma2 semaphore(%arg13 : memref<!tpu.dma_semaphore, #tpu.memory_space<semaphore_mem>>) src(%dma_wait3A_837 : memref<6944xf32, #tpu.memory_space<hbm>>) dst(%dma_wait3A_836 : memref<6944xf32, #tpu.memory_space<vmem>>)
      %add3A_838 = arith.constant 34720 : i32
      %add3A_839 = arith.addi %mul3A_9, %add3A_838 : i32
      %dma_start3A_840 = arith.constant 7680 : i32
      %dma_start3A_841 = tpu.memref_slice %arg7[%dma_start3A_840] : memref<15360xf32, #tpu.memory_space<vmem>> -> memref<6944xf32, #tpu.memory_space<vmem>>
      %dma_start3A_842 = tpu.memref_slice %arg9[%add3A_839] : memref<1000000xf32, #tpu.memory_space<vmem_shared>> -> memref<6944xf32, #tpu.memory_space<vmem_shared>>
      %dma_start3A_843 = tpu.memref_slice %arg9[%add3A_839] : memref<1000000xf32, #tpu.memory_space<vmem_shared>> -> memref<6944xf32, #tpu.memory_space<vmem_shared>>
      %dma_start3A_844 = arith.constant 7680 : i32
      %dma_start3A_845 = tpu.memref_slice %arg7[%dma_start3A_844] : memref<15360xf32, #tpu.memory_space<vmem>> -> memref<6944xf32, #tpu.memory_space<vmem>>
      tpu.enqueue_dma source(%dma_start3A_845 : memref<6944xf32, #tpu.memory_space<vmem>>) target(%dma_start3A_843 : memref<6944xf32, #tpu.memory_space<vmem_shared>>) target_semaphore(%arg19 : memref<!tpu.dma_semaphore, #tpu.memory_space<semaphore_mem>>)
      %dma_wait3A_846 = arith.constant 7680 : i32
      %dma_wait3A_847 = tpu.memref_slice %arg7[%dma_wait3A_846] : memref<15360xf32, #tpu.memory_space<vmem>> -> memref<6944xf32, #tpu.memory_space<vmem>>
      %dma_wait3A_848 = tpu.memref_slice %arg9[%add3A_839] : memref<1000000xf32, #tpu.memory_space<vmem_shared>> -> memref<6944xf32, #tpu.memory_space<vmem_shared>>
      %dma_wait3A_849 = tpu.memref_slice %arg9[%add3A_839] : memref<1000000xf32, #tpu.memory_space<vmem_shared>> -> memref<6944xf32, #tpu.memory_space<vmem_shared>>
      %dma_wait3A_850 = arith.constant 7680 : i32
      %dma_wait3A_851 = tpu.memref_slice %arg7[%dma_wait3A_850] : memref<15360xf32, #tpu.memory_space<vmem>> -> memref<6944xf32, #tpu.memory_space<vmem>>
      tpu.wait_dma2 semaphore(%arg19 : memref<!tpu.dma_semaphore, #tpu.memory_space<semaphore_mem>>) src(%dma_wait3A_851 : memref<6944xf32, #tpu.memory_space<vmem>>) dst(%dma_wait3A_849 : memref<6944xf32, #tpu.memory_space<vmem_shared>>)
      %add3A_852 = arith.constant 48608 : i32
      %add3A_853 = arith.addi %mul3A_9, %add3A_852 : i32
      %dma_start3A_854 = arith.constant 7680 : i32
      %dma_start3A_855 = tpu.memref_slice %arg7[%dma_start3A_854] : memref<15360xf32, #tpu.memory_space<vmem>> -> memref<6944xf32, #tpu.memory_space<vmem>>
      %dma_start3A_856 = tpu.memref_slice %arg2[%add3A_853] : memref<1000000xf32, #tpu.memory_space<hbm>> -> memref<6944xf32, #tpu.memory_space<hbm>>
      %dma_start3A_857 = arith.constant 7680 : i32
      %dma_start3A_858 = tpu.memref_slice %arg7[%dma_start3A_857] : memref<15360xf32, #tpu.memory_space<vmem>> -> memref<6944xf32, #tpu.memory_space<vmem>>
      %dma_start3A_859 = tpu.memref_slice %arg2[%add3A_853] : memref<1000000xf32, #tpu.memory_space<hbm>> -> memref<6944xf32, #tpu.memory_space<hbm>>
      tpu.enqueue_dma source(%dma_start3A_859 : memref<6944xf32, #tpu.memory_space<hbm>>) target(%dma_start3A_858 : memref<6944xf32, #tpu.memory_space<vmem>>) target_semaphore(%arg13 : memref<!tpu.dma_semaphore, #tpu.memory_space<semaphore_mem>>)
      %dma_wait3A_860 = arith.constant 0 : i32
      %dma_wait3A_861 = tpu.memref_slice %arg7[%dma_wait3A_860] : memref<15360xf32, #tpu.memory_space<vmem>> -> memref<6944xf32, #tpu.memory_space<vmem>>
      %dma_wait3A_862 = tpu.memref_slice %arg2[%add3A_825] : memref<1000000xf32, #tpu.memory_space<hbm>> -> memref<6944xf32, #tpu.memory_space<hbm>>
      %dma_wait3A_863 = arith.constant 0 : i32
      %dma_wait3A_864 = tpu.memref_slice %arg7[%dma_wait3A_863] : memref<15360xf32, #tpu.memory_space<vmem>> -> memref<6944xf32, #tpu.memory_space<vmem>>
      %dma_wait3A_865 = tpu.memref_slice %arg2[%add3A_825] : memref<1000000xf32, #tpu.memory_space<hbm>> -> memref<6944xf32, #tpu.memory_space<hbm>>
      tpu.wait_dma2 semaphore(%arg12 : memref<!tpu.dma_semaphore, #tpu.memory_space<semaphore_mem>>) src(%dma_wait3A_865 : memref<6944xf32, #tpu.memory_space<hbm>>) dst(%dma_wait3A_864 : memref<6944xf32, #tpu.memory_space<vmem>>)
      %add3A_866 = arith.constant 41664 : i32
      %add3A_867 = arith.addi %mul3A_9, %add3A_866 : i32
      %dma_start3A_868 = arith.constant 0 : i32
      %dma_start3A_869 = tpu.memref_slice %arg7[%dma_start3A_868] : memref<15360xf32, #tpu.memory_space<vmem>> -> memref<6944xf32, #tpu.memory_space<vmem>>
      %dma_start3A_870 = tpu.memref_slice %arg9[%add3A_867] : memref<1000000xf32, #tpu.memory_space<vmem_shared>> -> memref<6944xf32, #tpu.memory_space<vmem_shared>>
      %dma_start3A_871 = tpu.memref_slice %arg9[%add3A_867] : memref<1000000xf32, #tpu.memory_space<vmem_shared>> -> memref<6944xf32, #tpu.memory_space<vmem_shared>>
      %dma_start3A_872 = arith.constant 0 : i32
      %dma_start3A_873 = tpu.memref_slice %arg7[%dma_start3A_872] : memref<15360xf32, #tpu.memory_space<vmem>> -> memref<6944xf32, #tpu.memory_space<vmem>>
      tpu.enqueue_dma source(%dma_start3A_873 : memref<6944xf32, #tpu.memory_space<vmem>>) target(%dma_start3A_871 : memref<6944xf32, #tpu.memory_space<vmem_shared>>) target_semaphore(%arg18 : memref<!tpu.dma_semaphore, #tpu.memory_space<semaphore_mem>>)
      %dma_wait3A_874 = arith.constant 0 : i32
      %dma_wait3A_875 = tpu.memref_slice %arg7[%dma_wait3A_874] : memref<15360xf32, #tpu.memory_space<vmem>> -> memref<6944xf32, #tpu.memory_space<vmem>>
      %dma_wait3A_876 = tpu.memref_slice %arg9[%add3A_867] : memref<1000000xf32, #tpu.memory_space<vmem_shared>> -> memref<6944xf32, #tpu.memory_space<vmem_shared>>
      %dma_wait3A_877 = tpu.memref_slice %arg9[%add3A_867] : memref<1000000xf32, #tpu.memory_space<vmem_shared>> -> memref<6944xf32, #tpu.memory_space<vmem_shared>>
      %dma_wait3A_878 = arith.constant 0 : i32
      %dma_wait3A_879 = tpu.memref_slice %arg7[%dma_wait3A_878] : memref<15360xf32, #tpu.memory_space<vmem>> -> memref<6944xf32, #tpu.memory_space<vmem>>
      tpu.wait_dma2 semaphore(%arg18 : memref<!tpu.dma_semaphore, #tpu.memory_space<semaphore_mem>>) src(%dma_wait3A_879 : memref<6944xf32, #tpu.memory_space<vmem>>) dst(%dma_wait3A_877 : memref<6944xf32, #tpu.memory_space<vmem_shared>>)
      %add3A_880 = arith.constant 55552 : i32
      %add3A_881 = arith.addi %mul3A_9, %add3A_880 : i32
      %dma_start3A_882 = arith.constant 0 : i32
      %dma_start3A_883 = tpu.memref_slice %arg7[%dma_start3A_882] : memref<15360xf32, #tpu.memory_space<vmem>> -> memref<6944xf32, #tpu.memory_space<vmem>>
      %dma_start3A_884 = tpu.memref_slice %arg2[%add3A_881] : memref<1000000xf32, #tpu.memory_space<hbm>> -> memref<6944xf32, #tpu.memory_space<hbm>>
      %dma_start3A_885 = arith.constant 0 : i32
      %dma_start3A_886 = tpu.memref_slice %arg7[%dma_start3A_885] : memref<15360xf32, #tpu.memory_space<vmem>> -> memref<6944xf32, #tpu.memory_space<vmem>>
      %dma_start3A_887 = tpu.memref_slice %arg2[%add3A_881] : memref<1000000xf32, #tpu.memory_space<hbm>> -> memref<6944xf32, #tpu.memory_space<hbm>>
      tpu.enqueue_dma source(%dma_start3A_887 : memref<6944xf32, #tpu.memory_space<hbm>>) target(%dma_start3A_886 : memref<6944xf32, #tpu.memory_space<vmem>>) target_semaphore(%arg12 : memref<!tpu.dma_semaphore, #tpu.memory_space<semaphore_mem>>)
      %dma_wait3A_888 = arith.constant 7680 : i32
      %dma_wait3A_889 = tpu.memref_slice %arg7[%dma_wait3A_888] : memref<15360xf32, #tpu.memory_space<vmem>> -> memref<6944xf32, #tpu.memory_space<vmem>>
      %dma_wait3A_890 = tpu.memref_slice %arg2[%add3A_853] : memref<1000000xf32, #tpu.memory_space<hbm>> -> memref<6944xf32, #tpu.memory_space<hbm>>
      %dma_wait3A_891 = arith.constant 7680 : i32
      %dma_wait3A_892 = tpu.memref_slice %arg7[%dma_wait3A_891] : memref<15360xf32, #tpu.memory_space<vmem>> -> memref<6944xf32, #tpu.memory_space<vmem>>
      %dma_wait3A_893 = tpu.memref_slice %arg2[%add3A_853] : memref<1000000xf32, #tpu.memory_space<hbm>> -> memref<6944xf32, #tpu.memory_space<hbm>>
      tpu.wait_dma2 semaphore(%arg13 : memref<!tpu.dma_semaphore, #tpu.memory_space<semaphore_mem>>) src(%dma_wait3A_893 : memref<6944xf32, #tpu.memory_space<hbm>>) dst(%dma_wait3A_892 : memref<6944xf32, #tpu.memory_space<vmem>>)
      %add3A_894 = arith.constant 48608 : i32
      %add3A_895 = arith.addi %mul3A_9, %add3A_894 : i32
      %dma_start3A_896 = arith.constant 7680 : i32
      %dma_start3A_897 = tpu.memref_slice %arg7[%dma_start3A_896] : memref<15360xf32, #tpu.memory_space<vmem>> -> memref<6944xf32, #tpu.memory_space<vmem>>
      %dma_start3A_898 = tpu.memref_slice %arg9[%add3A_895] : memref<1000000xf32, #tpu.memory_space<vmem_shared>> -> memref<6944xf32, #tpu.memory_space<vmem_shared>>
      %dma_start3A_899 = tpu.memref_slice %arg9[%add3A_895] : memref<1000000xf32, #tpu.memory_space<vmem_shared>> -> memref<6944xf32, #tpu.memory_space<vmem_shared>>
      %dma_start3A_900 = arith.constant 7680 : i32
      %dma_start3A_901 = tpu.memref_slice %arg7[%dma_start3A_900] : memref<15360xf32, #tpu.memory_space<vmem>> -> memref<6944xf32, #tpu.memory_space<vmem>>
      tpu.enqueue_dma source(%dma_start3A_901 : memref<6944xf32, #tpu.memory_space<vmem>>) target(%dma_start3A_899 : memref<6944xf32, #tpu.memory_space<vmem_shared>>) target_semaphore(%arg19 : memref<!tpu.dma_semaphore, #tpu.memory_space<semaphore_mem>>)
      %dma_wait3A_902 = arith.constant 0 : i32
      %dma_wait3A_903 = tpu.memref_slice %arg7[%dma_wait3A_902] : memref<15360xf32, #tpu.memory_space<vmem>> -> memref<6944xf32, #tpu.memory_space<vmem>>
      %dma_wait3A_904 = tpu.memref_slice %arg2[%add3A_881] : memref<1000000xf32, #tpu.memory_space<hbm>> -> memref<6944xf32, #tpu.memory_space<hbm>>
      %dma_wait3A_905 = arith.constant 0 : i32
      %dma_wait3A_906 = tpu.memref_slice %arg7[%dma_wait3A_905] : memref<15360xf32, #tpu.memory_space<vmem>> -> memref<6944xf32, #tpu.memory_space<vmem>>
      %dma_wait3A_907 = tpu.memref_slice %arg2[%add3A_881] : memref<1000000xf32, #tpu.memory_space<hbm>> -> memref<6944xf32, #tpu.memory_space<hbm>>
      tpu.wait_dma2 semaphore(%arg12 : memref<!tpu.dma_semaphore, #tpu.memory_space<semaphore_mem>>) src(%dma_wait3A_907 : memref<6944xf32, #tpu.memory_space<hbm>>) dst(%dma_wait3A_906 : memref<6944xf32, #tpu.memory_space<vmem>>)
      %dma_wait3A_908 = arith.constant 7680 : i32
      %dma_wait3A_909 = tpu.memref_slice %arg7[%dma_wait3A_908] : memref<15360xf32, #tpu.memory_space<vmem>> -> memref<6944xf32, #tpu.memory_space<vmem>>
      %dma_wait3A_910 = tpu.memref_slice %arg9[%add3A_895] : memref<1000000xf32, #tpu.memory_space<vmem_shared>> -> memref<6944xf32, #tpu.memory_space<vmem_shared>>
      %dma_wait3A_911 = tpu.memref_slice %arg9[%add3A_895] : memref<1000000xf32, #tpu.memory_space<vmem_shared>> -> memref<6944xf32, #tpu.memory_space<vmem_shared>>
      %dma_wait3A_912 = arith.constant 7680 : i32
      %dma_wait3A_913 = tpu.memref_slice %arg7[%dma_wait3A_912] : memref<15360xf32, #tpu.memory_space<vmem>> -> memref<6944xf32, #tpu.memory_space<vmem>>
      tpu.wait_dma2 semaphore(%arg19 : memref<!tpu.dma_semaphore, #tpu.memory_space<semaphore_mem>>) src(%dma_wait3A_913 : memref<6944xf32, #tpu.memory_space<vmem>>) dst(%dma_wait3A_911 : memref<6944xf32, #tpu.memory_space<vmem_shared>>)
      %add3A_914 = arith.constant 55552 : i32
      %add3A_915 = arith.addi %mul3A_9, %add3A_914 : i32
      %dma_start3A_916 = arith.constant 0 : i32
      %dma_start3A_917 = tpu.memref_slice %arg7[%dma_start3A_916] : memref<15360xf32, #tpu.memory_space<vmem>> -> memref<6944xf32, #tpu.memory_space<vmem>>
      %dma_start3A_918 = tpu.memref_slice %arg9[%add3A_915] : memref<1000000xf32, #tpu.memory_space<vmem_shared>> -> memref<6944xf32, #tpu.memory_space<vmem_shared>>
      %dma_start3A_919 = tpu.memref_slice %arg9[%add3A_915] : memref<1000000xf32, #tpu.memory_space<vmem_shared>> -> memref<6944xf32, #tpu.memory_space<vmem_shared>>
      %dma_start3A_920 = arith.constant 0 : i32
      %dma_start3A_921 = tpu.memref_slice %arg7[%dma_start3A_920] : memref<15360xf32, #tpu.memory_space<vmem>> -> memref<6944xf32, #tpu.memory_space<vmem>>
      tpu.enqueue_dma source(%dma_start3A_921 : memref<6944xf32, #tpu.memory_space<vmem>>) target(%dma_start3A_919 : memref<6944xf32, #tpu.memory_space<vmem_shared>>) target_semaphore(%arg11 : memref<!tpu.dma_semaphore, #tpu.memory_space<semaphore_mem>>)
      %dma_wait3A_922 = arith.constant 0 : i32
      %dma_wait3A_923 = tpu.memref_slice %arg7[%dma_wait3A_922] : memref<15360xf32, #tpu.memory_space<vmem>> -> memref<6944xf32, #tpu.memory_space<vmem>>
      %dma_wait3A_924 = tpu.memref_slice %arg9[%add3A_915] : memref<1000000xf32, #tpu.memory_space<vmem_shared>> -> memref<6944xf32, #tpu.memory_space<vmem_shared>>
      %dma_wait3A_925 = tpu.memref_slice %arg9[%add3A_915] : memref<1000000xf32, #tpu.memory_space<vmem_shared>> -> memref<6944xf32, #tpu.memory_space<vmem_shared>>
      %dma_wait3A_926 = arith.constant 0 : i32
      %dma_wait3A_927 = tpu.memref_slice %arg7[%dma_wait3A_926] : memref<15360xf32, #tpu.memory_space<vmem>> -> memref<6944xf32, #tpu.memory_space<vmem>>
      tpu.wait_dma2 semaphore(%arg11 : memref<!tpu.dma_semaphore, #tpu.memory_space<semaphore_mem>>) src(%dma_wait3A_927 : memref<6944xf32, #tpu.memory_space<vmem>>) dst(%dma_wait3A_925 : memref<6944xf32, #tpu.memory_space<vmem_shared>>)
    } else {
    }
    %eq3A = arith.constant 15 : i32
    %eq3A_12 = arith.cmpi eq, %arg1, %eq3A : i32
    %convert_element_type3A_13 = arith.extui %eq3A_12 : i1 to i32
    %cond3A_14 = arith.constant 0 : i32
    %cond3A_15 = arith.cmpi ne, %convert_element_type3A_13, %cond3A_14 : i32
    scf.if %cond3A_15 {
      %add3A_676 = arith.constant 0 : i32
      %add3A_677 = arith.addi %mul3A_9, %add3A_676 : i32
      %dma_start3A_678 = arith.constant 0 : i32
      %dma_start3A_679 = tpu.memref_slice %arg7[%dma_start3A_678] : memref<15360xf32, #tpu.memory_space<vmem>> -> memref<6256xf32, #tpu.memory_space<vmem>>
      %dma_start3A_680 = tpu.memref_slice %arg2[%add3A_677] : memref<1000000xf32, #tpu.memory_space<hbm>> -> memref<6256xf32, #tpu.memory_space<hbm>>
      %dma_start3A_681 = arith.constant 0 : i32
      %dma_start3A_682 = tpu.memref_slice %arg7[%dma_start3A_681] : memref<15360xf32, #tpu.memory_space<vmem>> -> memref<6256xf32, #tpu.memory_space<vmem>>
      %dma_start3A_683 = tpu.memref_slice %arg2[%add3A_677] : memref<1000000xf32, #tpu.memory_space<hbm>> -> memref<6256xf32, #tpu.memory_space<hbm>>
      tpu.enqueue_dma source(%dma_start3A_683 : memref<6256xf32, #tpu.memory_space<hbm>>) target(%dma_start3A_682 : memref<6256xf32, #tpu.memory_space<vmem>>) target_semaphore(%arg12 : memref<!tpu.dma_semaphore, #tpu.memory_space<semaphore_mem>>)
      %add3A_684 = arith.constant 6256 : i32
      %add3A_685 = arith.addi %mul3A_9, %add3A_684 : i32
      %dma_start3A_686 = arith.constant 7680 : i32
      %dma_start3A_687 = tpu.memref_slice %arg7[%dma_start3A_686] : memref<15360xf32, #tpu.memory_space<vmem>> -> memref<6256xf32, #tpu.memory_space<vmem>>
      %dma_start3A_688 = tpu.memref_slice %arg2[%add3A_685] : memref<1000000xf32, #tpu.memory_space<hbm>> -> memref<6256xf32, #tpu.memory_space<hbm>>
      %dma_start3A_689 = arith.constant 7680 : i32
      %dma_start3A_690 = tpu.memref_slice %arg7[%dma_start3A_689] : memref<15360xf32, #tpu.memory_space<vmem>> -> memref<6256xf32, #tpu.memory_space<vmem>>
      %dma_start3A_691 = tpu.memref_slice %arg2[%add3A_685] : memref<1000000xf32, #tpu.memory_space<hbm>> -> memref<6256xf32, #tpu.memory_space<hbm>>
      tpu.enqueue_dma source(%dma_start3A_691 : memref<6256xf32, #tpu.memory_space<hbm>>) target(%dma_start3A_690 : memref<6256xf32, #tpu.memory_space<vmem>>) target_semaphore(%arg13 : memref<!tpu.dma_semaphore, #tpu.memory_space<semaphore_mem>>)
      %dma_wait3A_692 = arith.constant 0 : i32
      %dma_wait3A_693 = tpu.memref_slice %arg7[%dma_wait3A_692] : memref<15360xf32, #tpu.memory_space<vmem>> -> memref<6256xf32, #tpu.memory_space<vmem>>
      %dma_wait3A_694 = tpu.memref_slice %arg2[%add3A_677] : memref<1000000xf32, #tpu.memory_space<hbm>> -> memref<6256xf32, #tpu.memory_space<hbm>>
      %dma_wait3A_695 = arith.constant 0 : i32
      %dma_wait3A_696 = tpu.memref_slice %arg7[%dma_wait3A_695] : memref<15360xf32, #tpu.memory_space<vmem>> -> memref<6256xf32, #tpu.memory_space<vmem>>
      %dma_wait3A_697 = tpu.memref_slice %arg2[%add3A_677] : memref<1000000xf32, #tpu.memory_space<hbm>> -> memref<6256xf32, #tpu.memory_space<hbm>>
      tpu.wait_dma2 semaphore(%arg12 : memref<!tpu.dma_semaphore, #tpu.memory_space<semaphore_mem>>) src(%dma_wait3A_697 : memref<6256xf32, #tpu.memory_space<hbm>>) dst(%dma_wait3A_696 : memref<6256xf32, #tpu.memory_space<vmem>>)
      %add3A_698 = arith.constant 0 : i32
      %add3A_699 = arith.addi %mul3A_9, %add3A_698 : i32
      %dma_start3A_700 = arith.constant 0 : i32
      %dma_start3A_701 = tpu.memref_slice %arg7[%dma_start3A_700] : memref<15360xf32, #tpu.memory_space<vmem>> -> memref<6256xf32, #tpu.memory_space<vmem>>
      %dma_start3A_702 = tpu.memref_slice %arg9[%add3A_699] : memref<1000000xf32, #tpu.memory_space<vmem_shared>> -> memref<6256xf32, #tpu.memory_space<vmem_shared>>
      %dma_start3A_703 = tpu.memref_slice %arg9[%add3A_699] : memref<1000000xf32, #tpu.memory_space<vmem_shared>> -> memref<6256xf32, #tpu.memory_space<vmem_shared>>
      %dma_start3A_704 = arith.constant 0 : i32
      %dma_start3A_705 = tpu.memref_slice %arg7[%dma_start3A_704] : memref<15360xf32, #tpu.memory_space<vmem>> -> memref<6256xf32, #tpu.memory_space<vmem>>
      tpu.enqueue_dma source(%dma_start3A_705 : memref<6256xf32, #tpu.memory_space<vmem>>) target(%dma_start3A_703 : memref<6256xf32, #tpu.memory_space<vmem_shared>>) target_semaphore(%arg18 : memref<!tpu.dma_semaphore, #tpu.memory_space<semaphore_mem>>)
      %dma_wait3A_706 = arith.constant 0 : i32
      %dma_wait3A_707 = tpu.memref_slice %arg7[%dma_wait3A_706] : memref<15360xf32, #tpu.memory_space<vmem>> -> memref<6256xf32, #tpu.memory_space<vmem>>
      %dma_wait3A_708 = tpu.memref_slice %arg9[%add3A_699] : memref<1000000xf32, #tpu.memory_space<vmem_shared>> -> memref<6256xf32, #tpu.memory_space<vmem_shared>>
      %dma_wait3A_709 = tpu.memref_slice %arg9[%add3A_699] : memref<1000000xf32, #tpu.memory_space<vmem_shared>> -> memref<6256xf32, #tpu.memory_space<vmem_shared>>
      %dma_wait3A_710 = arith.constant 0 : i32
      %dma_wait3A_711 = tpu.memref_slice %arg7[%dma_wait3A_710] : memref<15360xf32, #tpu.memory_space<vmem>> -> memref<6256xf32, #tpu.memory_space<vmem>>
      tpu.wait_dma2 semaphore(%arg18 : memref<!tpu.dma_semaphore, #tpu.memory_space<semaphore_mem>>) src(%dma_wait3A_711 : memref<6256xf32, #tpu.memory_space<vmem>>) dst(%dma_wait3A_709 : memref<6256xf32, #tpu.memory_space<vmem_shared>>)
      %add3A_712 = arith.constant 12512 : i32
      %add3A_713 = arith.addi %mul3A_9, %add3A_712 : i32
      %dma_start3A_714 = arith.constant 0 : i32
      %dma_start3A_715 = tpu.memref_slice %arg7[%dma_start3A_714] : memref<15360xf32, #tpu.memory_space<vmem>> -> memref<6256xf32, #tpu.memory_space<vmem>>
      %dma_start3A_716 = tpu.memref_slice %arg2[%add3A_713] : memref<1000000xf32, #tpu.memory_space<hbm>> -> memref<6256xf32, #tpu.memory_space<hbm>>
      %dma_start3A_717 = arith.constant 0 : i32
      %dma_start3A_718 = tpu.memref_slice %arg7[%dma_start3A_717] : memref<15360xf32, #tpu.memory_space<vmem>> -> memref<6256xf32, #tpu.memory_space<vmem>>
      %dma_start3A_719 = tpu.memref_slice %arg2[%add3A_713] : memref<1000000xf32, #tpu.memory_space<hbm>> -> memref<6256xf32, #tpu.memory_space<hbm>>
      tpu.enqueue_dma source(%dma_start3A_719 : memref<6256xf32, #tpu.memory_space<hbm>>) target(%dma_start3A_718 : memref<6256xf32, #tpu.memory_space<vmem>>) target_semaphore(%arg12 : memref<!tpu.dma_semaphore, #tpu.memory_space<semaphore_mem>>)
      %dma_wait3A_720 = arith.constant 7680 : i32
      %dma_wait3A_721 = tpu.memref_slice %arg7[%dma_wait3A_720] : memref<15360xf32, #tpu.memory_space<vmem>> -> memref<6256xf32, #tpu.memory_space<vmem>>
      %dma_wait3A_722 = tpu.memref_slice %arg2[%add3A_685] : memref<1000000xf32, #tpu.memory_space<hbm>> -> memref<6256xf32, #tpu.memory_space<hbm>>
      %dma_wait3A_723 = arith.constant 7680 : i32
      %dma_wait3A_724 = tpu.memref_slice %arg7[%dma_wait3A_723] : memref<15360xf32, #tpu.memory_space<vmem>> -> memref<6256xf32, #tpu.memory_space<vmem>>
      %dma_wait3A_725 = tpu.memref_slice %arg2[%add3A_685] : memref<1000000xf32, #tpu.memory_space<hbm>> -> memref<6256xf32, #tpu.memory_space<hbm>>
      tpu.wait_dma2 semaphore(%arg13 : memref<!tpu.dma_semaphore, #tpu.memory_space<semaphore_mem>>) src(%dma_wait3A_725 : memref<6256xf32, #tpu.memory_space<hbm>>) dst(%dma_wait3A_724 : memref<6256xf32, #tpu.memory_space<vmem>>)
      %add3A_726 = arith.constant 6256 : i32
      %add3A_727 = arith.addi %mul3A_9, %add3A_726 : i32
      %dma_start3A_728 = arith.constant 7680 : i32
      %dma_start3A_729 = tpu.memref_slice %arg7[%dma_start3A_728] : memref<15360xf32, #tpu.memory_space<vmem>> -> memref<6256xf32, #tpu.memory_space<vmem>>
      %dma_start3A_730 = tpu.memref_slice %arg9[%add3A_727] : memref<1000000xf32, #tpu.memory_space<vmem_shared>> -> memref<6256xf32, #tpu.memory_space<vmem_shared>>
      %dma_start3A_731 = tpu.memref_slice %arg9[%add3A_727] : memref<1000000xf32, #tpu.memory_space<vmem_shared>> -> memref<6256xf32, #tpu.memory_space<vmem_shared>>
      %dma_start3A_732 = arith.constant 7680 : i32
      %dma_start3A_733 = tpu.memref_slice %arg7[%dma_start3A_732] : memref<15360xf32, #tpu.memory_space<vmem>> -> memref<6256xf32, #tpu.memory_space<vmem>>
      tpu.enqueue_dma source(%dma_start3A_733 : memref<6256xf32, #tpu.memory_space<vmem>>) target(%dma_start3A_731 : memref<6256xf32, #tpu.memory_space<vmem_shared>>) target_semaphore(%arg19 : memref<!tpu.dma_semaphore, #tpu.memory_space<semaphore_mem>>)
      %dma_wait3A_734 = arith.constant 7680 : i32
      %dma_wait3A_735 = tpu.memref_slice %arg7[%dma_wait3A_734] : memref<15360xf32, #tpu.memory_space<vmem>> -> memref<6256xf32, #tpu.memory_space<vmem>>
      %dma_wait3A_736 = tpu.memref_slice %arg9[%add3A_727] : memref<1000000xf32, #tpu.memory_space<vmem_shared>> -> memref<6256xf32, #tpu.memory_space<vmem_shared>>
      %dma_wait3A_737 = tpu.memref_slice %arg9[%add3A_727] : memref<1000000xf32, #tpu.memory_space<vmem_shared>> -> memref<6256xf32, #tpu.memory_space<vmem_shared>>
      %dma_wait3A_738 = arith.constant 7680 : i32
      %dma_wait3A_739 = tpu.memref_slice %arg7[%dma_wait3A_738] : memref<15360xf32, #tpu.memory_space<vmem>> -> memref<6256xf32, #tpu.memory_space<vmem>>
      tpu.wait_dma2 semaphore(%arg19 : memref<!tpu.dma_semaphore, #tpu.memory_space<semaphore_mem>>) src(%dma_wait3A_739 : memref<6256xf32, #tpu.memory_space<vmem>>) dst(%dma_wait3A_737 : memref<6256xf32, #tpu.memory_space<vmem_shared>>)
      %add3A_740 = arith.constant 18768 : i32
      %add3A_741 = arith.addi %mul3A_9, %add3A_740 : i32
      %dma_start3A_742 = arith.constant 7680 : i32
      %dma_start3A_743 = tpu.memref_slice %arg7[%dma_start3A_742] : memref<15360xf32, #tpu.memory_space<vmem>> -> memref<6256xf32, #tpu.memory_space<vmem>>
      %dma_start3A_744 = tpu.memref_slice %arg2[%add3A_741] : memref<1000000xf32, #tpu.memory_space<hbm>> -> memref<6256xf32, #tpu.memory_space<hbm>>
      %dma_start3A_745 = arith.constant 7680 : i32
      %dma_start3A_746 = tpu.memref_slice %arg7[%dma_start3A_745] : memref<15360xf32, #tpu.memory_space<vmem>> -> memref<6256xf32, #tpu.memory_space<vmem>>
      %dma_start3A_747 = tpu.memref_slice %arg2[%add3A_741] : memref<1000000xf32, #tpu.memory_space<hbm>> -> memref<6256xf32, #tpu.memory_space<hbm>>
      tpu.enqueue_dma source(%dma_start3A_747 : memref<6256xf32, #tpu.memory_space<hbm>>) target(%dma_start3A_746 : memref<6256xf32, #tpu.memory_space<vmem>>) target_semaphore(%arg13 : memref<!tpu.dma_semaphore, #tpu.memory_space<semaphore_mem>>)
      %dma_wait3A_748 = arith.constant 0 : i32
      %dma_wait3A_749 = tpu.memref_slice %arg7[%dma_wait3A_748] : memref<15360xf32, #tpu.memory_space<vmem>> -> memref<6256xf32, #tpu.memory_space<vmem>>
      %dma_wait3A_750 = tpu.memref_slice %arg2[%add3A_713] : memref<1000000xf32, #tpu.memory_space<hbm>> -> memref<6256xf32, #tpu.memory_space<hbm>>
      %dma_wait3A_751 = arith.constant 0 : i32
      %dma_wait3A_752 = tpu.memref_slice %arg7[%dma_wait3A_751] : memref<15360xf32, #tpu.memory_space<vmem>> -> memref<6256xf32, #tpu.memory_space<vmem>>
      %dma_wait3A_753 = tpu.memref_slice %arg2[%add3A_713] : memref<1000000xf32, #tpu.memory_space<hbm>> -> memref<6256xf32, #tpu.memory_space<hbm>>
      tpu.wait_dma2 semaphore(%arg12 : memref<!tpu.dma_semaphore, #tpu.memory_space<semaphore_mem>>) src(%dma_wait3A_753 : memref<6256xf32, #tpu.memory_space<hbm>>) dst(%dma_wait3A_752 : memref<6256xf32, #tpu.memory_space<vmem>>)
      %add3A_754 = arith.constant 12512 : i32
      %add3A_755 = arith.addi %mul3A_9, %add3A_754 : i32
      %dma_start3A_756 = arith.constant 0 : i32
      %dma_start3A_757 = tpu.memref_slice %arg7[%dma_start3A_756] : memref<15360xf32, #tpu.memory_space<vmem>> -> memref<6256xf32, #tpu.memory_space<vmem>>
      %dma_start3A_758 = tpu.memref_slice %arg9[%add3A_755] : memref<1000000xf32, #tpu.memory_space<vmem_shared>> -> memref<6256xf32, #tpu.memory_space<vmem_shared>>
      %dma_start3A_759 = tpu.memref_slice %arg9[%add3A_755] : memref<1000000xf32, #tpu.memory_space<vmem_shared>> -> memref<6256xf32, #tpu.memory_space<vmem_shared>>
      %dma_start3A_760 = arith.constant 0 : i32
      %dma_start3A_761 = tpu.memref_slice %arg7[%dma_start3A_760] : memref<15360xf32, #tpu.memory_space<vmem>> -> memref<6256xf32, #tpu.memory_space<vmem>>
      tpu.enqueue_dma source(%dma_start3A_761 : memref<6256xf32, #tpu.memory_space<vmem>>) target(%dma_start3A_759 : memref<6256xf32, #tpu.memory_space<vmem_shared>>) target_semaphore(%arg18 : memref<!tpu.dma_semaphore, #tpu.memory_space<semaphore_mem>>)
      %dma_wait3A_762 = arith.constant 0 : i32
      %dma_wait3A_763 = tpu.memref_slice %arg7[%dma_wait3A_762] : memref<15360xf32, #tpu.memory_space<vmem>> -> memref<6256xf32, #tpu.memory_space<vmem>>
      %dma_wait3A_764 = tpu.memref_slice %arg9[%add3A_755] : memref<1000000xf32, #tpu.memory_space<vmem_shared>> -> memref<6256xf32, #tpu.memory_space<vmem_shared>>
      %dma_wait3A_765 = tpu.memref_slice %arg9[%add3A_755] : memref<1000000xf32, #tpu.memory_space<vmem_shared>> -> memref<6256xf32, #tpu.memory_space<vmem_shared>>
      %dma_wait3A_766 = arith.constant 0 : i32
      %dma_wait3A_767 = tpu.memref_slice %arg7[%dma_wait3A_766] : memref<15360xf32, #tpu.memory_space<vmem>> -> memref<6256xf32, #tpu.memory_space<vmem>>
      tpu.wait_dma2 semaphore(%arg18 : memref<!tpu.dma_semaphore, #tpu.memory_space<semaphore_mem>>) src(%dma_wait3A_767 : memref<6256xf32, #tpu.memory_space<vmem>>) dst(%dma_wait3A_765 : memref<6256xf32, #tpu.memory_space<vmem_shared>>)
      %add3A_768 = arith.constant 25024 : i32
      %add3A_769 = arith.addi %mul3A_9, %add3A_768 : i32
      %dma_start3A_770 = arith.constant 0 : i32
      %dma_start3A_771 = tpu.memref_slice %arg7[%dma_start3A_770] : memref<15360xf32, #tpu.memory_space<vmem>> -> memref<6256xf32, #tpu.memory_space<vmem>>
      %dma_start3A_772 = tpu.memref_slice %arg2[%add3A_769] : memref<1000000xf32, #tpu.memory_space<hbm>> -> memref<6256xf32, #tpu.memory_space<hbm>>
      %dma_start3A_773 = arith.constant 0 : i32
      %dma_start3A_774 = tpu.memref_slice %arg7[%dma_start3A_773] : memref<15360xf32, #tpu.memory_space<vmem>> -> memref<6256xf32, #tpu.memory_space<vmem>>
      %dma_start3A_775 = tpu.memref_slice %arg2[%add3A_769] : memref<1000000xf32, #tpu.memory_space<hbm>> -> memref<6256xf32, #tpu.memory_space<hbm>>
      tpu.enqueue_dma source(%dma_start3A_775 : memref<6256xf32, #tpu.memory_space<hbm>>) target(%dma_start3A_774 : memref<6256xf32, #tpu.memory_space<vmem>>) target_semaphore(%arg12 : memref<!tpu.dma_semaphore, #tpu.memory_space<semaphore_mem>>)
      %dma_wait3A_776 = arith.constant 7680 : i32
      %dma_wait3A_777 = tpu.memref_slice %arg7[%dma_wait3A_776] : memref<15360xf32, #tpu.memory_space<vmem>> -> memref<6256xf32, #tpu.memory_space<vmem>>
      %dma_wait3A_778 = tpu.memref_slice %arg2[%add3A_741] : memref<1000000xf32, #tpu.memory_space<hbm>> -> memref<6256xf32, #tpu.memory_space<hbm>>
      %dma_wait3A_779 = arith.constant 7680 : i32
      %dma_wait3A_780 = tpu.memref_slice %arg7[%dma_wait3A_779] : memref<15360xf32, #tpu.memory_space<vmem>> -> memref<6256xf32, #tpu.memory_space<vmem>>
      %dma_wait3A_781 = tpu.memref_slice %arg2[%add3A_741] : memref<1000000xf32, #tpu.memory_space<hbm>> -> memref<6256xf32, #tpu.memory_space<hbm>>
      tpu.wait_dma2 semaphore(%arg13 : memref<!tpu.dma_semaphore, #tpu.memory_space<semaphore_mem>>) src(%dma_wait3A_781 : memref<6256xf32, #tpu.memory_space<hbm>>) dst(%dma_wait3A_780 : memref<6256xf32, #tpu.memory_space<vmem>>)
      %add3A_782 = arith.constant 18768 : i32
      %add3A_783 = arith.addi %mul3A_9, %add3A_782 : i32
      %dma_start3A_784 = arith.constant 7680 : i32
      %dma_start3A_785 = tpu.memref_slice %arg7[%dma_start3A_784] : memref<15360xf32, #tpu.memory_space<vmem>> -> memref<6256xf32, #tpu.memory_space<vmem>>
      %dma_start3A_786 = tpu.memref_slice %arg9[%add3A_783] : memref<1000000xf32, #tpu.memory_space<vmem_shared>> -> memref<6256xf32, #tpu.memory_space<vmem_shared>>
      %dma_start3A_787 = tpu.memref_slice %arg9[%add3A_783] : memref<1000000xf32, #tpu.memory_space<vmem_shared>> -> memref<6256xf32, #tpu.memory_space<vmem_shared>>
      %dma_start3A_788 = arith.constant 7680 : i32
      %dma_start3A_789 = tpu.memref_slice %arg7[%dma_start3A_788] : memref<15360xf32, #tpu.memory_space<vmem>> -> memref<6256xf32, #tpu.memory_space<vmem>>
      tpu.enqueue_dma source(%dma_start3A_789 : memref<6256xf32, #tpu.memory_space<vmem>>) target(%dma_start3A_787 : memref<6256xf32, #tpu.memory_space<vmem_shared>>) target_semaphore(%arg19 : memref<!tpu.dma_semaphore, #tpu.memory_space<semaphore_mem>>)
      %dma_wait3A_790 = arith.constant 7680 : i32
      %dma_wait3A_791 = tpu.memref_slice %arg7[%dma_wait3A_790] : memref<15360xf32, #tpu.memory_space<vmem>> -> memref<6256xf32, #tpu.memory_space<vmem>>
      %dma_wait3A_792 = tpu.memref_slice %arg9[%add3A_783] : memref<1000000xf32, #tpu.memory_space<vmem_shared>> -> memref<6256xf32, #tpu.memory_space<vmem_shared>>
      %dma_wait3A_793 = tpu.memref_slice %arg9[%add3A_783] : memref<1000000xf32, #tpu.memory_space<vmem_shared>> -> memref<6256xf32, #tpu.memory_space<vmem_shared>>
      %dma_wait3A_794 = arith.constant 7680 : i32
      %dma_wait3A_795 = tpu.memref_slice %arg7[%dma_wait3A_794] : memref<15360xf32, #tpu.memory_space<vmem>> -> memref<6256xf32, #tpu.memory_space<vmem>>
      tpu.wait_dma2 semaphore(%arg19 : memref<!tpu.dma_semaphore, #tpu.memory_space<semaphore_mem>>) src(%dma_wait3A_795 : memref<6256xf32, #tpu.memory_space<vmem>>) dst(%dma_wait3A_793 : memref<6256xf32, #tpu.memory_space<vmem_shared>>)
      %add3A_796 = arith.constant 31280 : i32
      %add3A_797 = arith.addi %mul3A_9, %add3A_796 : i32
      %dma_start3A_798 = arith.constant 7680 : i32
      %dma_start3A_799 = tpu.memref_slice %arg7[%dma_start3A_798] : memref<15360xf32, #tpu.memory_space<vmem>> -> memref<6256xf32, #tpu.memory_space<vmem>>
      %dma_start3A_800 = tpu.memref_slice %arg2[%add3A_797] : memref<1000000xf32, #tpu.memory_space<hbm>> -> memref<6256xf32, #tpu.memory_space<hbm>>
      %dma_start3A_801 = arith.constant 7680 : i32
      %dma_start3A_802 = tpu.memref_slice %arg7[%dma_start3A_801] : memref<15360xf32, #tpu.memory_space<vmem>> -> memref<6256xf32, #tpu.memory_space<vmem>>
      %dma_start3A_803 = tpu.memref_slice %arg2[%add3A_797] : memref<1000000xf32, #tpu.memory_space<hbm>> -> memref<6256xf32, #tpu.memory_space<hbm>>
      tpu.enqueue_dma source(%dma_start3A_803 : memref<6256xf32, #tpu.memory_space<hbm>>) target(%dma_start3A_802 : memref<6256xf32, #tpu.memory_space<vmem>>) target_semaphore(%arg13 : memref<!tpu.dma_semaphore, #tpu.memory_space<semaphore_mem>>)
      %dma_wait3A_804 = arith.constant 0 : i32
      %dma_wait3A_805 = tpu.memref_slice %arg7[%dma_wait3A_804] : memref<15360xf32, #tpu.memory_space<vmem>> -> memref<6256xf32, #tpu.memory_space<vmem>>
      %dma_wait3A_806 = tpu.memref_slice %arg2[%add3A_769] : memref<1000000xf32, #tpu.memory_space<hbm>> -> memref<6256xf32, #tpu.memory_space<hbm>>
      %dma_wait3A_807 = arith.constant 0 : i32
      %dma_wait3A_808 = tpu.memref_slice %arg7[%dma_wait3A_807] : memref<15360xf32, #tpu.memory_space<vmem>> -> memref<6256xf32, #tpu.memory_space<vmem>>
      %dma_wait3A_809 = tpu.memref_slice %arg2[%add3A_769] : memref<1000000xf32, #tpu.memory_space<hbm>> -> memref<6256xf32, #tpu.memory_space<hbm>>
      tpu.wait_dma2 semaphore(%arg12 : memref<!tpu.dma_semaphore, #tpu.memory_space<semaphore_mem>>) src(%dma_wait3A_809 : memref<6256xf32, #tpu.memory_space<hbm>>) dst(%dma_wait3A_808 : memref<6256xf32, #tpu.memory_space<vmem>>)
      %add3A_810 = arith.constant 25024 : i32
      %add3A_811 = arith.addi %mul3A_9, %add3A_810 : i32
      %dma_start3A_812 = arith.constant 0 : i32
      %dma_start3A_813 = tpu.memref_slice %arg7[%dma_start3A_812] : memref<15360xf32, #tpu.memory_space<vmem>> -> memref<6256xf32, #tpu.memory_space<vmem>>
      %dma_start3A_814 = tpu.memref_slice %arg9[%add3A_811] : memref<1000000xf32, #tpu.memory_space<vmem_shared>> -> memref<6256xf32, #tpu.memory_space<vmem_shared>>
      %dma_start3A_815 = tpu.memref_slice %arg9[%add3A_811] : memref<1000000xf32, #tpu.memory_space<vmem_shared>> -> memref<6256xf32, #tpu.memory_space<vmem_shared>>
      %dma_start3A_816 = arith.constant 0 : i32
      %dma_start3A_817 = tpu.memref_slice %arg7[%dma_start3A_816] : memref<15360xf32, #tpu.memory_space<vmem>> -> memref<6256xf32, #tpu.memory_space<vmem>>
      tpu.enqueue_dma source(%dma_start3A_817 : memref<6256xf32, #tpu.memory_space<vmem>>) target(%dma_start3A_815 : memref<6256xf32, #tpu.memory_space<vmem_shared>>) target_semaphore(%arg18 : memref<!tpu.dma_semaphore, #tpu.memory_space<semaphore_mem>>)
      %dma_wait3A_818 = arith.constant 0 : i32
      %dma_wait3A_819 = tpu.memref_slice %arg7[%dma_wait3A_818] : memref<15360xf32, #tpu.memory_space<vmem>> -> memref<6256xf32, #tpu.memory_space<vmem>>
      %dma_wait3A_820 = tpu.memref_slice %arg9[%add3A_811] : memref<1000000xf32, #tpu.memory_space<vmem_shared>> -> memref<6256xf32, #tpu.memory_space<vmem_shared>>
      %dma_wait3A_821 = tpu.memref_slice %arg9[%add3A_811] : memref<1000000xf32, #tpu.memory_space<vmem_shared>> -> memref<6256xf32, #tpu.memory_space<vmem_shared>>
      %dma_wait3A_822 = arith.constant 0 : i32
      %dma_wait3A_823 = tpu.memref_slice %arg7[%dma_wait3A_822] : memref<15360xf32, #tpu.memory_space<vmem>> -> memref<6256xf32, #tpu.memory_space<vmem>>
      tpu.wait_dma2 semaphore(%arg18 : memref<!tpu.dma_semaphore, #tpu.memory_space<semaphore_mem>>) src(%dma_wait3A_823 : memref<6256xf32, #tpu.memory_space<vmem>>) dst(%dma_wait3A_821 : memref<6256xf32, #tpu.memory_space<vmem_shared>>)
      %add3A_824 = arith.constant 37536 : i32
      %add3A_825 = arith.addi %mul3A_9, %add3A_824 : i32
      %dma_start3A_826 = arith.constant 0 : i32
      %dma_start3A_827 = tpu.memref_slice %arg7[%dma_start3A_826] : memref<15360xf32, #tpu.memory_space<vmem>> -> memref<6256xf32, #tpu.memory_space<vmem>>
      %dma_start3A_828 = tpu.memref_slice %arg2[%add3A_825] : memref<1000000xf32, #tpu.memory_space<hbm>> -> memref<6256xf32, #tpu.memory_space<hbm>>
      %dma_start3A_829 = arith.constant 0 : i32
      %dma_start3A_830 = tpu.memref_slice %arg7[%dma_start3A_829] : memref<15360xf32, #tpu.memory_space<vmem>> -> memref<6256xf32, #tpu.memory_space<vmem>>
      %dma_start3A_831 = tpu.memref_slice %arg2[%add3A_825] : memref<1000000xf32, #tpu.memory_space<hbm>> -> memref<6256xf32, #tpu.memory_space<hbm>>
      tpu.enqueue_dma source(%dma_start3A_831 : memref<6256xf32, #tpu.memory_space<hbm>>) target(%dma_start3A_830 : memref<6256xf32, #tpu.memory_space<vmem>>) target_semaphore(%arg12 : memref<!tpu.dma_semaphore, #tpu.memory_space<semaphore_mem>>)
      %dma_wait3A_832 = arith.constant 7680 : i32
      %dma_wait3A_833 = tpu.memref_slice %arg7[%dma_wait3A_832] : memref<15360xf32, #tpu.memory_space<vmem>> -> memref<6256xf32, #tpu.memory_space<vmem>>
      %dma_wait3A_834 = tpu.memref_slice %arg2[%add3A_797] : memref<1000000xf32, #tpu.memory_space<hbm>> -> memref<6256xf32, #tpu.memory_space<hbm>>
      %dma_wait3A_835 = arith.constant 7680 : i32
      %dma_wait3A_836 = tpu.memref_slice %arg7[%dma_wait3A_835] : memref<15360xf32, #tpu.memory_space<vmem>> -> memref<6256xf32, #tpu.memory_space<vmem>>
      %dma_wait3A_837 = tpu.memref_slice %arg2[%add3A_797] : memref<1000000xf32, #tpu.memory_space<hbm>> -> memref<6256xf32, #tpu.memory_space<hbm>>
      tpu.wait_dma2 semaphore(%arg13 : memref<!tpu.dma_semaphore, #tpu.memory_space<semaphore_mem>>) src(%dma_wait3A_837 : memref<6256xf32, #tpu.memory_space<hbm>>) dst(%dma_wait3A_836 : memref<6256xf32, #tpu.memory_space<vmem>>)
      %add3A_838 = arith.constant 31280 : i32
      %add3A_839 = arith.addi %mul3A_9, %add3A_838 : i32
      %dma_start3A_840 = arith.constant 7680 : i32
      %dma_start3A_841 = tpu.memref_slice %arg7[%dma_start3A_840] : memref<15360xf32, #tpu.memory_space<vmem>> -> memref<6256xf32, #tpu.memory_space<vmem>>
      %dma_start3A_842 = tpu.memref_slice %arg9[%add3A_839] : memref<1000000xf32, #tpu.memory_space<vmem_shared>> -> memref<6256xf32, #tpu.memory_space<vmem_shared>>
      %dma_start3A_843 = tpu.memref_slice %arg9[%add3A_839] : memref<1000000xf32, #tpu.memory_space<vmem_shared>> -> memref<6256xf32, #tpu.memory_space<vmem_shared>>
      %dma_start3A_844 = arith.constant 7680 : i32
      %dma_start3A_845 = tpu.memref_slice %arg7[%dma_start3A_844] : memref<15360xf32, #tpu.memory_space<vmem>> -> memref<6256xf32, #tpu.memory_space<vmem>>
      tpu.enqueue_dma source(%dma_start3A_845 : memref<6256xf32, #tpu.memory_space<vmem>>) target(%dma_start3A_843 : memref<6256xf32, #tpu.memory_space<vmem_shared>>) target_semaphore(%arg19 : memref<!tpu.dma_semaphore, #tpu.memory_space<semaphore_mem>>)
      %dma_wait3A_846 = arith.constant 7680 : i32
      %dma_wait3A_847 = tpu.memref_slice %arg7[%dma_wait3A_846] : memref<15360xf32, #tpu.memory_space<vmem>> -> memref<6256xf32, #tpu.memory_space<vmem>>
      %dma_wait3A_848 = tpu.memref_slice %arg9[%add3A_839] : memref<1000000xf32, #tpu.memory_space<vmem_shared>> -> memref<6256xf32, #tpu.memory_space<vmem_shared>>
      %dma_wait3A_849 = tpu.memref_slice %arg9[%add3A_839] : memref<1000000xf32, #tpu.memory_space<vmem_shared>> -> memref<6256xf32, #tpu.memory_space<vmem_shared>>
      %dma_wait3A_850 = arith.constant 7680 : i32
      %dma_wait3A_851 = tpu.memref_slice %arg7[%dma_wait3A_850] : memref<15360xf32, #tpu.memory_space<vmem>> -> memref<6256xf32, #tpu.memory_space<vmem>>
      tpu.wait_dma2 semaphore(%arg19 : memref<!tpu.dma_semaphore, #tpu.memory_space<semaphore_mem>>) src(%dma_wait3A_851 : memref<6256xf32, #tpu.memory_space<vmem>>) dst(%dma_wait3A_849 : memref<6256xf32, #tpu.memory_space<vmem_shared>>)
      %add3A_852 = arith.constant 43792 : i32
      %add3A_853 = arith.addi %mul3A_9, %add3A_852 : i32
      %dma_start3A_854 = arith.constant 7680 : i32
      %dma_start3A_855 = tpu.memref_slice %arg7[%dma_start3A_854] : memref<15360xf32, #tpu.memory_space<vmem>> -> memref<6256xf32, #tpu.memory_space<vmem>>
      %dma_start3A_856 = tpu.memref_slice %arg2[%add3A_853] : memref<1000000xf32, #tpu.memory_space<hbm>> -> memref<6256xf32, #tpu.memory_space<hbm>>
      %dma_start3A_857 = arith.constant 7680 : i32
      %dma_start3A_858 = tpu.memref_slice %arg7[%dma_start3A_857] : memref<15360xf32, #tpu.memory_space<vmem>> -> memref<6256xf32, #tpu.memory_space<vmem>>
      %dma_start3A_859 = tpu.memref_slice %arg2[%add3A_853] : memref<1000000xf32, #tpu.memory_space<hbm>> -> memref<6256xf32, #tpu.memory_space<hbm>>
      tpu.enqueue_dma source(%dma_start3A_859 : memref<6256xf32, #tpu.memory_space<hbm>>) target(%dma_start3A_858 : memref<6256xf32, #tpu.memory_space<vmem>>) target_semaphore(%arg13 : memref<!tpu.dma_semaphore, #tpu.memory_space<semaphore_mem>>)
      %dma_wait3A_860 = arith.constant 0 : i32
      %dma_wait3A_861 = tpu.memref_slice %arg7[%dma_wait3A_860] : memref<15360xf32, #tpu.memory_space<vmem>> -> memref<6256xf32, #tpu.memory_space<vmem>>
      %dma_wait3A_862 = tpu.memref_slice %arg2[%add3A_825] : memref<1000000xf32, #tpu.memory_space<hbm>> -> memref<6256xf32, #tpu.memory_space<hbm>>
      %dma_wait3A_863 = arith.constant 0 : i32
      %dma_wait3A_864 = tpu.memref_slice %arg7[%dma_wait3A_863] : memref<15360xf32, #tpu.memory_space<vmem>> -> memref<6256xf32, #tpu.memory_space<vmem>>
      %dma_wait3A_865 = tpu.memref_slice %arg2[%add3A_825] : memref<1000000xf32, #tpu.memory_space<hbm>> -> memref<6256xf32, #tpu.memory_space<hbm>>
      tpu.wait_dma2 semaphore(%arg12 : memref<!tpu.dma_semaphore, #tpu.memory_space<semaphore_mem>>) src(%dma_wait3A_865 : memref<6256xf32, #tpu.memory_space<hbm>>) dst(%dma_wait3A_864 : memref<6256xf32, #tpu.memory_space<vmem>>)
      %add3A_866 = arith.constant 37536 : i32
      %add3A_867 = arith.addi %mul3A_9, %add3A_866 : i32
      %dma_start3A_868 = arith.constant 0 : i32
      %dma_start3A_869 = tpu.memref_slice %arg7[%dma_start3A_868] : memref<15360xf32, #tpu.memory_space<vmem>> -> memref<6256xf32, #tpu.memory_space<vmem>>
      %dma_start3A_870 = tpu.memref_slice %arg9[%add3A_867] : memref<1000000xf32, #tpu.memory_space<vmem_shared>> -> memref<6256xf32, #tpu.memory_space<vmem_shared>>
      %dma_start3A_871 = tpu.memref_slice %arg9[%add3A_867] : memref<1000000xf32, #tpu.memory_space<vmem_shared>> -> memref<6256xf32, #tpu.memory_space<vmem_shared>>
      %dma_start3A_872 = arith.constant 0 : i32
      %dma_start3A_873 = tpu.memref_slice %arg7[%dma_start3A_872] : memref<15360xf32, #tpu.memory_space<vmem>> -> memref<6256xf32, #tpu.memory_space<vmem>>
      tpu.enqueue_dma source(%dma_start3A_873 : memref<6256xf32, #tpu.memory_space<vmem>>) target(%dma_start3A_871 : memref<6256xf32, #tpu.memory_space<vmem_shared>>) target_semaphore(%arg18 : memref<!tpu.dma_semaphore, #tpu.memory_space<semaphore_mem>>)
      %dma_wait3A_874 = arith.constant 0 : i32
      %dma_wait3A_875 = tpu.memref_slice %arg7[%dma_wait3A_874] : memref<15360xf32, #tpu.memory_space<vmem>> -> memref<6256xf32, #tpu.memory_space<vmem>>
      %dma_wait3A_876 = tpu.memref_slice %arg9[%add3A_867] : memref<1000000xf32, #tpu.memory_space<vmem_shared>> -> memref<6256xf32, #tpu.memory_space<vmem_shared>>
      %dma_wait3A_877 = tpu.memref_slice %arg9[%add3A_867] : memref<1000000xf32, #tpu.memory_space<vmem_shared>> -> memref<6256xf32, #tpu.memory_space<vmem_shared>>
      %dma_wait3A_878 = arith.constant 0 : i32
      %dma_wait3A_879 = tpu.memref_slice %arg7[%dma_wait3A_878] : memref<15360xf32, #tpu.memory_space<vmem>> -> memref<6256xf32, #tpu.memory_space<vmem>>
      tpu.wait_dma2 semaphore(%arg18 : memref<!tpu.dma_semaphore, #tpu.memory_space<semaphore_mem>>) src(%dma_wait3A_879 : memref<6256xf32, #tpu.memory_space<vmem>>) dst(%dma_wait3A_877 : memref<6256xf32, #tpu.memory_space<vmem_shared>>)
      %add3A_880 = arith.constant 50048 : i32
      %add3A_881 = arith.addi %mul3A_9, %add3A_880 : i32
      %dma_start3A_882 = arith.constant 0 : i32
      %dma_start3A_883 = tpu.memref_slice %arg7[%dma_start3A_882] : memref<15360xf32, #tpu.memory_space<vmem>> -> memref<6256xf32, #tpu.memory_space<vmem>>
      %dma_start3A_884 = tpu.memref_slice %arg2[%add3A_881] : memref<1000000xf32, #tpu.memory_space<hbm>> -> memref<6256xf32, #tpu.memory_space<hbm>>
      %dma_start3A_885 = arith.constant 0 : i32
      %dma_start3A_886 = tpu.memref_slice %arg7[%dma_start3A_885] : memref<15360xf32, #tpu.memory_space<vmem>> -> memref<6256xf32, #tpu.memory_space<vmem>>
      %dma_start3A_887 = tpu.memref_slice %arg2[%add3A_881] : memref<1000000xf32, #tpu.memory_space<hbm>> -> memref<6256xf32, #tpu.memory_space<hbm>>
      tpu.enqueue_dma source(%dma_start3A_887 : memref<6256xf32, #tpu.memory_space<hbm>>) target(%dma_start3A_886 : memref<6256xf32, #tpu.memory_space<vmem>>) target_semaphore(%arg12 : memref<!tpu.dma_semaphore, #tpu.memory_space<semaphore_mem>>)
      %dma_wait3A_888 = arith.constant 7680 : i32
      %dma_wait3A_889 = tpu.memref_slice %arg7[%dma_wait3A_888] : memref<15360xf32, #tpu.memory_space<vmem>> -> memref<6256xf32, #tpu.memory_space<vmem>>
      %dma_wait3A_890 = tpu.memref_slice %arg2[%add3A_853] : memref<1000000xf32, #tpu.memory_space<hbm>> -> memref<6256xf32, #tpu.memory_space<hbm>>
      %dma_wait3A_891 = arith.constant 7680 : i32
      %dma_wait3A_892 = tpu.memref_slice %arg7[%dma_wait3A_891] : memref<15360xf32, #tpu.memory_space<vmem>> -> memref<6256xf32, #tpu.memory_space<vmem>>
      %dma_wait3A_893 = tpu.memref_slice %arg2[%add3A_853] : memref<1000000xf32, #tpu.memory_space<hbm>> -> memref<6256xf32, #tpu.memory_space<hbm>>
      tpu.wait_dma2 semaphore(%arg13 : memref<!tpu.dma_semaphore, #tpu.memory_space<semaphore_mem>>) src(%dma_wait3A_893 : memref<6256xf32, #tpu.memory_space<hbm>>) dst(%dma_wait3A_892 : memref<6256xf32, #tpu.memory_space<vmem>>)
      %add3A_894 = arith.constant 43792 : i32
      %add3A_895 = arith.addi %mul3A_9, %add3A_894 : i32
      %dma_start3A_896 = arith.constant 7680 : i32
      %dma_start3A_897 = tpu.memref_slice %arg7[%dma_start3A_896] : memref<15360xf32, #tpu.memory_space<vmem>> -> memref<6256xf32, #tpu.memory_space<vmem>>
      %dma_start3A_898 = tpu.memref_slice %arg9[%add3A_895] : memref<1000000xf32, #tpu.memory_space<vmem_shared>> -> memref<6256xf32, #tpu.memory_space<vmem_shared>>
      %dma_start3A_899 = tpu.memref_slice %arg9[%add3A_895] : memref<1000000xf32, #tpu.memory_space<vmem_shared>> -> memref<6256xf32, #tpu.memory_space<vmem_shared>>
      %dma_start3A_900 = arith.constant 7680 : i32
      %dma_start3A_901 = tpu.memref_slice %arg7[%dma_start3A_900] : memref<15360xf32, #tpu.memory_space<vmem>> -> memref<6256xf32, #tpu.memory_space<vmem>>
      tpu.enqueue_dma source(%dma_start3A_901 : memref<6256xf32, #tpu.memory_space<vmem>>) target(%dma_start3A_899 : memref<6256xf32, #tpu.memory_space<vmem_shared>>) target_semaphore(%arg19 : memref<!tpu.dma_semaphore, #tpu.memory_space<semaphore_mem>>)
      %dma_wait3A_902 = arith.constant 7680 : i32
      %dma_wait3A_903 = tpu.memref_slice %arg7[%dma_wait3A_902] : memref<15360xf32, #tpu.memory_space<vmem>> -> memref<6256xf32, #tpu.memory_space<vmem>>
      %dma_wait3A_904 = tpu.memref_slice %arg9[%add3A_895] : memref<1000000xf32, #tpu.memory_space<vmem_shared>> -> memref<6256xf32, #tpu.memory_space<vmem_shared>>
      %dma_wait3A_905 = tpu.memref_slice %arg9[%add3A_895] : memref<1000000xf32, #tpu.memory_space<vmem_shared>> -> memref<6256xf32, #tpu.memory_space<vmem_shared>>
      %dma_wait3A_906 = arith.constant 7680 : i32
      %dma_wait3A_907 = tpu.memref_slice %arg7[%dma_wait3A_906] : memref<15360xf32, #tpu.memory_space<vmem>> -> memref<6256xf32, #tpu.memory_space<vmem>>
      tpu.wait_dma2 semaphore(%arg19 : memref<!tpu.dma_semaphore, #tpu.memory_space<semaphore_mem>>) src(%dma_wait3A_907 : memref<6256xf32, #tpu.memory_space<vmem>>) dst(%dma_wait3A_905 : memref<6256xf32, #tpu.memory_space<vmem_shared>>)
      %add3A_908 = arith.constant 56304 : i32
      %add3A_909 = arith.addi %mul3A_9, %add3A_908 : i32
      %dma_start3A_910 = arith.constant 7680 : i32
      %dma_start3A_911 = tpu.memref_slice %arg7[%dma_start3A_910] : memref<15360xf32, #tpu.memory_space<vmem>> -> memref<6256xf32, #tpu.memory_space<vmem>>
      %dma_start3A_912 = tpu.memref_slice %arg2[%add3A_909] : memref<1000000xf32, #tpu.memory_space<hbm>> -> memref<6256xf32, #tpu.memory_space<hbm>>
      %dma_start3A_913 = arith.constant 7680 : i32
      %dma_start3A_914 = tpu.memref_slice %arg7[%dma_start3A_913] : memref<15360xf32, #tpu.memory_space<vmem>> -> memref<6256xf32, #tpu.memory_space<vmem>>
      %dma_start3A_915 = tpu.memref_slice %arg2[%add3A_909] : memref<1000000xf32, #tpu.memory_space<hbm>> -> memref<6256xf32, #tpu.memory_space<hbm>>
      tpu.enqueue_dma source(%dma_start3A_915 : memref<6256xf32, #tpu.memory_space<hbm>>) target(%dma_start3A_914 : memref<6256xf32, #tpu.memory_space<vmem>>) target_semaphore(%arg13 : memref<!tpu.dma_semaphore, #tpu.memory_space<semaphore_mem>>)
      %dma_wait3A_916 = arith.constant 0 : i32
      %dma_wait3A_917 = tpu.memref_slice %arg7[%dma_wait3A_916] : memref<15360xf32, #tpu.memory_space<vmem>> -> memref<6256xf32, #tpu.memory_space<vmem>>
      %dma_wait3A_918 = tpu.memref_slice %arg2[%add3A_881] : memref<1000000xf32, #tpu.memory_space<hbm>> -> memref<6256xf32, #tpu.memory_space<hbm>>
      %dma_wait3A_919 = arith.constant 0 : i32
      %dma_wait3A_920 = tpu.memref_slice %arg7[%dma_wait3A_919] : memref<15360xf32, #tpu.memory_space<vmem>> -> memref<6256xf32, #tpu.memory_space<vmem>>
      %dma_wait3A_921 = tpu.memref_slice %arg2[%add3A_881] : memref<1000000xf32, #tpu.memory_space<hbm>> -> memref<6256xf32, #tpu.memory_space<hbm>>
      tpu.wait_dma2 semaphore(%arg12 : memref<!tpu.dma_semaphore, #tpu.memory_space<semaphore_mem>>) src(%dma_wait3A_921 : memref<6256xf32, #tpu.memory_space<hbm>>) dst(%dma_wait3A_920 : memref<6256xf32, #tpu.memory_space<vmem>>)
      %add3A_922 = arith.constant 50048 : i32
      %add3A_923 = arith.addi %mul3A_9, %add3A_922 : i32
      %dma_start3A_924 = arith.constant 0 : i32
      %dma_start3A_925 = tpu.memref_slice %arg7[%dma_start3A_924] : memref<15360xf32, #tpu.memory_space<vmem>> -> memref<6256xf32, #tpu.memory_space<vmem>>
      %dma_start3A_926 = tpu.memref_slice %arg9[%add3A_923] : memref<1000000xf32, #tpu.memory_space<vmem_shared>> -> memref<6256xf32, #tpu.memory_space<vmem_shared>>
      %dma_start3A_927 = tpu.memref_slice %arg9[%add3A_923] : memref<1000000xf32, #tpu.memory_space<vmem_shared>> -> memref<6256xf32, #tpu.memory_space<vmem_shared>>
      %dma_start3A_928 = arith.constant 0 : i32
      %dma_start3A_929 = tpu.memref_slice %arg7[%dma_start3A_928] : memref<15360xf32, #tpu.memory_space<vmem>> -> memref<6256xf32, #tpu.memory_space<vmem>>
      tpu.enqueue_dma source(%dma_start3A_929 : memref<6256xf32, #tpu.memory_space<vmem>>) target(%dma_start3A_927 : memref<6256xf32, #tpu.memory_space<vmem_shared>>) target_semaphore(%arg18 : memref<!tpu.dma_semaphore, #tpu.memory_space<semaphore_mem>>)
      %dma_wait3A_930 = arith.constant 7680 : i32
      %dma_wait3A_931 = tpu.memref_slice %arg7[%dma_wait3A_930] : memref<15360xf32, #tpu.memory_space<vmem>> -> memref<6256xf32, #tpu.memory_space<vmem>>
      %dma_wait3A_932 = tpu.memref_slice %arg2[%add3A_909] : memref<1000000xf32, #tpu.memory_space<hbm>> -> memref<6256xf32, #tpu.memory_space<hbm>>
      %dma_wait3A_933 = arith.constant 7680 : i32
      %dma_wait3A_934 = tpu.memref_slice %arg7[%dma_wait3A_933] : memref<15360xf32, #tpu.memory_space<vmem>> -> memref<6256xf32, #tpu.memory_space<vmem>>
      %dma_wait3A_935 = tpu.memref_slice %arg2[%add3A_909] : memref<1000000xf32, #tpu.memory_space<hbm>> -> memref<6256xf32, #tpu.memory_space<hbm>>
      tpu.wait_dma2 semaphore(%arg13 : memref<!tpu.dma_semaphore, #tpu.memory_space<semaphore_mem>>) src(%dma_wait3A_935 : memref<6256xf32, #tpu.memory_space<hbm>>) dst(%dma_wait3A_934 : memref<6256xf32, #tpu.memory_space<vmem>>)
      %dma_wait3A_936 = arith.constant 0 : i32
      %dma_wait3A_937 = tpu.memref_slice %arg7[%dma_wait3A_936] : memref<15360xf32, #tpu.memory_space<vmem>> -> memref<6256xf32, #tpu.memory_space<vmem>>
      %dma_wait3A_938 = tpu.memref_slice %arg9[%add3A_923] : memref<1000000xf32, #tpu.memory_space<vmem_shared>> -> memref<6256xf32, #tpu.memory_space<vmem_shared>>
      %dma_wait3A_939 = tpu.memref_slice %arg9[%add3A_923] : memref<1000000xf32, #tpu.memory_space<vmem_shared>> -> memref<6256xf32, #tpu.memory_space<vmem_shared>>
      %dma_wait3A_940 = arith.constant 0 : i32
      %dma_wait3A_941 = tpu.memref_slice %arg7[%dma_wait3A_940] : memref<15360xf32, #tpu.memory_space<vmem>> -> memref<6256xf32, #tpu.memory_space<vmem>>
      tpu.wait_dma2 semaphore(%arg18 : memref<!tpu.dma_semaphore, #tpu.memory_space<semaphore_mem>>) src(%dma_wait3A_941 : memref<6256xf32, #tpu.memory_space<vmem>>) dst(%dma_wait3A_939 : memref<6256xf32, #tpu.memory_space<vmem_shared>>)
      %add3A_942 = arith.constant 56304 : i32
      %add3A_943 = arith.addi %mul3A_9, %add3A_942 : i32
      %dma_start3A_944 = arith.constant 7680 : i32
      %dma_start3A_945 = tpu.memref_slice %arg7[%dma_start3A_944] : memref<15360xf32, #tpu.memory_space<vmem>> -> memref<6256xf32, #tpu.memory_space<vmem>>
      %dma_start3A_946 = tpu.memref_slice %arg9[%add3A_943] : memref<1000000xf32, #tpu.memory_space<vmem_shared>> -> memref<6256xf32, #tpu.memory_space<vmem_shared>>
      %dma_start3A_947 = tpu.memref_slice %arg9[%add3A_943] : memref<1000000xf32, #tpu.memory_space<vmem_shared>> -> memref<6256xf32, #tpu.memory_space<vmem_shared>>
      %dma_start3A_948 = arith.constant 7680 : i32
      %dma_start3A_949 = tpu.memref_slice %arg7[%dma_start3A_948] : memref<15360xf32, #tpu.memory_space<vmem>> -> memref<6256xf32, #tpu.memory_space<vmem>>
      tpu.enqueue_dma source(%dma_start3A_949 : memref<6256xf32, #tpu.memory_space<vmem>>) target(%dma_start3A_947 : memref<6256xf32, #tpu.memory_space<vmem_shared>>) target_semaphore(%arg11 : memref<!tpu.dma_semaphore, #tpu.memory_space<semaphore_mem>>)
      %dma_wait3A_950 = arith.constant 7680 : i32
      %dma_wait3A_951 = tpu.memref_slice %arg7[%dma_wait3A_950] : memref<15360xf32, #tpu.memory_space<vmem>> -> memref<6256xf32, #tpu.memory_space<vmem>>
      %dma_wait3A_952 = tpu.memref_slice %arg9[%add3A_943] : memref<1000000xf32, #tpu.memory_space<vmem_shared>> -> memref<6256xf32, #tpu.memory_space<vmem_shared>>
      %dma_wait3A_953 = tpu.memref_slice %arg9[%add3A_943] : memref<1000000xf32, #tpu.memory_space<vmem_shared>> -> memref<6256xf32, #tpu.memory_space<vmem_shared>>
      %dma_wait3A_954 = arith.constant 7680 : i32
      %dma_wait3A_955 = tpu.memref_slice %arg7[%dma_wait3A_954] : memref<15360xf32, #tpu.memory_space<vmem>> -> memref<6256xf32, #tpu.memory_space<vmem>>
      tpu.wait_dma2 semaphore(%arg11 : memref<!tpu.dma_semaphore, #tpu.memory_space<semaphore_mem>>) src(%dma_wait3A_955 : memref<6256xf32, #tpu.memory_space<vmem>>) dst(%dma_wait3A_953 : memref<6256xf32, #tpu.memory_space<vmem_shared>>)
    } else {
    }
    %dma_wait3A = tpu.memref_slice %arg4[%mul3A_2] : memref<1638400xi32, #tpu.memory_space<hbm>> -> memref<51200xi32, #tpu.memory_space<hbm>>
    %dma_wait3A_16 = tpu.memref_slice %arg4[%mul3A_2] : memref<1638400xi32, #tpu.memory_space<hbm>> -> memref<51200xi32, #tpu.memory_space<hbm>>
    tpu.wait_dma2 semaphore(%arg10 : memref<!tpu.dma_semaphore, #tpu.memory_space<semaphore_mem>>) src(%dma_wait3A_16 : memref<51200xi32, #tpu.memory_space<hbm>>) dst(%arg6 : memref<51200xi32, #tpu.memory_space<vmem>>)
    "tpu.trace_stop"() : () -> ()
    "tpu.trace_start"() <{level = 10 : i32, message = "stage_barrier"}> : () -> ()
    %barrier3A = arith.constant 0 : index
    tpu.barrier barrier_id(%barrier3A)
    "tpu.trace_stop"() : () -> ()
    "tpu.trace_start"() <{level = 10 : i32, message = "gather_loop"}> : () -> ()
    %dma_start3A_17 = arith.constant 0 : i32
    %dma_start3A_18 = tpu.memref_slice %arg7[%dma_start3A_17] : memref<15360xf32, #tpu.memory_space<vmem>> -> memref<3520xf32, #tpu.memory_space<vmem>>
    %dma_start3A_19 = arith.constant 0 : i32
    %dma_start3A_20 = tpu.memref_slice %arg6[%dma_start3A_19] : memref<51200xi32, #tpu.memory_space<vmem>> -> memref<3520xi32, #tpu.memory_space<vmem>>
    %dma_start3A_21 = arith.constant 0 : i32
    %dma_start3A_22 = tpu.memref_slice %arg9[%dma_start3A_21] : memref<1000000xf32, #tpu.memory_space<vmem_shared>> -> memref<1000000xf32, #tpu.memory_space<vmem_shared>>
    tpu.enqueue_indirect_dma source(%dma_start3A_22 : memref<1000000xf32, #tpu.memory_space<vmem_shared>>) target(%dma_start3A_18 : memref<3520xf32, #tpu.memory_space<vmem>>) offsets(%dma_start3A_20 : memref<3520xi32, #tpu.memory_space<vmem>>) semaphore(%arg12 : memref<!tpu.dma_semaphore, #tpu.memory_space<semaphore_mem>>)
    %dma_start3A_23 = arith.constant 10560 : i32
    %dma_start3A_24 = tpu.memref_slice %arg7[%dma_start3A_23] : memref<15360xf32, #tpu.memory_space<vmem>> -> memref<1600xf32, #tpu.memory_space<vmem>>
    %dma_start3A_25 = arith.constant 35200 : i32
    %dma_start3A_26 = tpu.memref_slice %arg6[%dma_start3A_25] : memref<51200xi32, #tpu.memory_space<vmem>> -> memref<1600xi32, #tpu.memory_space<vmem>>
    %dma_start3A_27 = arith.constant 0 : i32
    %dma_start3A_28 = tpu.memref_slice %arg2[%dma_start3A_27] : memref<1000000xf32, #tpu.memory_space<hbm>> -> memref<1000000xf32, #tpu.memory_space<hbm>>
    tpu.enqueue_indirect_dma source(%dma_start3A_28 : memref<1000000xf32, #tpu.memory_space<hbm>>) target(%dma_start3A_24 : memref<1600xf32, #tpu.memory_space<vmem>>) offsets(%dma_start3A_26 : memref<1600xi32, #tpu.memory_space<vmem>>) semaphore(%arg15 : memref<!tpu.dma_semaphore, #tpu.memory_space<semaphore_mem>>)
    %dma_start3A_29 = arith.constant 3520 : i32
    %dma_start3A_30 = tpu.memref_slice %arg7[%dma_start3A_29] : memref<15360xf32, #tpu.memory_space<vmem>> -> memref<3520xf32, #tpu.memory_space<vmem>>
    %dma_start3A_31 = arith.constant 3520 : i32
    %dma_start3A_32 = tpu.memref_slice %arg6[%dma_start3A_31] : memref<51200xi32, #tpu.memory_space<vmem>> -> memref<3520xi32, #tpu.memory_space<vmem>>
    %dma_start3A_33 = arith.constant 0 : i32
    %dma_start3A_34 = tpu.memref_slice %arg9[%dma_start3A_33] : memref<1000000xf32, #tpu.memory_space<vmem_shared>> -> memref<1000000xf32, #tpu.memory_space<vmem_shared>>
    tpu.enqueue_indirect_dma source(%dma_start3A_34 : memref<1000000xf32, #tpu.memory_space<vmem_shared>>) target(%dma_start3A_30 : memref<3520xf32, #tpu.memory_space<vmem>>) offsets(%dma_start3A_32 : memref<3520xi32, #tpu.memory_space<vmem>>) semaphore(%arg13 : memref<!tpu.dma_semaphore, #tpu.memory_space<semaphore_mem>>)
    %dma_start3A_35 = arith.constant 12160 : i32
    %dma_start3A_36 = tpu.memref_slice %arg7[%dma_start3A_35] : memref<15360xf32, #tpu.memory_space<vmem>> -> memref<1600xf32, #tpu.memory_space<vmem>>
    %dma_start3A_37 = arith.constant 36800 : i32
    %dma_start3A_38 = tpu.memref_slice %arg6[%dma_start3A_37] : memref<51200xi32, #tpu.memory_space<vmem>> -> memref<1600xi32, #tpu.memory_space<vmem>>
    %dma_start3A_39 = arith.constant 0 : i32
    %dma_start3A_40 = tpu.memref_slice %arg2[%dma_start3A_39] : memref<1000000xf32, #tpu.memory_space<hbm>> -> memref<1000000xf32, #tpu.memory_space<hbm>>
    tpu.enqueue_indirect_dma source(%dma_start3A_40 : memref<1000000xf32, #tpu.memory_space<hbm>>) target(%dma_start3A_36 : memref<1600xf32, #tpu.memory_space<vmem>>) offsets(%dma_start3A_38 : memref<1600xi32, #tpu.memory_space<vmem>>) semaphore(%arg16 : memref<!tpu.dma_semaphore, #tpu.memory_space<semaphore_mem>>)
    %dma_start3A_41 = arith.constant 7040 : i32
    %dma_start3A_42 = tpu.memref_slice %arg7[%dma_start3A_41] : memref<15360xf32, #tpu.memory_space<vmem>> -> memref<3520xf32, #tpu.memory_space<vmem>>
    %dma_start3A_43 = arith.constant 7040 : i32
    %dma_start3A_44 = tpu.memref_slice %arg6[%dma_start3A_43] : memref<51200xi32, #tpu.memory_space<vmem>> -> memref<3520xi32, #tpu.memory_space<vmem>>
    %dma_start3A_45 = arith.constant 0 : i32
    %dma_start3A_46 = tpu.memref_slice %arg9[%dma_start3A_45] : memref<1000000xf32, #tpu.memory_space<vmem_shared>> -> memref<1000000xf32, #tpu.memory_space<vmem_shared>>
    tpu.enqueue_indirect_dma source(%dma_start3A_46 : memref<1000000xf32, #tpu.memory_space<vmem_shared>>) target(%dma_start3A_42 : memref<3520xf32, #tpu.memory_space<vmem>>) offsets(%dma_start3A_44 : memref<3520xi32, #tpu.memory_space<vmem>>) semaphore(%arg14 : memref<!tpu.dma_semaphore, #tpu.memory_space<semaphore_mem>>)
    %dma_start3A_47 = arith.constant 13760 : i32
    %dma_start3A_48 = tpu.memref_slice %arg7[%dma_start3A_47] : memref<15360xf32, #tpu.memory_space<vmem>> -> memref<1600xf32, #tpu.memory_space<vmem>>
    %dma_start3A_49 = arith.constant 38400 : i32
    %dma_start3A_50 = tpu.memref_slice %arg6[%dma_start3A_49] : memref<51200xi32, #tpu.memory_space<vmem>> -> memref<1600xi32, #tpu.memory_space<vmem>>
    %dma_start3A_51 = arith.constant 0 : i32
    %dma_start3A_52 = tpu.memref_slice %arg2[%dma_start3A_51] : memref<1000000xf32, #tpu.memory_space<hbm>> -> memref<1000000xf32, #tpu.memory_space<hbm>>
    tpu.enqueue_indirect_dma source(%dma_start3A_52 : memref<1000000xf32, #tpu.memory_space<hbm>>) target(%dma_start3A_48 : memref<1600xf32, #tpu.memory_space<vmem>>) offsets(%dma_start3A_50 : memref<1600xi32, #tpu.memory_space<vmem>>) semaphore(%arg17 : memref<!tpu.dma_semaphore, #tpu.memory_space<semaphore_mem>>)
    %dma_wait3A_53 = arith.constant 0 : i32
    %dma_wait3A_54 = tpu.memref_slice %arg7[%dma_wait3A_53] : memref<15360xf32, #tpu.memory_space<vmem>> -> memref<3520xf32, #tpu.memory_space<vmem>>
    %dma_wait3A_55 = arith.constant 0 : i32
    %dma_wait3A_56 = tpu.memref_slice %arg6[%dma_wait3A_55] : memref<51200xi32, #tpu.memory_space<vmem>> -> memref<3520xi32, #tpu.memory_space<vmem>>
    %dma_wait3A_57 = arith.constant 0 : i32
    %dma_wait3A_58 = tpu.memref_slice %arg9[%dma_wait3A_57] : memref<1000000xf32, #tpu.memory_space<vmem_shared>> -> memref<1000000xf32, #tpu.memory_space<vmem_shared>>
    tpu.wait_indirect_dma semaphore(%arg12 : memref<!tpu.dma_semaphore, #tpu.memory_space<semaphore_mem>>) src(%dma_wait3A_58 : memref<1000000xf32, #tpu.memory_space<vmem_shared>>) dst(%dma_wait3A_54 : memref<3520xf32, #tpu.memory_space<vmem>>)
    %scan3A = arith.constant 0 : i32
    %scan3A_59 = arith.constant 0 : i32
    %scan3A_60 = arith.constant 220 : i32
    %scan3A_61 = arith.addi %scan3A_59, %scan3A_60 : i32
    %scan3A_62 = arith.constant 1 : i32
    scf.for %scan3A_676 = %scan3A_59 to %scan3A_61 step %scan3A_62  : i32 {
      %mul3A_677 = arith.constant 16 : i32
      %mul3A_678 = arith.muli %scan3A_676, %mul3A_677 : i32
      %add3A_679 = arith.constant 0 : i32
      %add3A_680 = arith.addi %add3A_679, %mul3A_678 : i32
      %get3A_681 = arith.index_cast %add3A_680 : i32 to index
      %get3A_682 = tpu.vector_load %arg7[%get3A_681] {strides = array<i32>} : memref<15360xf32, #tpu.memory_space<vmem>>, vector<16xf32>,
      %get3A_683 = vector.shape_cast %get3A_682 : vector<16xf32> to vector<16xf32>
      %mul3A_684 = vector.broadcast %squeeze3A : f32 to vector<16xf32>
      %mul3A_685 = arith.mulf %get3A_683, %mul3A_684 : vector<16xf32>
      %swap3A = arith.index_cast %add3A_680 : i32 to index
      %swap3A_686 = tpu.vector_load %arg7[%swap3A] {strides = array<i32>} : memref<15360xf32, #tpu.memory_space<vmem>>, vector<16xf32>,
      %swap3A_687 = vector.shape_cast %swap3A_686 : vector<16xf32> to vector<16xf32>
      %swap3A_688 = vector.shape_cast %mul3A_685 : vector<16xf32> to vector<16xf32>
      tpu.vector_store %arg7[%swap3A], %swap3A_688 {strides = array<i32>} : memref<15360xf32, #tpu.memory_space<vmem>>, vector<16xf32>,
    }
    %scan3A_63 = arith.constant 220 : i32
    %add3A_64 = arith.constant 0 : i32
    %add3A_65 = arith.addi %mul3A_2, %add3A_64 : i32
    %dma_start3A_66 = arith.constant 0 : i32
    %dma_start3A_67 = tpu.memref_slice %arg7[%dma_start3A_66] : memref<15360xf32, #tpu.memory_space<vmem>> -> memref<3520xf32, #tpu.memory_space<vmem>>
    %dma_start3A_68 = tpu.memref_slice %arg5[%add3A_65] : memref<1638400xf32, #tpu.memory_space<hbm>> -> memref<3520xf32, #tpu.memory_space<hbm>>
    %dma_start3A_69 = tpu.memref_slice %arg5[%add3A_65] : memref<1638400xf32, #tpu.memory_space<hbm>> -> memref<3520xf32, #tpu.memory_space<hbm>>
    %dma_start3A_70 = arith.constant 0 : i32
    %dma_start3A_71 = tpu.memref_slice %arg7[%dma_start3A_70] : memref<15360xf32, #tpu.memory_space<vmem>> -> memref<3520xf32, #tpu.memory_space<vmem>>
    tpu.enqueue_dma source(%dma_start3A_71 : memref<3520xf32, #tpu.memory_space<vmem>>) target(%dma_start3A_69 : memref<3520xf32, #tpu.memory_space<hbm>>) target_semaphore(%arg18 : memref<!tpu.dma_semaphore, #tpu.memory_space<semaphore_mem>>)
    %dma_wait3A_72 = arith.constant 10560 : i32
    %dma_wait3A_73 = tpu.memref_slice %arg7[%dma_wait3A_72] : memref<15360xf32, #tpu.memory_space<vmem>> -> memref<1600xf32, #tpu.memory_space<vmem>>
    %dma_wait3A_74 = arith.constant 35200 : i32
    %dma_wait3A_75 = tpu.memref_slice %arg6[%dma_wait3A_74] : memref<51200xi32, #tpu.memory_space<vmem>> -> memref<1600xi32, #tpu.memory_space<vmem>>
    %dma_wait3A_76 = arith.constant 0 : i32
    %dma_wait3A_77 = tpu.memref_slice %arg2[%dma_wait3A_76] : memref<1000000xf32, #tpu.memory_space<hbm>> -> memref<1000000xf32, #tpu.memory_space<hbm>>
    tpu.wait_indirect_dma semaphore(%arg15 : memref<!tpu.dma_semaphore, #tpu.memory_space<semaphore_mem>>) src(%dma_wait3A_77 : memref<1000000xf32, #tpu.memory_space<hbm>>) dst(%dma_wait3A_73 : memref<1600xf32, #tpu.memory_space<vmem>>)
    %scan3A_78 = arith.constant 0 : i32
    %scan3A_79 = arith.constant 0 : i32
    %scan3A_80 = arith.constant 100 : i32
    %scan3A_81 = arith.addi %scan3A_79, %scan3A_80 : i32
    %scan3A_82 = arith.constant 1 : i32
    scf.for %scan3A_676 = %scan3A_79 to %scan3A_81 step %scan3A_82  : i32 {
      %mul3A_677 = arith.constant 16 : i32
      %mul3A_678 = arith.muli %scan3A_676, %mul3A_677 : i32
      %add3A_679 = arith.constant 10560 : i32
      %add3A_680 = arith.addi %add3A_679, %mul3A_678 : i32
      %get3A_681 = arith.index_cast %add3A_680 : i32 to index
      %get3A_682 = tpu.vector_load %arg7[%get3A_681] {strides = array<i32>} : memref<15360xf32, #tpu.memory_space<vmem>>, vector<16xf32>,
      %get3A_683 = vector.shape_cast %get3A_682 : vector<16xf32> to vector<16xf32>
      %mul3A_684 = vector.broadcast %squeeze3A : f32 to vector<16xf32>
      %mul3A_685 = arith.mulf %get3A_683, %mul3A_684 : vector<16xf32>
      %swap3A = arith.index_cast %add3A_680 : i32 to index
      %swap3A_686 = tpu.vector_load %arg7[%swap3A] {strides = array<i32>} : memref<15360xf32, #tpu.memory_space<vmem>>, vector<16xf32>,
      %swap3A_687 = vector.shape_cast %swap3A_686 : vector<16xf32> to vector<16xf32>
      %swap3A_688 = vector.shape_cast %mul3A_685 : vector<16xf32> to vector<16xf32>
      tpu.vector_store %arg7[%swap3A], %swap3A_688 {strides = array<i32>} : memref<15360xf32, #tpu.memory_space<vmem>>, vector<16xf32>,
    }
    %scan3A_83 = arith.constant 100 : i32
    %add3A_84 = arith.constant 35200 : i32
    %add3A_85 = arith.addi %mul3A_2, %add3A_84 : i32
    %add3A_86 = arith.constant 0 : i32
    %add3A_87 = arith.addi %add3A_85, %add3A_86 : i32
    %dma_start3A_88 = arith.constant 10560 : i32
    %dma_start3A_89 = tpu.memref_slice %arg7[%dma_start3A_88] : memref<15360xf32, #tpu.memory_space<vmem>> -> memref<1600xf32, #tpu.memory_space<vmem>>
    %dma_start3A_90 = tpu.memref_slice %arg5[%add3A_87] : memref<1638400xf32, #tpu.memory_space<hbm>> -> memref<1600xf32, #tpu.memory_space<hbm>>
    %dma_start3A_91 = tpu.memref_slice %arg5[%add3A_87] : memref<1638400xf32, #tpu.memory_space<hbm>> -> memref<1600xf32, #tpu.memory_space<hbm>>
    %dma_start3A_92 = arith.constant 10560 : i32
    %dma_start3A_93 = tpu.memref_slice %arg7[%dma_start3A_92] : memref<15360xf32, #tpu.memory_space<vmem>> -> memref<1600xf32, #tpu.memory_space<vmem>>
    tpu.enqueue_dma source(%dma_start3A_93 : memref<1600xf32, #tpu.memory_space<vmem>>) target(%dma_start3A_91 : memref<1600xf32, #tpu.memory_space<hbm>>) target_semaphore(%arg21 : memref<!tpu.dma_semaphore, #tpu.memory_space<semaphore_mem>>)
    %dma_wait3A_94 = arith.constant 0 : i32
    %dma_wait3A_95 = tpu.memref_slice %arg7[%dma_wait3A_94] : memref<15360xf32, #tpu.memory_space<vmem>> -> memref<3520xf32, #tpu.memory_space<vmem>>
    %dma_wait3A_96 = tpu.memref_slice %arg5[%add3A_65] : memref<1638400xf32, #tpu.memory_space<hbm>> -> memref<3520xf32, #tpu.memory_space<hbm>>
    %dma_wait3A_97 = tpu.memref_slice %arg5[%add3A_65] : memref<1638400xf32, #tpu.memory_space<hbm>> -> memref<3520xf32, #tpu.memory_space<hbm>>
    %dma_wait3A_98 = arith.constant 0 : i32
    %dma_wait3A_99 = tpu.memref_slice %arg7[%dma_wait3A_98] : memref<15360xf32, #tpu.memory_space<vmem>> -> memref<3520xf32, #tpu.memory_space<vmem>>
    tpu.wait_dma2 semaphore(%arg18 : memref<!tpu.dma_semaphore, #tpu.memory_space<semaphore_mem>>) src(%dma_wait3A_99 : memref<3520xf32, #tpu.memory_space<vmem>>) dst(%dma_wait3A_97 : memref<3520xf32, #tpu.memory_space<hbm>>)
    %dma_wait3A_100 = arith.constant 10560 : i32
    %dma_wait3A_101 = tpu.memref_slice %arg7[%dma_wait3A_100] : memref<15360xf32, #tpu.memory_space<vmem>> -> memref<1600xf32, #tpu.memory_space<vmem>>
    %dma_wait3A_102 = tpu.memref_slice %arg5[%add3A_87] : memref<1638400xf32, #tpu.memory_space<hbm>> -> memref<1600xf32, #tpu.memory_space<hbm>>
    %dma_wait3A_103 = tpu.memref_slice %arg5[%add3A_87] : memref<1638400xf32, #tpu.memory_space<hbm>> -> memref<1600xf32, #tpu.memory_space<hbm>>
    %dma_wait3A_104 = arith.constant 10560 : i32
    %dma_wait3A_105 = tpu.memref_slice %arg7[%dma_wait3A_104] : memref<15360xf32, #tpu.memory_space<vmem>> -> memref<1600xf32, #tpu.memory_space<vmem>>
    tpu.wait_dma2 semaphore(%arg21 : memref<!tpu.dma_semaphore, #tpu.memory_space<semaphore_mem>>) src(%dma_wait3A_105 : memref<1600xf32, #tpu.memory_space<vmem>>) dst(%dma_wait3A_103 : memref<1600xf32, #tpu.memory_space<hbm>>)
    %dma_start3A_106 = arith.constant 0 : i32
    %dma_start3A_107 = tpu.memref_slice %arg7[%dma_start3A_106] : memref<15360xf32, #tpu.memory_space<vmem>> -> memref<3520xf32, #tpu.memory_space<vmem>>
    %dma_start3A_108 = arith.constant 10560 : i32
    %dma_start3A_109 = tpu.memref_slice %arg6[%dma_start3A_108] : memref<51200xi32, #tpu.memory_space<vmem>> -> memref<3520xi32, #tpu.memory_space<vmem>>
    %dma_start3A_110 = arith.constant 0 : i32
    %dma_start3A_111 = tpu.memref_slice %arg9[%dma_start3A_110] : memref<1000000xf32, #tpu.memory_space<vmem_shared>> -> memref<1000000xf32, #tpu.memory_space<vmem_shared>>
    tpu.enqueue_indirect_dma source(%dma_start3A_111 : memref<1000000xf32, #tpu.memory_space<vmem_shared>>) target(%dma_start3A_107 : memref<3520xf32, #tpu.memory_space<vmem>>) offsets(%dma_start3A_109 : memref<3520xi32, #tpu.memory_space<vmem>>) semaphore(%arg12 : memref<!tpu.dma_semaphore, #tpu.memory_space<semaphore_mem>>)
    %dma_start3A_112 = arith.constant 10560 : i32
    %dma_start3A_113 = tpu.memref_slice %arg7[%dma_start3A_112] : memref<15360xf32, #tpu.memory_space<vmem>> -> memref<1600xf32, #tpu.memory_space<vmem>>
    %dma_start3A_114 = arith.constant 40000 : i32
    %dma_start3A_115 = tpu.memref_slice %arg6[%dma_start3A_114] : memref<51200xi32, #tpu.memory_space<vmem>> -> memref<1600xi32, #tpu.memory_space<vmem>>
    %dma_start3A_116 = arith.constant 0 : i32
    %dma_start3A_117 = tpu.memref_slice %arg2[%dma_start3A_116] : memref<1000000xf32, #tpu.memory_space<hbm>> -> memref<1000000xf32, #tpu.memory_space<hbm>>
    tpu.enqueue_indirect_dma source(%dma_start3A_117 : memref<1000000xf32, #tpu.memory_space<hbm>>) target(%dma_start3A_113 : memref<1600xf32, #tpu.memory_space<vmem>>) offsets(%dma_start3A_115 : memref<1600xi32, #tpu.memory_space<vmem>>) semaphore(%arg15 : memref<!tpu.dma_semaphore, #tpu.memory_space<semaphore_mem>>)
    %dma_wait3A_118 = arith.constant 3520 : i32
    %dma_wait3A_119 = tpu.memref_slice %arg7[%dma_wait3A_118] : memref<15360xf32, #tpu.memory_space<vmem>> -> memref<3520xf32, #tpu.memory_space<vmem>>
    %dma_wait3A_120 = arith.constant 3520 : i32
    %dma_wait3A_121 = tpu.memref_slice %arg6[%dma_wait3A_120] : memref<51200xi32, #tpu.memory_space<vmem>> -> memref<3520xi32, #tpu.memory_space<vmem>>
    %dma_wait3A_122 = arith.constant 0 : i32
    %dma_wait3A_123 = tpu.memref_slice %arg9[%dma_wait3A_122] : memref<1000000xf32, #tpu.memory_space<vmem_shared>> -> memref<1000000xf32, #tpu.memory_space<vmem_shared>>
    tpu.wait_indirect_dma semaphore(%arg13 : memref<!tpu.dma_semaphore, #tpu.memory_space<semaphore_mem>>) src(%dma_wait3A_123 : memref<1000000xf32, #tpu.memory_space<vmem_shared>>) dst(%dma_wait3A_119 : memref<3520xf32, #tpu.memory_space<vmem>>)
    %scan3A_124 = arith.constant 0 : i32
    %scan3A_125 = arith.constant 0 : i32
    %scan3A_126 = arith.constant 220 : i32
    %scan3A_127 = arith.addi %scan3A_125, %scan3A_126 : i32
    %scan3A_128 = arith.constant 1 : i32
    scf.for %scan3A_676 = %scan3A_125 to %scan3A_127 step %scan3A_128  : i32 {
      %mul3A_677 = arith.constant 16 : i32
      %mul3A_678 = arith.muli %scan3A_676, %mul3A_677 : i32
      %add3A_679 = arith.constant 3520 : i32
      %add3A_680 = arith.addi %add3A_679, %mul3A_678 : i32
      %get3A_681 = arith.index_cast %add3A_680 : i32 to index
      %get3A_682 = tpu.vector_load %arg7[%get3A_681] {strides = array<i32>} : memref<15360xf32, #tpu.memory_space<vmem>>, vector<16xf32>,
      %get3A_683 = vector.shape_cast %get3A_682 : vector<16xf32> to vector<16xf32>
      %mul3A_684 = vector.broadcast %squeeze3A : f32 to vector<16xf32>
      %mul3A_685 = arith.mulf %get3A_683, %mul3A_684 : vector<16xf32>
      %swap3A = arith.index_cast %add3A_680 : i32 to index
      %swap3A_686 = tpu.vector_load %arg7[%swap3A] {strides = array<i32>} : memref<15360xf32, #tpu.memory_space<vmem>>, vector<16xf32>,
      %swap3A_687 = vector.shape_cast %swap3A_686 : vector<16xf32> to vector<16xf32>
      %swap3A_688 = vector.shape_cast %mul3A_685 : vector<16xf32> to vector<16xf32>
      tpu.vector_store %arg7[%swap3A], %swap3A_688 {strides = array<i32>} : memref<15360xf32, #tpu.memory_space<vmem>>, vector<16xf32>,
    }
    %scan3A_129 = arith.constant 220 : i32
    %add3A_130 = arith.constant 3520 : i32
    %add3A_131 = arith.addi %mul3A_2, %add3A_130 : i32
    %dma_start3A_132 = arith.constant 3520 : i32
    %dma_start3A_133 = tpu.memref_slice %arg7[%dma_start3A_132] : memref<15360xf32, #tpu.memory_space<vmem>> -> memref<3520xf32, #tpu.memory_space<vmem>>
    %dma_start3A_134 = tpu.memref_slice %arg5[%add3A_131] : memref<1638400xf32, #tpu.memory_space<hbm>> -> memref<3520xf32, #tpu.memory_space<hbm>>
    %dma_start3A_135 = tpu.memref_slice %arg5[%add3A_131] : memref<1638400xf32, #tpu.memory_space<hbm>> -> memref<3520xf32, #tpu.memory_space<hbm>>
    %dma_start3A_136 = arith.constant 3520 : i32
    %dma_start3A_137 = tpu.memref_slice %arg7[%dma_start3A_136] : memref<15360xf32, #tpu.memory_space<vmem>> -> memref<3520xf32, #tpu.memory_space<vmem>>
    tpu.enqueue_dma source(%dma_start3A_137 : memref<3520xf32, #tpu.memory_space<vmem>>) target(%dma_start3A_135 : memref<3520xf32, #tpu.memory_space<hbm>>) target_semaphore(%arg19 : memref<!tpu.dma_semaphore, #tpu.memory_space<semaphore_mem>>)
    %dma_wait3A_138 = arith.constant 12160 : i32
    %dma_wait3A_139 = tpu.memref_slice %arg7[%dma_wait3A_138] : memref<15360xf32, #tpu.memory_space<vmem>> -> memref<1600xf32, #tpu.memory_space<vmem>>
    %dma_wait3A_140 = arith.constant 36800 : i32
    %dma_wait3A_141 = tpu.memref_slice %arg6[%dma_wait3A_140] : memref<51200xi32, #tpu.memory_space<vmem>> -> memref<1600xi32, #tpu.memory_space<vmem>>
    %dma_wait3A_142 = arith.constant 0 : i32
    %dma_wait3A_143 = tpu.memref_slice %arg2[%dma_wait3A_142] : memref<1000000xf32, #tpu.memory_space<hbm>> -> memref<1000000xf32, #tpu.memory_space<hbm>>
    tpu.wait_indirect_dma semaphore(%arg16 : memref<!tpu.dma_semaphore, #tpu.memory_space<semaphore_mem>>) src(%dma_wait3A_143 : memref<1000000xf32, #tpu.memory_space<hbm>>) dst(%dma_wait3A_139 : memref<1600xf32, #tpu.memory_space<vmem>>)
    %scan3A_144 = arith.constant 0 : i32
    %scan3A_145 = arith.constant 0 : i32
    %scan3A_146 = arith.constant 100 : i32
    %scan3A_147 = arith.addi %scan3A_145, %scan3A_146 : i32
    %scan3A_148 = arith.constant 1 : i32
    scf.for %scan3A_676 = %scan3A_145 to %scan3A_147 step %scan3A_148  : i32 {
      %mul3A_677 = arith.constant 16 : i32
      %mul3A_678 = arith.muli %scan3A_676, %mul3A_677 : i32
      %add3A_679 = arith.constant 12160 : i32
      %add3A_680 = arith.addi %add3A_679, %mul3A_678 : i32
      %get3A_681 = arith.index_cast %add3A_680 : i32 to index
      %get3A_682 = tpu.vector_load %arg7[%get3A_681] {strides = array<i32>} : memref<15360xf32, #tpu.memory_space<vmem>>, vector<16xf32>,
      %get3A_683 = vector.shape_cast %get3A_682 : vector<16xf32> to vector<16xf32>
      %mul3A_684 = vector.broadcast %squeeze3A : f32 to vector<16xf32>
      %mul3A_685 = arith.mulf %get3A_683, %mul3A_684 : vector<16xf32>
      %swap3A = arith.index_cast %add3A_680 : i32 to index
      %swap3A_686 = tpu.vector_load %arg7[%swap3A] {strides = array<i32>} : memref<15360xf32, #tpu.memory_space<vmem>>, vector<16xf32>,
      %swap3A_687 = vector.shape_cast %swap3A_686 : vector<16xf32> to vector<16xf32>
      %swap3A_688 = vector.shape_cast %mul3A_685 : vector<16xf32> to vector<16xf32>
      tpu.vector_store %arg7[%swap3A], %swap3A_688 {strides = array<i32>} : memref<15360xf32, #tpu.memory_space<vmem>>, vector<16xf32>,
    }
    %scan3A_149 = arith.constant 100 : i32
    %add3A_150 = arith.constant 35200 : i32
    %add3A_151 = arith.addi %mul3A_2, %add3A_150 : i32
    %add3A_152 = arith.constant 1600 : i32
    %add3A_153 = arith.addi %add3A_151, %add3A_152 : i32
    %dma_start3A_154 = arith.constant 12160 : i32
    %dma_start3A_155 = tpu.memref_slice %arg7[%dma_start3A_154] : memref<15360xf32, #tpu.memory_space<vmem>> -> memref<1600xf32, #tpu.memory_space<vmem>>
    %dma_start3A_156 = tpu.memref_slice %arg5[%add3A_153] : memref<1638400xf32, #tpu.memory_space<hbm>> -> memref<1600xf32, #tpu.memory_space<hbm>>
    %dma_start3A_157 = tpu.memref_slice %arg5[%add3A_153] : memref<1638400xf32, #tpu.memory_space<hbm>> -> memref<1600xf32, #tpu.memory_space<hbm>>
    %dma_start3A_158 = arith.constant 12160 : i32
    %dma_start3A_159 = tpu.memref_slice %arg7[%dma_start3A_158] : memref<15360xf32, #tpu.memory_space<vmem>> -> memref<1600xf32, #tpu.memory_space<vmem>>
    tpu.enqueue_dma source(%dma_start3A_159 : memref<1600xf32, #tpu.memory_space<vmem>>) target(%dma_start3A_157 : memref<1600xf32, #tpu.memory_space<hbm>>) target_semaphore(%arg22 : memref<!tpu.dma_semaphore, #tpu.memory_space<semaphore_mem>>)
    %dma_wait3A_160 = arith.constant 3520 : i32
    %dma_wait3A_161 = tpu.memref_slice %arg7[%dma_wait3A_160] : memref<15360xf32, #tpu.memory_space<vmem>> -> memref<3520xf32, #tpu.memory_space<vmem>>
    %dma_wait3A_162 = tpu.memref_slice %arg5[%add3A_131] : memref<1638400xf32, #tpu.memory_space<hbm>> -> memref<3520xf32, #tpu.memory_space<hbm>>
    %dma_wait3A_163 = tpu.memref_slice %arg5[%add3A_131] : memref<1638400xf32, #tpu.memory_space<hbm>> -> memref<3520xf32, #tpu.memory_space<hbm>>
    %dma_wait3A_164 = arith.constant 3520 : i32
    %dma_wait3A_165 = tpu.memref_slice %arg7[%dma_wait3A_164] : memref<15360xf32, #tpu.memory_space<vmem>> -> memref<3520xf32, #tpu.memory_space<vmem>>
    tpu.wait_dma2 semaphore(%arg19 : memref<!tpu.dma_semaphore, #tpu.memory_space<semaphore_mem>>) src(%dma_wait3A_165 : memref<3520xf32, #tpu.memory_space<vmem>>) dst(%dma_wait3A_163 : memref<3520xf32, #tpu.memory_space<hbm>>)
    %dma_wait3A_166 = arith.constant 12160 : i32
    %dma_wait3A_167 = tpu.memref_slice %arg7[%dma_wait3A_166] : memref<15360xf32, #tpu.memory_space<vmem>> -> memref<1600xf32, #tpu.memory_space<vmem>>
    %dma_wait3A_168 = tpu.memref_slice %arg5[%add3A_153] : memref<1638400xf32, #tpu.memory_space<hbm>> -> memref<1600xf32, #tpu.memory_space<hbm>>
    %dma_wait3A_169 = tpu.memref_slice %arg5[%add3A_153] : memref<1638400xf32, #tpu.memory_space<hbm>> -> memref<1600xf32, #tpu.memory_space<hbm>>
    %dma_wait3A_170 = arith.constant 12160 : i32
    %dma_wait3A_171 = tpu.memref_slice %arg7[%dma_wait3A_170] : memref<15360xf32, #tpu.memory_space<vmem>> -> memref<1600xf32, #tpu.memory_space<vmem>>
    tpu.wait_dma2 semaphore(%arg22 : memref<!tpu.dma_semaphore, #tpu.memory_space<semaphore_mem>>) src(%dma_wait3A_171 : memref<1600xf32, #tpu.memory_space<vmem>>) dst(%dma_wait3A_169 : memref<1600xf32, #tpu.memory_space<hbm>>)
    %dma_start3A_172 = arith.constant 3520 : i32
    %dma_start3A_173 = tpu.memref_slice %arg7[%dma_start3A_172] : memref<15360xf32, #tpu.memory_space<vmem>> -> memref<3520xf32, #tpu.memory_space<vmem>>
    %dma_start3A_174 = arith.constant 14080 : i32
    %dma_start3A_175 = tpu.memref_slice %arg6[%dma_start3A_174] : memref<51200xi32, #tpu.memory_space<vmem>> -> memref<3520xi32, #tpu.memory_space<vmem>>
    %dma_start3A_176 = arith.constant 0 : i32
    %dma_start3A_177 = tpu.memref_slice %arg9[%dma_start3A_176] : memref<1000000xf32, #tpu.memory_space<vmem_shared>> -> memref<1000000xf32, #tpu.memory_space<vmem_shared>>
    tpu.enqueue_indirect_dma source(%dma_start3A_177 : memref<1000000xf32, #tpu.memory_space<vmem_shared>>) target(%dma_start3A_173 : memref<3520xf32, #tpu.memory_space<vmem>>) offsets(%dma_start3A_175 : memref<3520xi32, #tpu.memory_space<vmem>>) semaphore(%arg13 : memref<!tpu.dma_semaphore, #tpu.memory_space<semaphore_mem>>)
    %dma_start3A_178 = arith.constant 12160 : i32
    %dma_start3A_179 = tpu.memref_slice %arg7[%dma_start3A_178] : memref<15360xf32, #tpu.memory_space<vmem>> -> memref<1600xf32, #tpu.memory_space<vmem>>
    %dma_start3A_180 = arith.constant 41600 : i32
    %dma_start3A_181 = tpu.memref_slice %arg6[%dma_start3A_180] : memref<51200xi32, #tpu.memory_space<vmem>> -> memref<1600xi32, #tpu.memory_space<vmem>>
    %dma_start3A_182 = arith.constant 0 : i32
    %dma_start3A_183 = tpu.memref_slice %arg2[%dma_start3A_182] : memref<1000000xf32, #tpu.memory_space<hbm>> -> memref<1000000xf32, #tpu.memory_space<hbm>>
    tpu.enqueue_indirect_dma source(%dma_start3A_183 : memref<1000000xf32, #tpu.memory_space<hbm>>) target(%dma_start3A_179 : memref<1600xf32, #tpu.memory_space<vmem>>) offsets(%dma_start3A_181 : memref<1600xi32, #tpu.memory_space<vmem>>) semaphore(%arg16 : memref<!tpu.dma_semaphore, #tpu.memory_space<semaphore_mem>>)
    %dma_wait3A_184 = arith.constant 7040 : i32
    %dma_wait3A_185 = tpu.memref_slice %arg7[%dma_wait3A_184] : memref<15360xf32, #tpu.memory_space<vmem>> -> memref<3520xf32, #tpu.memory_space<vmem>>
    %dma_wait3A_186 = arith.constant 7040 : i32
    %dma_wait3A_187 = tpu.memref_slice %arg6[%dma_wait3A_186] : memref<51200xi32, #tpu.memory_space<vmem>> -> memref<3520xi32, #tpu.memory_space<vmem>>
    %dma_wait3A_188 = arith.constant 0 : i32
    %dma_wait3A_189 = tpu.memref_slice %arg9[%dma_wait3A_188] : memref<1000000xf32, #tpu.memory_space<vmem_shared>> -> memref<1000000xf32, #tpu.memory_space<vmem_shared>>
    tpu.wait_indirect_dma semaphore(%arg14 : memref<!tpu.dma_semaphore, #tpu.memory_space<semaphore_mem>>) src(%dma_wait3A_189 : memref<1000000xf32, #tpu.memory_space<vmem_shared>>) dst(%dma_wait3A_185 : memref<3520xf32, #tpu.memory_space<vmem>>)
    %scan3A_190 = arith.constant 0 : i32
    %scan3A_191 = arith.constant 0 : i32
    %scan3A_192 = arith.constant 220 : i32
    %scan3A_193 = arith.addi %scan3A_191, %scan3A_192 : i32
    %scan3A_194 = arith.constant 1 : i32
    scf.for %scan3A_676 = %scan3A_191 to %scan3A_193 step %scan3A_194  : i32 {
      %mul3A_677 = arith.constant 16 : i32
      %mul3A_678 = arith.muli %scan3A_676, %mul3A_677 : i32
      %add3A_679 = arith.constant 7040 : i32
      %add3A_680 = arith.addi %add3A_679, %mul3A_678 : i32
      %get3A_681 = arith.index_cast %add3A_680 : i32 to index
      %get3A_682 = tpu.vector_load %arg7[%get3A_681] {strides = array<i32>} : memref<15360xf32, #tpu.memory_space<vmem>>, vector<16xf32>,
      %get3A_683 = vector.shape_cast %get3A_682 : vector<16xf32> to vector<16xf32>
      %mul3A_684 = vector.broadcast %squeeze3A : f32 to vector<16xf32>
      %mul3A_685 = arith.mulf %get3A_683, %mul3A_684 : vector<16xf32>
      %swap3A = arith.index_cast %add3A_680 : i32 to index
      %swap3A_686 = tpu.vector_load %arg7[%swap3A] {strides = array<i32>} : memref<15360xf32, #tpu.memory_space<vmem>>, vector<16xf32>,
      %swap3A_687 = vector.shape_cast %swap3A_686 : vector<16xf32> to vector<16xf32>
      %swap3A_688 = vector.shape_cast %mul3A_685 : vector<16xf32> to vector<16xf32>
      tpu.vector_store %arg7[%swap3A], %swap3A_688 {strides = array<i32>} : memref<15360xf32, #tpu.memory_space<vmem>>, vector<16xf32>,
    }
    %scan3A_195 = arith.constant 220 : i32
    %add3A_196 = arith.constant 7040 : i32
    %add3A_197 = arith.addi %mul3A_2, %add3A_196 : i32
    %dma_start3A_198 = arith.constant 7040 : i32
    %dma_start3A_199 = tpu.memref_slice %arg7[%dma_start3A_198] : memref<15360xf32, #tpu.memory_space<vmem>> -> memref<3520xf32, #tpu.memory_space<vmem>>
    %dma_start3A_200 = tpu.memref_slice %arg5[%add3A_197] : memref<1638400xf32, #tpu.memory_space<hbm>> -> memref<3520xf32, #tpu.memory_space<hbm>>
    %dma_start3A_201 = tpu.memref_slice %arg5[%add3A_197] : memref<1638400xf32, #tpu.memory_space<hbm>> -> memref<3520xf32, #tpu.memory_space<hbm>>
    %dma_start3A_202 = arith.constant 7040 : i32
    %dma_start3A_203 = tpu.memref_slice %arg7[%dma_start3A_202] : memref<15360xf32, #tpu.memory_space<vmem>> -> memref<3520xf32, #tpu.memory_space<vmem>>
    tpu.enqueue_dma source(%dma_start3A_203 : memref<3520xf32, #tpu.memory_space<vmem>>) target(%dma_start3A_201 : memref<3520xf32, #tpu.memory_space<hbm>>) target_semaphore(%arg20 : memref<!tpu.dma_semaphore, #tpu.memory_space<semaphore_mem>>)
    %dma_wait3A_204 = arith.constant 13760 : i32
    %dma_wait3A_205 = tpu.memref_slice %arg7[%dma_wait3A_204] : memref<15360xf32, #tpu.memory_space<vmem>> -> memref<1600xf32, #tpu.memory_space<vmem>>
    %dma_wait3A_206 = arith.constant 38400 : i32
    %dma_wait3A_207 = tpu.memref_slice %arg6[%dma_wait3A_206] : memref<51200xi32, #tpu.memory_space<vmem>> -> memref<1600xi32, #tpu.memory_space<vmem>>
    %dma_wait3A_208 = arith.constant 0 : i32
    %dma_wait3A_209 = tpu.memref_slice %arg2[%dma_wait3A_208] : memref<1000000xf32, #tpu.memory_space<hbm>> -> memref<1000000xf32, #tpu.memory_space<hbm>>
    tpu.wait_indirect_dma semaphore(%arg17 : memref<!tpu.dma_semaphore, #tpu.memory_space<semaphore_mem>>) src(%dma_wait3A_209 : memref<1000000xf32, #tpu.memory_space<hbm>>) dst(%dma_wait3A_205 : memref<1600xf32, #tpu.memory_space<vmem>>)
    %scan3A_210 = arith.constant 0 : i32
    %scan3A_211 = arith.constant 0 : i32
    %scan3A_212 = arith.constant 100 : i32
    %scan3A_213 = arith.addi %scan3A_211, %scan3A_212 : i32
    %scan3A_214 = arith.constant 1 : i32
    scf.for %scan3A_676 = %scan3A_211 to %scan3A_213 step %scan3A_214  : i32 {
      %mul3A_677 = arith.constant 16 : i32
      %mul3A_678 = arith.muli %scan3A_676, %mul3A_677 : i32
      %add3A_679 = arith.constant 13760 : i32
      %add3A_680 = arith.addi %add3A_679, %mul3A_678 : i32
      %get3A_681 = arith.index_cast %add3A_680 : i32 to index
      %get3A_682 = tpu.vector_load %arg7[%get3A_681] {strides = array<i32>} : memref<15360xf32, #tpu.memory_space<vmem>>, vector<16xf32>,
      %get3A_683 = vector.shape_cast %get3A_682 : vector<16xf32> to vector<16xf32>
      %mul3A_684 = vector.broadcast %squeeze3A : f32 to vector<16xf32>
      %mul3A_685 = arith.mulf %get3A_683, %mul3A_684 : vector<16xf32>
      %swap3A = arith.index_cast %add3A_680 : i32 to index
      %swap3A_686 = tpu.vector_load %arg7[%swap3A] {strides = array<i32>} : memref<15360xf32, #tpu.memory_space<vmem>>, vector<16xf32>,
      %swap3A_687 = vector.shape_cast %swap3A_686 : vector<16xf32> to vector<16xf32>
      %swap3A_688 = vector.shape_cast %mul3A_685 : vector<16xf32> to vector<16xf32>
      tpu.vector_store %arg7[%swap3A], %swap3A_688 {strides = array<i32>} : memref<15360xf32, #tpu.memory_space<vmem>>, vector<16xf32>,
    }
    %scan3A_215 = arith.constant 100 : i32
    %add3A_216 = arith.constant 35200 : i32
    %add3A_217 = arith.addi %mul3A_2, %add3A_216 : i32
    %add3A_218 = arith.constant 3200 : i32
    %add3A_219 = arith.addi %add3A_217, %add3A_218 : i32
    %dma_start3A_220 = arith.constant 13760 : i32
    %dma_start3A_221 = tpu.memref_slice %arg7[%dma_start3A_220] : memref<15360xf32, #tpu.memory_space<vmem>> -> memref<1600xf32, #tpu.memory_space<vmem>>
    %dma_start3A_222 = tpu.memref_slice %arg5[%add3A_219] : memref<1638400xf32, #tpu.memory_space<hbm>> -> memref<1600xf32, #tpu.memory_space<hbm>>
    %dma_start3A_223 = tpu.memref_slice %arg5[%add3A_219] : memref<1638400xf32, #tpu.memory_space<hbm>> -> memref<1600xf32, #tpu.memory_space<hbm>>
    %dma_start3A_224 = arith.constant 13760 : i32
    %dma_start3A_225 = tpu.memref_slice %arg7[%dma_start3A_224] : memref<15360xf32, #tpu.memory_space<vmem>> -> memref<1600xf32, #tpu.memory_space<vmem>>
    tpu.enqueue_dma source(%dma_start3A_225 : memref<1600xf32, #tpu.memory_space<vmem>>) target(%dma_start3A_223 : memref<1600xf32, #tpu.memory_space<hbm>>) target_semaphore(%arg23 : memref<!tpu.dma_semaphore, #tpu.memory_space<semaphore_mem>>)
    %dma_wait3A_226 = arith.constant 7040 : i32
    %dma_wait3A_227 = tpu.memref_slice %arg7[%dma_wait3A_226] : memref<15360xf32, #tpu.memory_space<vmem>> -> memref<3520xf32, #tpu.memory_space<vmem>>
    %dma_wait3A_228 = tpu.memref_slice %arg5[%add3A_197] : memref<1638400xf32, #tpu.memory_space<hbm>> -> memref<3520xf32, #tpu.memory_space<hbm>>
    %dma_wait3A_229 = tpu.memref_slice %arg5[%add3A_197] : memref<1638400xf32, #tpu.memory_space<hbm>> -> memref<3520xf32, #tpu.memory_space<hbm>>
    %dma_wait3A_230 = arith.constant 7040 : i32
    %dma_wait3A_231 = tpu.memref_slice %arg7[%dma_wait3A_230] : memref<15360xf32, #tpu.memory_space<vmem>> -> memref<3520xf32, #tpu.memory_space<vmem>>
    tpu.wait_dma2 semaphore(%arg20 : memref<!tpu.dma_semaphore, #tpu.memory_space<semaphore_mem>>) src(%dma_wait3A_231 : memref<3520xf32, #tpu.memory_space<vmem>>) dst(%dma_wait3A_229 : memref<3520xf32, #tpu.memory_space<hbm>>)
    %dma_wait3A_232 = arith.constant 13760 : i32
    %dma_wait3A_233 = tpu.memref_slice %arg7[%dma_wait3A_232] : memref<15360xf32, #tpu.memory_space<vmem>> -> memref<1600xf32, #tpu.memory_space<vmem>>
    %dma_wait3A_234 = tpu.memref_slice %arg5[%add3A_219] : memref<1638400xf32, #tpu.memory_space<hbm>> -> memref<1600xf32, #tpu.memory_space<hbm>>
    %dma_wait3A_235 = tpu.memref_slice %arg5[%add3A_219] : memref<1638400xf32, #tpu.memory_space<hbm>> -> memref<1600xf32, #tpu.memory_space<hbm>>
    %dma_wait3A_236 = arith.constant 13760 : i32
    %dma_wait3A_237 = tpu.memref_slice %arg7[%dma_wait3A_236] : memref<15360xf32, #tpu.memory_space<vmem>> -> memref<1600xf32, #tpu.memory_space<vmem>>
    tpu.wait_dma2 semaphore(%arg23 : memref<!tpu.dma_semaphore, #tpu.memory_space<semaphore_mem>>) src(%dma_wait3A_237 : memref<1600xf32, #tpu.memory_space<vmem>>) dst(%dma_wait3A_235 : memref<1600xf32, #tpu.memory_space<hbm>>)
    %dma_start3A_238 = arith.constant 7040 : i32
    %dma_start3A_239 = tpu.memref_slice %arg7[%dma_start3A_238] : memref<15360xf32, #tpu.memory_space<vmem>> -> memref<3520xf32, #tpu.memory_space<vmem>>
    %dma_start3A_240 = arith.constant 17600 : i32
    %dma_start3A_241 = tpu.memref_slice %arg6[%dma_start3A_240] : memref<51200xi32, #tpu.memory_space<vmem>> -> memref<3520xi32, #tpu.memory_space<vmem>>
    %dma_start3A_242 = arith.constant 0 : i32
    %dma_start3A_243 = tpu.memref_slice %arg9[%dma_start3A_242] : memref<1000000xf32, #tpu.memory_space<vmem_shared>> -> memref<1000000xf32, #tpu.memory_space<vmem_shared>>
    tpu.enqueue_indirect_dma source(%dma_start3A_243 : memref<1000000xf32, #tpu.memory_space<vmem_shared>>) target(%dma_start3A_239 : memref<3520xf32, #tpu.memory_space<vmem>>) offsets(%dma_start3A_241 : memref<3520xi32, #tpu.memory_space<vmem>>) semaphore(%arg14 : memref<!tpu.dma_semaphore, #tpu.memory_space<semaphore_mem>>)
    %dma_start3A_244 = arith.constant 13760 : i32
    %dma_start3A_245 = tpu.memref_slice %arg7[%dma_start3A_244] : memref<15360xf32, #tpu.memory_space<vmem>> -> memref<1600xf32, #tpu.memory_space<vmem>>
    %dma_start3A_246 = arith.constant 43200 : i32
    %dma_start3A_247 = tpu.memref_slice %arg6[%dma_start3A_246] : memref<51200xi32, #tpu.memory_space<vmem>> -> memref<1600xi32, #tpu.memory_space<vmem>>
    %dma_start3A_248 = arith.constant 0 : i32
    %dma_start3A_249 = tpu.memref_slice %arg2[%dma_start3A_248] : memref<1000000xf32, #tpu.memory_space<hbm>> -> memref<1000000xf32, #tpu.memory_space<hbm>>
    tpu.enqueue_indirect_dma source(%dma_start3A_249 : memref<1000000xf32, #tpu.memory_space<hbm>>) target(%dma_start3A_245 : memref<1600xf32, #tpu.memory_space<vmem>>) offsets(%dma_start3A_247 : memref<1600xi32, #tpu.memory_space<vmem>>) semaphore(%arg17 : memref<!tpu.dma_semaphore, #tpu.memory_space<semaphore_mem>>)
    %dma_wait3A_250 = arith.constant 0 : i32
    %dma_wait3A_251 = tpu.memref_slice %arg7[%dma_wait3A_250] : memref<15360xf32, #tpu.memory_space<vmem>> -> memref<3520xf32, #tpu.memory_space<vmem>>
    %dma_wait3A_252 = arith.constant 10560 : i32
    %dma_wait3A_253 = tpu.memref_slice %arg6[%dma_wait3A_252] : memref<51200xi32, #tpu.memory_space<vmem>> -> memref<3520xi32, #tpu.memory_space<vmem>>
    %dma_wait3A_254 = arith.constant 0 : i32
    %dma_wait3A_255 = tpu.memref_slice %arg9[%dma_wait3A_254] : memref<1000000xf32, #tpu.memory_space<vmem_shared>> -> memref<1000000xf32, #tpu.memory_space<vmem_shared>>
    tpu.wait_indirect_dma semaphore(%arg12 : memref<!tpu.dma_semaphore, #tpu.memory_space<semaphore_mem>>) src(%dma_wait3A_255 : memref<1000000xf32, #tpu.memory_space<vmem_shared>>) dst(%dma_wait3A_251 : memref<3520xf32, #tpu.memory_space<vmem>>)
    %scan3A_256 = arith.constant 0 : i32
    %scan3A_257 = arith.constant 0 : i32
    %scan3A_258 = arith.constant 220 : i32
    %scan3A_259 = arith.addi %scan3A_257, %scan3A_258 : i32
    %scan3A_260 = arith.constant 1 : i32
    scf.for %scan3A_676 = %scan3A_257 to %scan3A_259 step %scan3A_260  : i32 {
      %mul3A_677 = arith.constant 16 : i32
      %mul3A_678 = arith.muli %scan3A_676, %mul3A_677 : i32
      %add3A_679 = arith.constant 0 : i32
      %add3A_680 = arith.addi %add3A_679, %mul3A_678 : i32
      %get3A_681 = arith.index_cast %add3A_680 : i32 to index
      %get3A_682 = tpu.vector_load %arg7[%get3A_681] {strides = array<i32>} : memref<15360xf32, #tpu.memory_space<vmem>>, vector<16xf32>,
      %get3A_683 = vector.shape_cast %get3A_682 : vector<16xf32> to vector<16xf32>
      %mul3A_684 = vector.broadcast %squeeze3A : f32 to vector<16xf32>
      %mul3A_685 = arith.mulf %get3A_683, %mul3A_684 : vector<16xf32>
      %swap3A = arith.index_cast %add3A_680 : i32 to index
      %swap3A_686 = tpu.vector_load %arg7[%swap3A] {strides = array<i32>} : memref<15360xf32, #tpu.memory_space<vmem>>, vector<16xf32>,
      %swap3A_687 = vector.shape_cast %swap3A_686 : vector<16xf32> to vector<16xf32>
      %swap3A_688 = vector.shape_cast %mul3A_685 : vector<16xf32> to vector<16xf32>
      tpu.vector_store %arg7[%swap3A], %swap3A_688 {strides = array<i32>} : memref<15360xf32, #tpu.memory_space<vmem>>, vector<16xf32>,
    }
    %scan3A_261 = arith.constant 220 : i32
    %add3A_262 = arith.constant 10560 : i32
    %add3A_263 = arith.addi %mul3A_2, %add3A_262 : i32
    %dma_start3A_264 = arith.constant 0 : i32
    %dma_start3A_265 = tpu.memref_slice %arg7[%dma_start3A_264] : memref<15360xf32, #tpu.memory_space<vmem>> -> memref<3520xf32, #tpu.memory_space<vmem>>
    %dma_start3A_266 = tpu.memref_slice %arg5[%add3A_263] : memref<1638400xf32, #tpu.memory_space<hbm>> -> memref<3520xf32, #tpu.memory_space<hbm>>
    %dma_start3A_267 = tpu.memref_slice %arg5[%add3A_263] : memref<1638400xf32, #tpu.memory_space<hbm>> -> memref<3520xf32, #tpu.memory_space<hbm>>
    %dma_start3A_268 = arith.constant 0 : i32
    %dma_start3A_269 = tpu.memref_slice %arg7[%dma_start3A_268] : memref<15360xf32, #tpu.memory_space<vmem>> -> memref<3520xf32, #tpu.memory_space<vmem>>
    tpu.enqueue_dma source(%dma_start3A_269 : memref<3520xf32, #tpu.memory_space<vmem>>) target(%dma_start3A_267 : memref<3520xf32, #tpu.memory_space<hbm>>) target_semaphore(%arg18 : memref<!tpu.dma_semaphore, #tpu.memory_space<semaphore_mem>>)
    %dma_wait3A_270 = arith.constant 10560 : i32
    %dma_wait3A_271 = tpu.memref_slice %arg7[%dma_wait3A_270] : memref<15360xf32, #tpu.memory_space<vmem>> -> memref<1600xf32, #tpu.memory_space<vmem>>
    %dma_wait3A_272 = arith.constant 40000 : i32
    %dma_wait3A_273 = tpu.memref_slice %arg6[%dma_wait3A_272] : memref<51200xi32, #tpu.memory_space<vmem>> -> memref<1600xi32, #tpu.memory_space<vmem>>
    %dma_wait3A_274 = arith.constant 0 : i32
    %dma_wait3A_275 = tpu.memref_slice %arg2[%dma_wait3A_274] : memref<1000000xf32, #tpu.memory_space<hbm>> -> memref<1000000xf32, #tpu.memory_space<hbm>>
    tpu.wait_indirect_dma semaphore(%arg15 : memref<!tpu.dma_semaphore, #tpu.memory_space<semaphore_mem>>) src(%dma_wait3A_275 : memref<1000000xf32, #tpu.memory_space<hbm>>) dst(%dma_wait3A_271 : memref<1600xf32, #tpu.memory_space<vmem>>)
    %scan3A_276 = arith.constant 0 : i32
    %scan3A_277 = arith.constant 0 : i32
    %scan3A_278 = arith.constant 100 : i32
    %scan3A_279 = arith.addi %scan3A_277, %scan3A_278 : i32
    %scan3A_280 = arith.constant 1 : i32
    scf.for %scan3A_676 = %scan3A_277 to %scan3A_279 step %scan3A_280  : i32 {
      %mul3A_677 = arith.constant 16 : i32
      %mul3A_678 = arith.muli %scan3A_676, %mul3A_677 : i32
      %add3A_679 = arith.constant 10560 : i32
      %add3A_680 = arith.addi %add3A_679, %mul3A_678 : i32
      %get3A_681 = arith.index_cast %add3A_680 : i32 to index
      %get3A_682 = tpu.vector_load %arg7[%get3A_681] {strides = array<i32>} : memref<15360xf32, #tpu.memory_space<vmem>>, vector<16xf32>,
      %get3A_683 = vector.shape_cast %get3A_682 : vector<16xf32> to vector<16xf32>
      %mul3A_684 = vector.broadcast %squeeze3A : f32 to vector<16xf32>
      %mul3A_685 = arith.mulf %get3A_683, %mul3A_684 : vector<16xf32>
      %swap3A = arith.index_cast %add3A_680 : i32 to index
      %swap3A_686 = tpu.vector_load %arg7[%swap3A] {strides = array<i32>} : memref<15360xf32, #tpu.memory_space<vmem>>, vector<16xf32>,
      %swap3A_687 = vector.shape_cast %swap3A_686 : vector<16xf32> to vector<16xf32>
      %swap3A_688 = vector.shape_cast %mul3A_685 : vector<16xf32> to vector<16xf32>
      tpu.vector_store %arg7[%swap3A], %swap3A_688 {strides = array<i32>} : memref<15360xf32, #tpu.memory_space<vmem>>, vector<16xf32>,
    }
    %scan3A_281 = arith.constant 100 : i32
    %add3A_282 = arith.constant 35200 : i32
    %add3A_283 = arith.addi %mul3A_2, %add3A_282 : i32
    %add3A_284 = arith.constant 4800 : i32
    %add3A_285 = arith.addi %add3A_283, %add3A_284 : i32
    %dma_start3A_286 = arith.constant 10560 : i32
    %dma_start3A_287 = tpu.memref_slice %arg7[%dma_start3A_286] : memref<15360xf32, #tpu.memory_space<vmem>> -> memref<1600xf32, #tpu.memory_space<vmem>>
    %dma_start3A_288 = tpu.memref_slice %arg5[%add3A_285] : memref<1638400xf32, #tpu.memory_space<hbm>> -> memref<1600xf32, #tpu.memory_space<hbm>>
    %dma_start3A_289 = tpu.memref_slice %arg5[%add3A_285] : memref<1638400xf32, #tpu.memory_space<hbm>> -> memref<1600xf32, #tpu.memory_space<hbm>>
    %dma_start3A_290 = arith.constant 10560 : i32
    %dma_start3A_291 = tpu.memref_slice %arg7[%dma_start3A_290] : memref<15360xf32, #tpu.memory_space<vmem>> -> memref<1600xf32, #tpu.memory_space<vmem>>
    tpu.enqueue_dma source(%dma_start3A_291 : memref<1600xf32, #tpu.memory_space<vmem>>) target(%dma_start3A_289 : memref<1600xf32, #tpu.memory_space<hbm>>) target_semaphore(%arg21 : memref<!tpu.dma_semaphore, #tpu.memory_space<semaphore_mem>>)
    %dma_wait3A_292 = arith.constant 0 : i32
    %dma_wait3A_293 = tpu.memref_slice %arg7[%dma_wait3A_292] : memref<15360xf32, #tpu.memory_space<vmem>> -> memref<3520xf32, #tpu.memory_space<vmem>>
    %dma_wait3A_294 = tpu.memref_slice %arg5[%add3A_263] : memref<1638400xf32, #tpu.memory_space<hbm>> -> memref<3520xf32, #tpu.memory_space<hbm>>
    %dma_wait3A_295 = tpu.memref_slice %arg5[%add3A_263] : memref<1638400xf32, #tpu.memory_space<hbm>> -> memref<3520xf32, #tpu.memory_space<hbm>>
    %dma_wait3A_296 = arith.constant 0 : i32
    %dma_wait3A_297 = tpu.memref_slice %arg7[%dma_wait3A_296] : memref<15360xf32, #tpu.memory_space<vmem>> -> memref<3520xf32, #tpu.memory_space<vmem>>
    tpu.wait_dma2 semaphore(%arg18 : memref<!tpu.dma_semaphore, #tpu.memory_space<semaphore_mem>>) src(%dma_wait3A_297 : memref<3520xf32, #tpu.memory_space<vmem>>) dst(%dma_wait3A_295 : memref<3520xf32, #tpu.memory_space<hbm>>)
    %dma_wait3A_298 = arith.constant 10560 : i32
    %dma_wait3A_299 = tpu.memref_slice %arg7[%dma_wait3A_298] : memref<15360xf32, #tpu.memory_space<vmem>> -> memref<1600xf32, #tpu.memory_space<vmem>>
    %dma_wait3A_300 = tpu.memref_slice %arg5[%add3A_285] : memref<1638400xf32, #tpu.memory_space<hbm>> -> memref<1600xf32, #tpu.memory_space<hbm>>
    %dma_wait3A_301 = tpu.memref_slice %arg5[%add3A_285] : memref<1638400xf32, #tpu.memory_space<hbm>> -> memref<1600xf32, #tpu.memory_space<hbm>>
    %dma_wait3A_302 = arith.constant 10560 : i32
    %dma_wait3A_303 = tpu.memref_slice %arg7[%dma_wait3A_302] : memref<15360xf32, #tpu.memory_space<vmem>> -> memref<1600xf32, #tpu.memory_space<vmem>>
    tpu.wait_dma2 semaphore(%arg21 : memref<!tpu.dma_semaphore, #tpu.memory_space<semaphore_mem>>) src(%dma_wait3A_303 : memref<1600xf32, #tpu.memory_space<vmem>>) dst(%dma_wait3A_301 : memref<1600xf32, #tpu.memory_space<hbm>>)
    %dma_start3A_304 = arith.constant 0 : i32
    %dma_start3A_305 = tpu.memref_slice %arg7[%dma_start3A_304] : memref<15360xf32, #tpu.memory_space<vmem>> -> memref<3520xf32, #tpu.memory_space<vmem>>
    %dma_start3A_306 = arith.constant 21120 : i32
    %dma_start3A_307 = tpu.memref_slice %arg6[%dma_start3A_306] : memref<51200xi32, #tpu.memory_space<vmem>> -> memref<3520xi32, #tpu.memory_space<vmem>>
    %dma_start3A_308 = arith.constant 0 : i32
    %dma_start3A_309 = tpu.memref_slice %arg9[%dma_start3A_308] : memref<1000000xf32, #tpu.memory_space<vmem_shared>> -> memref<1000000xf32, #tpu.memory_space<vmem_shared>>
    tpu.enqueue_indirect_dma source(%dma_start3A_309 : memref<1000000xf32, #tpu.memory_space<vmem_shared>>) target(%dma_start3A_305 : memref<3520xf32, #tpu.memory_space<vmem>>) offsets(%dma_start3A_307 : memref<3520xi32, #tpu.memory_space<vmem>>) semaphore(%arg12 : memref<!tpu.dma_semaphore, #tpu.memory_space<semaphore_mem>>)
    %dma_start3A_310 = arith.constant 10560 : i32
    %dma_start3A_311 = tpu.memref_slice %arg7[%dma_start3A_310] : memref<15360xf32, #tpu.memory_space<vmem>> -> memref<1600xf32, #tpu.memory_space<vmem>>
    %dma_start3A_312 = arith.constant 44800 : i32
    %dma_start3A_313 = tpu.memref_slice %arg6[%dma_start3A_312] : memref<51200xi32, #tpu.memory_space<vmem>> -> memref<1600xi32, #tpu.memory_space<vmem>>
    %dma_start3A_314 = arith.constant 0 : i32
    %dma_start3A_315 = tpu.memref_slice %arg2[%dma_start3A_314] : memref<1000000xf32, #tpu.memory_space<hbm>> -> memref<1000000xf32, #tpu.memory_space<hbm>>
    tpu.enqueue_indirect_dma source(%dma_start3A_315 : memref<1000000xf32, #tpu.memory_space<hbm>>) target(%dma_start3A_311 : memref<1600xf32, #tpu.memory_space<vmem>>) offsets(%dma_start3A_313 : memref<1600xi32, #tpu.memory_space<vmem>>) semaphore(%arg15 : memref<!tpu.dma_semaphore, #tpu.memory_space<semaphore_mem>>)
    %dma_wait3A_316 = arith.constant 3520 : i32
    %dma_wait3A_317 = tpu.memref_slice %arg7[%dma_wait3A_316] : memref<15360xf32, #tpu.memory_space<vmem>> -> memref<3520xf32, #tpu.memory_space<vmem>>
    %dma_wait3A_318 = arith.constant 14080 : i32
    %dma_wait3A_319 = tpu.memref_slice %arg6[%dma_wait3A_318] : memref<51200xi32, #tpu.memory_space<vmem>> -> memref<3520xi32, #tpu.memory_space<vmem>>
    %dma_wait3A_320 = arith.constant 0 : i32
    %dma_wait3A_321 = tpu.memref_slice %arg9[%dma_wait3A_320] : memref<1000000xf32, #tpu.memory_space<vmem_shared>> -> memref<1000000xf32, #tpu.memory_space<vmem_shared>>
    tpu.wait_indirect_dma semaphore(%arg13 : memref<!tpu.dma_semaphore, #tpu.memory_space<semaphore_mem>>) src(%dma_wait3A_321 : memref<1000000xf32, #tpu.memory_space<vmem_shared>>) dst(%dma_wait3A_317 : memref<3520xf32, #tpu.memory_space<vmem>>)
    %scan3A_322 = arith.constant 0 : i32
    %scan3A_323 = arith.constant 0 : i32
    %scan3A_324 = arith.constant 220 : i32
    %scan3A_325 = arith.addi %scan3A_323, %scan3A_324 : i32
    %scan3A_326 = arith.constant 1 : i32
    scf.for %scan3A_676 = %scan3A_323 to %scan3A_325 step %scan3A_326  : i32 {
      %mul3A_677 = arith.constant 16 : i32
      %mul3A_678 = arith.muli %scan3A_676, %mul3A_677 : i32
      %add3A_679 = arith.constant 3520 : i32
      %add3A_680 = arith.addi %add3A_679, %mul3A_678 : i32
      %get3A_681 = arith.index_cast %add3A_680 : i32 to index
      %get3A_682 = tpu.vector_load %arg7[%get3A_681] {strides = array<i32>} : memref<15360xf32, #tpu.memory_space<vmem>>, vector<16xf32>,
      %get3A_683 = vector.shape_cast %get3A_682 : vector<16xf32> to vector<16xf32>
      %mul3A_684 = vector.broadcast %squeeze3A : f32 to vector<16xf32>
      %mul3A_685 = arith.mulf %get3A_683, %mul3A_684 : vector<16xf32>
      %swap3A = arith.index_cast %add3A_680 : i32 to index
      %swap3A_686 = tpu.vector_load %arg7[%swap3A] {strides = array<i32>} : memref<15360xf32, #tpu.memory_space<vmem>>, vector<16xf32>,
      %swap3A_687 = vector.shape_cast %swap3A_686 : vector<16xf32> to vector<16xf32>
      %swap3A_688 = vector.shape_cast %mul3A_685 : vector<16xf32> to vector<16xf32>
      tpu.vector_store %arg7[%swap3A], %swap3A_688 {strides = array<i32>} : memref<15360xf32, #tpu.memory_space<vmem>>, vector<16xf32>,
    }
    %scan3A_327 = arith.constant 220 : i32
    %add3A_328 = arith.constant 14080 : i32
    %add3A_329 = arith.addi %mul3A_2, %add3A_328 : i32
    %dma_start3A_330 = arith.constant 3520 : i32
    %dma_start3A_331 = tpu.memref_slice %arg7[%dma_start3A_330] : memref<15360xf32, #tpu.memory_space<vmem>> -> memref<3520xf32, #tpu.memory_space<vmem>>
    %dma_start3A_332 = tpu.memref_slice %arg5[%add3A_329] : memref<1638400xf32, #tpu.memory_space<hbm>> -> memref<3520xf32, #tpu.memory_space<hbm>>
    %dma_start3A_333 = tpu.memref_slice %arg5[%add3A_329] : memref<1638400xf32, #tpu.memory_space<hbm>> -> memref<3520xf32, #tpu.memory_space<hbm>>
    %dma_start3A_334 = arith.constant 3520 : i32
    %dma_start3A_335 = tpu.memref_slice %arg7[%dma_start3A_334] : memref<15360xf32, #tpu.memory_space<vmem>> -> memref<3520xf32, #tpu.memory_space<vmem>>
    tpu.enqueue_dma source(%dma_start3A_335 : memref<3520xf32, #tpu.memory_space<vmem>>) target(%dma_start3A_333 : memref<3520xf32, #tpu.memory_space<hbm>>) target_semaphore(%arg19 : memref<!tpu.dma_semaphore, #tpu.memory_space<semaphore_mem>>)
    %dma_wait3A_336 = arith.constant 12160 : i32
    %dma_wait3A_337 = tpu.memref_slice %arg7[%dma_wait3A_336] : memref<15360xf32, #tpu.memory_space<vmem>> -> memref<1600xf32, #tpu.memory_space<vmem>>
    %dma_wait3A_338 = arith.constant 41600 : i32
    %dma_wait3A_339 = tpu.memref_slice %arg6[%dma_wait3A_338] : memref<51200xi32, #tpu.memory_space<vmem>> -> memref<1600xi32, #tpu.memory_space<vmem>>
    %dma_wait3A_340 = arith.constant 0 : i32
    %dma_wait3A_341 = tpu.memref_slice %arg2[%dma_wait3A_340] : memref<1000000xf32, #tpu.memory_space<hbm>> -> memref<1000000xf32, #tpu.memory_space<hbm>>
    tpu.wait_indirect_dma semaphore(%arg16 : memref<!tpu.dma_semaphore, #tpu.memory_space<semaphore_mem>>) src(%dma_wait3A_341 : memref<1000000xf32, #tpu.memory_space<hbm>>) dst(%dma_wait3A_337 : memref<1600xf32, #tpu.memory_space<vmem>>)
    %scan3A_342 = arith.constant 0 : i32
    %scan3A_343 = arith.constant 0 : i32
    %scan3A_344 = arith.constant 100 : i32
    %scan3A_345 = arith.addi %scan3A_343, %scan3A_344 : i32
    %scan3A_346 = arith.constant 1 : i32
    scf.for %scan3A_676 = %scan3A_343 to %scan3A_345 step %scan3A_346  : i32 {
      %mul3A_677 = arith.constant 16 : i32
      %mul3A_678 = arith.muli %scan3A_676, %mul3A_677 : i32
      %add3A_679 = arith.constant 12160 : i32
      %add3A_680 = arith.addi %add3A_679, %mul3A_678 : i32
      %get3A_681 = arith.index_cast %add3A_680 : i32 to index
      %get3A_682 = tpu.vector_load %arg7[%get3A_681] {strides = array<i32>} : memref<15360xf32, #tpu.memory_space<vmem>>, vector<16xf32>,
      %get3A_683 = vector.shape_cast %get3A_682 : vector<16xf32> to vector<16xf32>
      %mul3A_684 = vector.broadcast %squeeze3A : f32 to vector<16xf32>
      %mul3A_685 = arith.mulf %get3A_683, %mul3A_684 : vector<16xf32>
      %swap3A = arith.index_cast %add3A_680 : i32 to index
      %swap3A_686 = tpu.vector_load %arg7[%swap3A] {strides = array<i32>} : memref<15360xf32, #tpu.memory_space<vmem>>, vector<16xf32>,
      %swap3A_687 = vector.shape_cast %swap3A_686 : vector<16xf32> to vector<16xf32>
      %swap3A_688 = vector.shape_cast %mul3A_685 : vector<16xf32> to vector<16xf32>
      tpu.vector_store %arg7[%swap3A], %swap3A_688 {strides = array<i32>} : memref<15360xf32, #tpu.memory_space<vmem>>, vector<16xf32>,
    }
    %scan3A_347 = arith.constant 100 : i32
    %add3A_348 = arith.constant 35200 : i32
    %add3A_349 = arith.addi %mul3A_2, %add3A_348 : i32
    %add3A_350 = arith.constant 6400 : i32
    %add3A_351 = arith.addi %add3A_349, %add3A_350 : i32
    %dma_start3A_352 = arith.constant 12160 : i32
    %dma_start3A_353 = tpu.memref_slice %arg7[%dma_start3A_352] : memref<15360xf32, #tpu.memory_space<vmem>> -> memref<1600xf32, #tpu.memory_space<vmem>>
    %dma_start3A_354 = tpu.memref_slice %arg5[%add3A_351] : memref<1638400xf32, #tpu.memory_space<hbm>> -> memref<1600xf32, #tpu.memory_space<hbm>>
    %dma_start3A_355 = tpu.memref_slice %arg5[%add3A_351] : memref<1638400xf32, #tpu.memory_space<hbm>> -> memref<1600xf32, #tpu.memory_space<hbm>>
    %dma_start3A_356 = arith.constant 12160 : i32
    %dma_start3A_357 = tpu.memref_slice %arg7[%dma_start3A_356] : memref<15360xf32, #tpu.memory_space<vmem>> -> memref<1600xf32, #tpu.memory_space<vmem>>
    tpu.enqueue_dma source(%dma_start3A_357 : memref<1600xf32, #tpu.memory_space<vmem>>) target(%dma_start3A_355 : memref<1600xf32, #tpu.memory_space<hbm>>) target_semaphore(%arg22 : memref<!tpu.dma_semaphore, #tpu.memory_space<semaphore_mem>>)
    %dma_wait3A_358 = arith.constant 3520 : i32
    %dma_wait3A_359 = tpu.memref_slice %arg7[%dma_wait3A_358] : memref<15360xf32, #tpu.memory_space<vmem>> -> memref<3520xf32, #tpu.memory_space<vmem>>
    %dma_wait3A_360 = tpu.memref_slice %arg5[%add3A_329] : memref<1638400xf32, #tpu.memory_space<hbm>> -> memref<3520xf32, #tpu.memory_space<hbm>>
    %dma_wait3A_361 = tpu.memref_slice %arg5[%add3A_329] : memref<1638400xf32, #tpu.memory_space<hbm>> -> memref<3520xf32, #tpu.memory_space<hbm>>
    %dma_wait3A_362 = arith.constant 3520 : i32
    %dma_wait3A_363 = tpu.memref_slice %arg7[%dma_wait3A_362] : memref<15360xf32, #tpu.memory_space<vmem>> -> memref<3520xf32, #tpu.memory_space<vmem>>
    tpu.wait_dma2 semaphore(%arg19 : memref<!tpu.dma_semaphore, #tpu.memory_space<semaphore_mem>>) src(%dma_wait3A_363 : memref<3520xf32, #tpu.memory_space<vmem>>) dst(%dma_wait3A_361 : memref<3520xf32, #tpu.memory_space<hbm>>)
    %dma_wait3A_364 = arith.constant 12160 : i32
    %dma_wait3A_365 = tpu.memref_slice %arg7[%dma_wait3A_364] : memref<15360xf32, #tpu.memory_space<vmem>> -> memref<1600xf32, #tpu.memory_space<vmem>>
    %dma_wait3A_366 = tpu.memref_slice %arg5[%add3A_351] : memref<1638400xf32, #tpu.memory_space<hbm>> -> memref<1600xf32, #tpu.memory_space<hbm>>
    %dma_wait3A_367 = tpu.memref_slice %arg5[%add3A_351] : memref<1638400xf32, #tpu.memory_space<hbm>> -> memref<1600xf32, #tpu.memory_space<hbm>>
    %dma_wait3A_368 = arith.constant 12160 : i32
    %dma_wait3A_369 = tpu.memref_slice %arg7[%dma_wait3A_368] : memref<15360xf32, #tpu.memory_space<vmem>> -> memref<1600xf32, #tpu.memory_space<vmem>>
    tpu.wait_dma2 semaphore(%arg22 : memref<!tpu.dma_semaphore, #tpu.memory_space<semaphore_mem>>) src(%dma_wait3A_369 : memref<1600xf32, #tpu.memory_space<vmem>>) dst(%dma_wait3A_367 : memref<1600xf32, #tpu.memory_space<hbm>>)
    %dma_start3A_370 = arith.constant 3520 : i32
    %dma_start3A_371 = tpu.memref_slice %arg7[%dma_start3A_370] : memref<15360xf32, #tpu.memory_space<vmem>> -> memref<3520xf32, #tpu.memory_space<vmem>>
    %dma_start3A_372 = arith.constant 24640 : i32
    %dma_start3A_373 = tpu.memref_slice %arg6[%dma_start3A_372] : memref<51200xi32, #tpu.memory_space<vmem>> -> memref<3520xi32, #tpu.memory_space<vmem>>
    %dma_start3A_374 = arith.constant 0 : i32
    %dma_start3A_375 = tpu.memref_slice %arg9[%dma_start3A_374] : memref<1000000xf32, #tpu.memory_space<vmem_shared>> -> memref<1000000xf32, #tpu.memory_space<vmem_shared>>
    tpu.enqueue_indirect_dma source(%dma_start3A_375 : memref<1000000xf32, #tpu.memory_space<vmem_shared>>) target(%dma_start3A_371 : memref<3520xf32, #tpu.memory_space<vmem>>) offsets(%dma_start3A_373 : memref<3520xi32, #tpu.memory_space<vmem>>) semaphore(%arg13 : memref<!tpu.dma_semaphore, #tpu.memory_space<semaphore_mem>>)
    %dma_start3A_376 = arith.constant 12160 : i32
    %dma_start3A_377 = tpu.memref_slice %arg7[%dma_start3A_376] : memref<15360xf32, #tpu.memory_space<vmem>> -> memref<1600xf32, #tpu.memory_space<vmem>>
    %dma_start3A_378 = arith.constant 46400 : i32
    %dma_start3A_379 = tpu.memref_slice %arg6[%dma_start3A_378] : memref<51200xi32, #tpu.memory_space<vmem>> -> memref<1600xi32, #tpu.memory_space<vmem>>
    %dma_start3A_380 = arith.constant 0 : i32
    %dma_start3A_381 = tpu.memref_slice %arg2[%dma_start3A_380] : memref<1000000xf32, #tpu.memory_space<hbm>> -> memref<1000000xf32, #tpu.memory_space<hbm>>
    tpu.enqueue_indirect_dma source(%dma_start3A_381 : memref<1000000xf32, #tpu.memory_space<hbm>>) target(%dma_start3A_377 : memref<1600xf32, #tpu.memory_space<vmem>>) offsets(%dma_start3A_379 : memref<1600xi32, #tpu.memory_space<vmem>>) semaphore(%arg16 : memref<!tpu.dma_semaphore, #tpu.memory_space<semaphore_mem>>)
    %dma_wait3A_382 = arith.constant 7040 : i32
    %dma_wait3A_383 = tpu.memref_slice %arg7[%dma_wait3A_382] : memref<15360xf32, #tpu.memory_space<vmem>> -> memref<3520xf32, #tpu.memory_space<vmem>>
    %dma_wait3A_384 = arith.constant 17600 : i32
    %dma_wait3A_385 = tpu.memref_slice %arg6[%dma_wait3A_384] : memref<51200xi32, #tpu.memory_space<vmem>> -> memref<3520xi32, #tpu.memory_space<vmem>>
    %dma_wait3A_386 = arith.constant 0 : i32
    %dma_wait3A_387 = tpu.memref_slice %arg9[%dma_wait3A_386] : memref<1000000xf32, #tpu.memory_space<vmem_shared>> -> memref<1000000xf32, #tpu.memory_space<vmem_shared>>
    tpu.wait_indirect_dma semaphore(%arg14 : memref<!tpu.dma_semaphore, #tpu.memory_space<semaphore_mem>>) src(%dma_wait3A_387 : memref<1000000xf32, #tpu.memory_space<vmem_shared>>) dst(%dma_wait3A_383 : memref<3520xf32, #tpu.memory_space<vmem>>)
    %scan3A_388 = arith.constant 0 : i32
    %scan3A_389 = arith.constant 0 : i32
    %scan3A_390 = arith.constant 220 : i32
    %scan3A_391 = arith.addi %scan3A_389, %scan3A_390 : i32
    %scan3A_392 = arith.constant 1 : i32
    scf.for %scan3A_676 = %scan3A_389 to %scan3A_391 step %scan3A_392  : i32 {
      %mul3A_677 = arith.constant 16 : i32
      %mul3A_678 = arith.muli %scan3A_676, %mul3A_677 : i32
      %add3A_679 = arith.constant 7040 : i32
      %add3A_680 = arith.addi %add3A_679, %mul3A_678 : i32
      %get3A_681 = arith.index_cast %add3A_680 : i32 to index
      %get3A_682 = tpu.vector_load %arg7[%get3A_681] {strides = array<i32>} : memref<15360xf32, #tpu.memory_space<vmem>>, vector<16xf32>,
      %get3A_683 = vector.shape_cast %get3A_682 : vector<16xf32> to vector<16xf32>
      %mul3A_684 = vector.broadcast %squeeze3A : f32 to vector<16xf32>
      %mul3A_685 = arith.mulf %get3A_683, %mul3A_684 : vector<16xf32>
      %swap3A = arith.index_cast %add3A_680 : i32 to index
      %swap3A_686 = tpu.vector_load %arg7[%swap3A] {strides = array<i32>} : memref<15360xf32, #tpu.memory_space<vmem>>, vector<16xf32>,
      %swap3A_687 = vector.shape_cast %swap3A_686 : vector<16xf32> to vector<16xf32>
      %swap3A_688 = vector.shape_cast %mul3A_685 : vector<16xf32> to vector<16xf32>
      tpu.vector_store %arg7[%swap3A], %swap3A_688 {strides = array<i32>} : memref<15360xf32, #tpu.memory_space<vmem>>, vector<16xf32>,
    }
    %scan3A_393 = arith.constant 220 : i32
    %add3A_394 = arith.constant 17600 : i32
    %add3A_395 = arith.addi %mul3A_2, %add3A_394 : i32
    %dma_start3A_396 = arith.constant 7040 : i32
    %dma_start3A_397 = tpu.memref_slice %arg7[%dma_start3A_396] : memref<15360xf32, #tpu.memory_space<vmem>> -> memref<3520xf32, #tpu.memory_space<vmem>>
    %dma_start3A_398 = tpu.memref_slice %arg5[%add3A_395] : memref<1638400xf32, #tpu.memory_space<hbm>> -> memref<3520xf32, #tpu.memory_space<hbm>>
    %dma_start3A_399 = tpu.memref_slice %arg5[%add3A_395] : memref<1638400xf32, #tpu.memory_space<hbm>> -> memref<3520xf32, #tpu.memory_space<hbm>>
    %dma_start3A_400 = arith.constant 7040 : i32
    %dma_start3A_401 = tpu.memref_slice %arg7[%dma_start3A_400] : memref<15360xf32, #tpu.memory_space<vmem>> -> memref<3520xf32, #tpu.memory_space<vmem>>
    tpu.enqueue_dma source(%dma_start3A_401 : memref<3520xf32, #tpu.memory_space<vmem>>) target(%dma_start3A_399 : memref<3520xf32, #tpu.memory_space<hbm>>) target_semaphore(%arg20 : memref<!tpu.dma_semaphore, #tpu.memory_space<semaphore_mem>>)
    %dma_wait3A_402 = arith.constant 13760 : i32
    %dma_wait3A_403 = tpu.memref_slice %arg7[%dma_wait3A_402] : memref<15360xf32, #tpu.memory_space<vmem>> -> memref<1600xf32, #tpu.memory_space<vmem>>
    %dma_wait3A_404 = arith.constant 43200 : i32
    %dma_wait3A_405 = tpu.memref_slice %arg6[%dma_wait3A_404] : memref<51200xi32, #tpu.memory_space<vmem>> -> memref<1600xi32, #tpu.memory_space<vmem>>
    %dma_wait3A_406 = arith.constant 0 : i32
    %dma_wait3A_407 = tpu.memref_slice %arg2[%dma_wait3A_406] : memref<1000000xf32, #tpu.memory_space<hbm>> -> memref<1000000xf32, #tpu.memory_space<hbm>>
    tpu.wait_indirect_dma semaphore(%arg17 : memref<!tpu.dma_semaphore, #tpu.memory_space<semaphore_mem>>) src(%dma_wait3A_407 : memref<1000000xf32, #tpu.memory_space<hbm>>) dst(%dma_wait3A_403 : memref<1600xf32, #tpu.memory_space<vmem>>)
    %scan3A_408 = arith.constant 0 : i32
    %scan3A_409 = arith.constant 0 : i32
    %scan3A_410 = arith.constant 100 : i32
    %scan3A_411 = arith.addi %scan3A_409, %scan3A_410 : i32
    %scan3A_412 = arith.constant 1 : i32
    scf.for %scan3A_676 = %scan3A_409 to %scan3A_411 step %scan3A_412  : i32 {
      %mul3A_677 = arith.constant 16 : i32
      %mul3A_678 = arith.muli %scan3A_676, %mul3A_677 : i32
      %add3A_679 = arith.constant 13760 : i32
      %add3A_680 = arith.addi %add3A_679, %mul3A_678 : i32
      %get3A_681 = arith.index_cast %add3A_680 : i32 to index
      %get3A_682 = tpu.vector_load %arg7[%get3A_681] {strides = array<i32>} : memref<15360xf32, #tpu.memory_space<vmem>>, vector<16xf32>,
      %get3A_683 = vector.shape_cast %get3A_682 : vector<16xf32> to vector<16xf32>
      %mul3A_684 = vector.broadcast %squeeze3A : f32 to vector<16xf32>
      %mul3A_685 = arith.mulf %get3A_683, %mul3A_684 : vector<16xf32>
      %swap3A = arith.index_cast %add3A_680 : i32 to index
      %swap3A_686 = tpu.vector_load %arg7[%swap3A] {strides = array<i32>} : memref<15360xf32, #tpu.memory_space<vmem>>, vector<16xf32>,
      %swap3A_687 = vector.shape_cast %swap3A_686 : vector<16xf32> to vector<16xf32>
      %swap3A_688 = vector.shape_cast %mul3A_685 : vector<16xf32> to vector<16xf32>
      tpu.vector_store %arg7[%swap3A], %swap3A_688 {strides = array<i32>} : memref<15360xf32, #tpu.memory_space<vmem>>, vector<16xf32>,
    }
    %scan3A_413 = arith.constant 100 : i32
    %add3A_414 = arith.constant 35200 : i32
    %add3A_415 = arith.addi %mul3A_2, %add3A_414 : i32
    %add3A_416 = arith.constant 8000 : i32
    %add3A_417 = arith.addi %add3A_415, %add3A_416 : i32
    %dma_start3A_418 = arith.constant 13760 : i32
    %dma_start3A_419 = tpu.memref_slice %arg7[%dma_start3A_418] : memref<15360xf32, #tpu.memory_space<vmem>> -> memref<1600xf32, #tpu.memory_space<vmem>>
    %dma_start3A_420 = tpu.memref_slice %arg5[%add3A_417] : memref<1638400xf32, #tpu.memory_space<hbm>> -> memref<1600xf32, #tpu.memory_space<hbm>>
    %dma_start3A_421 = tpu.memref_slice %arg5[%add3A_417] : memref<1638400xf32, #tpu.memory_space<hbm>> -> memref<1600xf32, #tpu.memory_space<hbm>>
    %dma_start3A_422 = arith.constant 13760 : i32
    %dma_start3A_423 = tpu.memref_slice %arg7[%dma_start3A_422] : memref<15360xf32, #tpu.memory_space<vmem>> -> memref<1600xf32, #tpu.memory_space<vmem>>
    tpu.enqueue_dma source(%dma_start3A_423 : memref<1600xf32, #tpu.memory_space<vmem>>) target(%dma_start3A_421 : memref<1600xf32, #tpu.memory_space<hbm>>) target_semaphore(%arg23 : memref<!tpu.dma_semaphore, #tpu.memory_space<semaphore_mem>>)
    %dma_wait3A_424 = arith.constant 7040 : i32
    %dma_wait3A_425 = tpu.memref_slice %arg7[%dma_wait3A_424] : memref<15360xf32, #tpu.memory_space<vmem>> -> memref<3520xf32, #tpu.memory_space<vmem>>
    %dma_wait3A_426 = tpu.memref_slice %arg5[%add3A_395] : memref<1638400xf32, #tpu.memory_space<hbm>> -> memref<3520xf32, #tpu.memory_space<hbm>>
    %dma_wait3A_427 = tpu.memref_slice %arg5[%add3A_395] : memref<1638400xf32, #tpu.memory_space<hbm>> -> memref<3520xf32, #tpu.memory_space<hbm>>
    %dma_wait3A_428 = arith.constant 7040 : i32
    %dma_wait3A_429 = tpu.memref_slice %arg7[%dma_wait3A_428] : memref<15360xf32, #tpu.memory_space<vmem>> -> memref<3520xf32, #tpu.memory_space<vmem>>
    tpu.wait_dma2 semaphore(%arg20 : memref<!tpu.dma_semaphore, #tpu.memory_space<semaphore_mem>>) src(%dma_wait3A_429 : memref<3520xf32, #tpu.memory_space<vmem>>) dst(%dma_wait3A_427 : memref<3520xf32, #tpu.memory_space<hbm>>)
    %dma_wait3A_430 = arith.constant 13760 : i32
    %dma_wait3A_431 = tpu.memref_slice %arg7[%dma_wait3A_430] : memref<15360xf32, #tpu.memory_space<vmem>> -> memref<1600xf32, #tpu.memory_space<vmem>>
    %dma_wait3A_432 = tpu.memref_slice %arg5[%add3A_417] : memref<1638400xf32, #tpu.memory_space<hbm>> -> memref<1600xf32, #tpu.memory_space<hbm>>
    %dma_wait3A_433 = tpu.memref_slice %arg5[%add3A_417] : memref<1638400xf32, #tpu.memory_space<hbm>> -> memref<1600xf32, #tpu.memory_space<hbm>>
    %dma_wait3A_434 = arith.constant 13760 : i32
    %dma_wait3A_435 = tpu.memref_slice %arg7[%dma_wait3A_434] : memref<15360xf32, #tpu.memory_space<vmem>> -> memref<1600xf32, #tpu.memory_space<vmem>>
    tpu.wait_dma2 semaphore(%arg23 : memref<!tpu.dma_semaphore, #tpu.memory_space<semaphore_mem>>) src(%dma_wait3A_435 : memref<1600xf32, #tpu.memory_space<vmem>>) dst(%dma_wait3A_433 : memref<1600xf32, #tpu.memory_space<hbm>>)
    %dma_start3A_436 = arith.constant 7040 : i32
    %dma_start3A_437 = tpu.memref_slice %arg7[%dma_start3A_436] : memref<15360xf32, #tpu.memory_space<vmem>> -> memref<3520xf32, #tpu.memory_space<vmem>>
    %dma_start3A_438 = arith.constant 28160 : i32
    %dma_start3A_439 = tpu.memref_slice %arg6[%dma_start3A_438] : memref<51200xi32, #tpu.memory_space<vmem>> -> memref<3520xi32, #tpu.memory_space<vmem>>
    %dma_start3A_440 = arith.constant 0 : i32
    %dma_start3A_441 = tpu.memref_slice %arg9[%dma_start3A_440] : memref<1000000xf32, #tpu.memory_space<vmem_shared>> -> memref<1000000xf32, #tpu.memory_space<vmem_shared>>
    tpu.enqueue_indirect_dma source(%dma_start3A_441 : memref<1000000xf32, #tpu.memory_space<vmem_shared>>) target(%dma_start3A_437 : memref<3520xf32, #tpu.memory_space<vmem>>) offsets(%dma_start3A_439 : memref<3520xi32, #tpu.memory_space<vmem>>) semaphore(%arg14 : memref<!tpu.dma_semaphore, #tpu.memory_space<semaphore_mem>>)
    %dma_start3A_442 = arith.constant 13760 : i32
    %dma_start3A_443 = tpu.memref_slice %arg7[%dma_start3A_442] : memref<15360xf32, #tpu.memory_space<vmem>> -> memref<1600xf32, #tpu.memory_space<vmem>>
    %dma_start3A_444 = arith.constant 48000 : i32
    %dma_start3A_445 = tpu.memref_slice %arg6[%dma_start3A_444] : memref<51200xi32, #tpu.memory_space<vmem>> -> memref<1600xi32, #tpu.memory_space<vmem>>
    %dma_start3A_446 = arith.constant 0 : i32
    %dma_start3A_447 = tpu.memref_slice %arg2[%dma_start3A_446] : memref<1000000xf32, #tpu.memory_space<hbm>> -> memref<1000000xf32, #tpu.memory_space<hbm>>
    tpu.enqueue_indirect_dma source(%dma_start3A_447 : memref<1000000xf32, #tpu.memory_space<hbm>>) target(%dma_start3A_443 : memref<1600xf32, #tpu.memory_space<vmem>>) offsets(%dma_start3A_445 : memref<1600xi32, #tpu.memory_space<vmem>>) semaphore(%arg17 : memref<!tpu.dma_semaphore, #tpu.memory_space<semaphore_mem>>)
    %dma_wait3A_448 = arith.constant 0 : i32
    %dma_wait3A_449 = tpu.memref_slice %arg7[%dma_wait3A_448] : memref<15360xf32, #tpu.memory_space<vmem>> -> memref<3520xf32, #tpu.memory_space<vmem>>
    %dma_wait3A_450 = arith.constant 21120 : i32
    %dma_wait3A_451 = tpu.memref_slice %arg6[%dma_wait3A_450] : memref<51200xi32, #tpu.memory_space<vmem>> -> memref<3520xi32, #tpu.memory_space<vmem>>
    %dma_wait3A_452 = arith.constant 0 : i32
    %dma_wait3A_453 = tpu.memref_slice %arg9[%dma_wait3A_452] : memref<1000000xf32, #tpu.memory_space<vmem_shared>> -> memref<1000000xf32, #tpu.memory_space<vmem_shared>>
    tpu.wait_indirect_dma semaphore(%arg12 : memref<!tpu.dma_semaphore, #tpu.memory_space<semaphore_mem>>) src(%dma_wait3A_453 : memref<1000000xf32, #tpu.memory_space<vmem_shared>>) dst(%dma_wait3A_449 : memref<3520xf32, #tpu.memory_space<vmem>>)
    %scan3A_454 = arith.constant 0 : i32
    %scan3A_455 = arith.constant 0 : i32
    %scan3A_456 = arith.constant 220 : i32
    %scan3A_457 = arith.addi %scan3A_455, %scan3A_456 : i32
    %scan3A_458 = arith.constant 1 : i32
    scf.for %scan3A_676 = %scan3A_455 to %scan3A_457 step %scan3A_458  : i32 {
      %mul3A_677 = arith.constant 16 : i32
      %mul3A_678 = arith.muli %scan3A_676, %mul3A_677 : i32
      %add3A_679 = arith.constant 0 : i32
      %add3A_680 = arith.addi %add3A_679, %mul3A_678 : i32
      %get3A_681 = arith.index_cast %add3A_680 : i32 to index
      %get3A_682 = tpu.vector_load %arg7[%get3A_681] {strides = array<i32>} : memref<15360xf32, #tpu.memory_space<vmem>>, vector<16xf32>,
      %get3A_683 = vector.shape_cast %get3A_682 : vector<16xf32> to vector<16xf32>
      %mul3A_684 = vector.broadcast %squeeze3A : f32 to vector<16xf32>
      %mul3A_685 = arith.mulf %get3A_683, %mul3A_684 : vector<16xf32>
      %swap3A = arith.index_cast %add3A_680 : i32 to index
      %swap3A_686 = tpu.vector_load %arg7[%swap3A] {strides = array<i32>} : memref<15360xf32, #tpu.memory_space<vmem>>, vector<16xf32>,
      %swap3A_687 = vector.shape_cast %swap3A_686 : vector<16xf32> to vector<16xf32>
      %swap3A_688 = vector.shape_cast %mul3A_685 : vector<16xf32> to vector<16xf32>
      tpu.vector_store %arg7[%swap3A], %swap3A_688 {strides = array<i32>} : memref<15360xf32, #tpu.memory_space<vmem>>, vector<16xf32>,
    }
    %scan3A_459 = arith.constant 220 : i32
    %add3A_460 = arith.constant 21120 : i32
    %add3A_461 = arith.addi %mul3A_2, %add3A_460 : i32
    %dma_start3A_462 = arith.constant 0 : i32
    %dma_start3A_463 = tpu.memref_slice %arg7[%dma_start3A_462] : memref<15360xf32, #tpu.memory_space<vmem>> -> memref<3520xf32, #tpu.memory_space<vmem>>
    %dma_start3A_464 = tpu.memref_slice %arg5[%add3A_461] : memref<1638400xf32, #tpu.memory_space<hbm>> -> memref<3520xf32, #tpu.memory_space<hbm>>
    %dma_start3A_465 = tpu.memref_slice %arg5[%add3A_461] : memref<1638400xf32, #tpu.memory_space<hbm>> -> memref<3520xf32, #tpu.memory_space<hbm>>
    %dma_start3A_466 = arith.constant 0 : i32
    %dma_start3A_467 = tpu.memref_slice %arg7[%dma_start3A_466] : memref<15360xf32, #tpu.memory_space<vmem>> -> memref<3520xf32, #tpu.memory_space<vmem>>
    tpu.enqueue_dma source(%dma_start3A_467 : memref<3520xf32, #tpu.memory_space<vmem>>) target(%dma_start3A_465 : memref<3520xf32, #tpu.memory_space<hbm>>) target_semaphore(%arg18 : memref<!tpu.dma_semaphore, #tpu.memory_space<semaphore_mem>>)
    %dma_wait3A_468 = arith.constant 10560 : i32
    %dma_wait3A_469 = tpu.memref_slice %arg7[%dma_wait3A_468] : memref<15360xf32, #tpu.memory_space<vmem>> -> memref<1600xf32, #tpu.memory_space<vmem>>
    %dma_wait3A_470 = arith.constant 44800 : i32
    %dma_wait3A_471 = tpu.memref_slice %arg6[%dma_wait3A_470] : memref<51200xi32, #tpu.memory_space<vmem>> -> memref<1600xi32, #tpu.memory_space<vmem>>
    %dma_wait3A_472 = arith.constant 0 : i32
    %dma_wait3A_473 = tpu.memref_slice %arg2[%dma_wait3A_472] : memref<1000000xf32, #tpu.memory_space<hbm>> -> memref<1000000xf32, #tpu.memory_space<hbm>>
    tpu.wait_indirect_dma semaphore(%arg15 : memref<!tpu.dma_semaphore, #tpu.memory_space<semaphore_mem>>) src(%dma_wait3A_473 : memref<1000000xf32, #tpu.memory_space<hbm>>) dst(%dma_wait3A_469 : memref<1600xf32, #tpu.memory_space<vmem>>)
    %scan3A_474 = arith.constant 0 : i32
    %scan3A_475 = arith.constant 0 : i32
    %scan3A_476 = arith.constant 100 : i32
    %scan3A_477 = arith.addi %scan3A_475, %scan3A_476 : i32
    %scan3A_478 = arith.constant 1 : i32
    scf.for %scan3A_676 = %scan3A_475 to %scan3A_477 step %scan3A_478  : i32 {
      %mul3A_677 = arith.constant 16 : i32
      %mul3A_678 = arith.muli %scan3A_676, %mul3A_677 : i32
      %add3A_679 = arith.constant 10560 : i32
      %add3A_680 = arith.addi %add3A_679, %mul3A_678 : i32
      %get3A_681 = arith.index_cast %add3A_680 : i32 to index
      %get3A_682 = tpu.vector_load %arg7[%get3A_681] {strides = array<i32>} : memref<15360xf32, #tpu.memory_space<vmem>>, vector<16xf32>,
      %get3A_683 = vector.shape_cast %get3A_682 : vector<16xf32> to vector<16xf32>
      %mul3A_684 = vector.broadcast %squeeze3A : f32 to vector<16xf32>
      %mul3A_685 = arith.mulf %get3A_683, %mul3A_684 : vector<16xf32>
      %swap3A = arith.index_cast %add3A_680 : i32 to index
      %swap3A_686 = tpu.vector_load %arg7[%swap3A] {strides = array<i32>} : memref<15360xf32, #tpu.memory_space<vmem>>, vector<16xf32>,
      %swap3A_687 = vector.shape_cast %swap3A_686 : vector<16xf32> to vector<16xf32>
      %swap3A_688 = vector.shape_cast %mul3A_685 : vector<16xf32> to vector<16xf32>
      tpu.vector_store %arg7[%swap3A], %swap3A_688 {strides = array<i32>} : memref<15360xf32, #tpu.memory_space<vmem>>, vector<16xf32>,
    }
    %scan3A_479 = arith.constant 100 : i32
    %add3A_480 = arith.constant 35200 : i32
    %add3A_481 = arith.addi %mul3A_2, %add3A_480 : i32
    %add3A_482 = arith.constant 9600 : i32
    %add3A_483 = arith.addi %add3A_481, %add3A_482 : i32
    %dma_start3A_484 = arith.constant 10560 : i32
    %dma_start3A_485 = tpu.memref_slice %arg7[%dma_start3A_484] : memref<15360xf32, #tpu.memory_space<vmem>> -> memref<1600xf32, #tpu.memory_space<vmem>>
    %dma_start3A_486 = tpu.memref_slice %arg5[%add3A_483] : memref<1638400xf32, #tpu.memory_space<hbm>> -> memref<1600xf32, #tpu.memory_space<hbm>>
    %dma_start3A_487 = tpu.memref_slice %arg5[%add3A_483] : memref<1638400xf32, #tpu.memory_space<hbm>> -> memref<1600xf32, #tpu.memory_space<hbm>>
    %dma_start3A_488 = arith.constant 10560 : i32
    %dma_start3A_489 = tpu.memref_slice %arg7[%dma_start3A_488] : memref<15360xf32, #tpu.memory_space<vmem>> -> memref<1600xf32, #tpu.memory_space<vmem>>
    tpu.enqueue_dma source(%dma_start3A_489 : memref<1600xf32, #tpu.memory_space<vmem>>) target(%dma_start3A_487 : memref<1600xf32, #tpu.memory_space<hbm>>) target_semaphore(%arg21 : memref<!tpu.dma_semaphore, #tpu.memory_space<semaphore_mem>>)
    %dma_wait3A_490 = arith.constant 0 : i32
    %dma_wait3A_491 = tpu.memref_slice %arg7[%dma_wait3A_490] : memref<15360xf32, #tpu.memory_space<vmem>> -> memref<3520xf32, #tpu.memory_space<vmem>>
    %dma_wait3A_492 = tpu.memref_slice %arg5[%add3A_461] : memref<1638400xf32, #tpu.memory_space<hbm>> -> memref<3520xf32, #tpu.memory_space<hbm>>
    %dma_wait3A_493 = tpu.memref_slice %arg5[%add3A_461] : memref<1638400xf32, #tpu.memory_space<hbm>> -> memref<3520xf32, #tpu.memory_space<hbm>>
    %dma_wait3A_494 = arith.constant 0 : i32
    %dma_wait3A_495 = tpu.memref_slice %arg7[%dma_wait3A_494] : memref<15360xf32, #tpu.memory_space<vmem>> -> memref<3520xf32, #tpu.memory_space<vmem>>
    tpu.wait_dma2 semaphore(%arg18 : memref<!tpu.dma_semaphore, #tpu.memory_space<semaphore_mem>>) src(%dma_wait3A_495 : memref<3520xf32, #tpu.memory_space<vmem>>) dst(%dma_wait3A_493 : memref<3520xf32, #tpu.memory_space<hbm>>)
    %dma_wait3A_496 = arith.constant 10560 : i32
    %dma_wait3A_497 = tpu.memref_slice %arg7[%dma_wait3A_496] : memref<15360xf32, #tpu.memory_space<vmem>> -> memref<1600xf32, #tpu.memory_space<vmem>>
    %dma_wait3A_498 = tpu.memref_slice %arg5[%add3A_483] : memref<1638400xf32, #tpu.memory_space<hbm>> -> memref<1600xf32, #tpu.memory_space<hbm>>
    %dma_wait3A_499 = tpu.memref_slice %arg5[%add3A_483] : memref<1638400xf32, #tpu.memory_space<hbm>> -> memref<1600xf32, #tpu.memory_space<hbm>>
    %dma_wait3A_500 = arith.constant 10560 : i32
    %dma_wait3A_501 = tpu.memref_slice %arg7[%dma_wait3A_500] : memref<15360xf32, #tpu.memory_space<vmem>> -> memref<1600xf32, #tpu.memory_space<vmem>>
    tpu.wait_dma2 semaphore(%arg21 : memref<!tpu.dma_semaphore, #tpu.memory_space<semaphore_mem>>) src(%dma_wait3A_501 : memref<1600xf32, #tpu.memory_space<vmem>>) dst(%dma_wait3A_499 : memref<1600xf32, #tpu.memory_space<hbm>>)
    %dma_start3A_502 = arith.constant 0 : i32
    %dma_start3A_503 = tpu.memref_slice %arg7[%dma_start3A_502] : memref<15360xf32, #tpu.memory_space<vmem>> -> memref<3520xf32, #tpu.memory_space<vmem>>
    %dma_start3A_504 = arith.constant 31680 : i32
    %dma_start3A_505 = tpu.memref_slice %arg6[%dma_start3A_504] : memref<51200xi32, #tpu.memory_space<vmem>> -> memref<3520xi32, #tpu.memory_space<vmem>>
    %dma_start3A_506 = arith.constant 0 : i32
    %dma_start3A_507 = tpu.memref_slice %arg9[%dma_start3A_506] : memref<1000000xf32, #tpu.memory_space<vmem_shared>> -> memref<1000000xf32, #tpu.memory_space<vmem_shared>>
    tpu.enqueue_indirect_dma source(%dma_start3A_507 : memref<1000000xf32, #tpu.memory_space<vmem_shared>>) target(%dma_start3A_503 : memref<3520xf32, #tpu.memory_space<vmem>>) offsets(%dma_start3A_505 : memref<3520xi32, #tpu.memory_space<vmem>>) semaphore(%arg12 : memref<!tpu.dma_semaphore, #tpu.memory_space<semaphore_mem>>)
    %dma_start3A_508 = arith.constant 10560 : i32
    %dma_start3A_509 = tpu.memref_slice %arg7[%dma_start3A_508] : memref<15360xf32, #tpu.memory_space<vmem>> -> memref<1600xf32, #tpu.memory_space<vmem>>
    %dma_start3A_510 = arith.constant 49600 : i32
    %dma_start3A_511 = tpu.memref_slice %arg6[%dma_start3A_510] : memref<51200xi32, #tpu.memory_space<vmem>> -> memref<1600xi32, #tpu.memory_space<vmem>>
    %dma_start3A_512 = arith.constant 0 : i32
    %dma_start3A_513 = tpu.memref_slice %arg2[%dma_start3A_512] : memref<1000000xf32, #tpu.memory_space<hbm>> -> memref<1000000xf32, #tpu.memory_space<hbm>>
    tpu.enqueue_indirect_dma source(%dma_start3A_513 : memref<1000000xf32, #tpu.memory_space<hbm>>) target(%dma_start3A_509 : memref<1600xf32, #tpu.memory_space<vmem>>) offsets(%dma_start3A_511 : memref<1600xi32, #tpu.memory_space<vmem>>) semaphore(%arg15 : memref<!tpu.dma_semaphore, #tpu.memory_space<semaphore_mem>>)
    %dma_wait3A_514 = arith.constant 3520 : i32
    %dma_wait3A_515 = tpu.memref_slice %arg7[%dma_wait3A_514] : memref<15360xf32, #tpu.memory_space<vmem>> -> memref<3520xf32, #tpu.memory_space<vmem>>
    %dma_wait3A_516 = arith.constant 24640 : i32
    %dma_wait3A_517 = tpu.memref_slice %arg6[%dma_wait3A_516] : memref<51200xi32, #tpu.memory_space<vmem>> -> memref<3520xi32, #tpu.memory_space<vmem>>
    %dma_wait3A_518 = arith.constant 0 : i32
    %dma_wait3A_519 = tpu.memref_slice %arg9[%dma_wait3A_518] : memref<1000000xf32, #tpu.memory_space<vmem_shared>> -> memref<1000000xf32, #tpu.memory_space<vmem_shared>>
    tpu.wait_indirect_dma semaphore(%arg13 : memref<!tpu.dma_semaphore, #tpu.memory_space<semaphore_mem>>) src(%dma_wait3A_519 : memref<1000000xf32, #tpu.memory_space<vmem_shared>>) dst(%dma_wait3A_515 : memref<3520xf32, #tpu.memory_space<vmem>>)
    %scan3A_520 = arith.constant 0 : i32
    %scan3A_521 = arith.constant 0 : i32
    %scan3A_522 = arith.constant 220 : i32
    %scan3A_523 = arith.addi %scan3A_521, %scan3A_522 : i32
    %scan3A_524 = arith.constant 1 : i32
    scf.for %scan3A_676 = %scan3A_521 to %scan3A_523 step %scan3A_524  : i32 {
      %mul3A_677 = arith.constant 16 : i32
      %mul3A_678 = arith.muli %scan3A_676, %mul3A_677 : i32
      %add3A_679 = arith.constant 3520 : i32
      %add3A_680 = arith.addi %add3A_679, %mul3A_678 : i32
      %get3A_681 = arith.index_cast %add3A_680 : i32 to index
      %get3A_682 = tpu.vector_load %arg7[%get3A_681] {strides = array<i32>} : memref<15360xf32, #tpu.memory_space<vmem>>, vector<16xf32>,
      %get3A_683 = vector.shape_cast %get3A_682 : vector<16xf32> to vector<16xf32>
      %mul3A_684 = vector.broadcast %squeeze3A : f32 to vector<16xf32>
      %mul3A_685 = arith.mulf %get3A_683, %mul3A_684 : vector<16xf32>
      %swap3A = arith.index_cast %add3A_680 : i32 to index
      %swap3A_686 = tpu.vector_load %arg7[%swap3A] {strides = array<i32>} : memref<15360xf32, #tpu.memory_space<vmem>>, vector<16xf32>,
      %swap3A_687 = vector.shape_cast %swap3A_686 : vector<16xf32> to vector<16xf32>
      %swap3A_688 = vector.shape_cast %mul3A_685 : vector<16xf32> to vector<16xf32>
      tpu.vector_store %arg7[%swap3A], %swap3A_688 {strides = array<i32>} : memref<15360xf32, #tpu.memory_space<vmem>>, vector<16xf32>,
    }
    %scan3A_525 = arith.constant 220 : i32
    %add3A_526 = arith.constant 24640 : i32
    %add3A_527 = arith.addi %mul3A_2, %add3A_526 : i32
    %dma_start3A_528 = arith.constant 3520 : i32
    %dma_start3A_529 = tpu.memref_slice %arg7[%dma_start3A_528] : memref<15360xf32, #tpu.memory_space<vmem>> -> memref<3520xf32, #tpu.memory_space<vmem>>
    %dma_start3A_530 = tpu.memref_slice %arg5[%add3A_527] : memref<1638400xf32, #tpu.memory_space<hbm>> -> memref<3520xf32, #tpu.memory_space<hbm>>
    %dma_start3A_531 = tpu.memref_slice %arg5[%add3A_527] : memref<1638400xf32, #tpu.memory_space<hbm>> -> memref<3520xf32, #tpu.memory_space<hbm>>
    %dma_start3A_532 = arith.constant 3520 : i32
    %dma_start3A_533 = tpu.memref_slice %arg7[%dma_start3A_532] : memref<15360xf32, #tpu.memory_space<vmem>> -> memref<3520xf32, #tpu.memory_space<vmem>>
    tpu.enqueue_dma source(%dma_start3A_533 : memref<3520xf32, #tpu.memory_space<vmem>>) target(%dma_start3A_531 : memref<3520xf32, #tpu.memory_space<hbm>>) target_semaphore(%arg19 : memref<!tpu.dma_semaphore, #tpu.memory_space<semaphore_mem>>)
    %dma_wait3A_534 = arith.constant 12160 : i32
    %dma_wait3A_535 = tpu.memref_slice %arg7[%dma_wait3A_534] : memref<15360xf32, #tpu.memory_space<vmem>> -> memref<1600xf32, #tpu.memory_space<vmem>>
    %dma_wait3A_536 = arith.constant 46400 : i32
    %dma_wait3A_537 = tpu.memref_slice %arg6[%dma_wait3A_536] : memref<51200xi32, #tpu.memory_space<vmem>> -> memref<1600xi32, #tpu.memory_space<vmem>>
    %dma_wait3A_538 = arith.constant 0 : i32
    %dma_wait3A_539 = tpu.memref_slice %arg2[%dma_wait3A_538] : memref<1000000xf32, #tpu.memory_space<hbm>> -> memref<1000000xf32, #tpu.memory_space<hbm>>
    tpu.wait_indirect_dma semaphore(%arg16 : memref<!tpu.dma_semaphore, #tpu.memory_space<semaphore_mem>>) src(%dma_wait3A_539 : memref<1000000xf32, #tpu.memory_space<hbm>>) dst(%dma_wait3A_535 : memref<1600xf32, #tpu.memory_space<vmem>>)
    %scan3A_540 = arith.constant 0 : i32
    %scan3A_541 = arith.constant 0 : i32
    %scan3A_542 = arith.constant 100 : i32
    %scan3A_543 = arith.addi %scan3A_541, %scan3A_542 : i32
    %scan3A_544 = arith.constant 1 : i32
    scf.for %scan3A_676 = %scan3A_541 to %scan3A_543 step %scan3A_544  : i32 {
      %mul3A_677 = arith.constant 16 : i32
      %mul3A_678 = arith.muli %scan3A_676, %mul3A_677 : i32
      %add3A_679 = arith.constant 12160 : i32
      %add3A_680 = arith.addi %add3A_679, %mul3A_678 : i32
      %get3A_681 = arith.index_cast %add3A_680 : i32 to index
      %get3A_682 = tpu.vector_load %arg7[%get3A_681] {strides = array<i32>} : memref<15360xf32, #tpu.memory_space<vmem>>, vector<16xf32>,
      %get3A_683 = vector.shape_cast %get3A_682 : vector<16xf32> to vector<16xf32>
      %mul3A_684 = vector.broadcast %squeeze3A : f32 to vector<16xf32>
      %mul3A_685 = arith.mulf %get3A_683, %mul3A_684 : vector<16xf32>
      %swap3A = arith.index_cast %add3A_680 : i32 to index
      %swap3A_686 = tpu.vector_load %arg7[%swap3A] {strides = array<i32>} : memref<15360xf32, #tpu.memory_space<vmem>>, vector<16xf32>,
      %swap3A_687 = vector.shape_cast %swap3A_686 : vector<16xf32> to vector<16xf32>
      %swap3A_688 = vector.shape_cast %mul3A_685 : vector<16xf32> to vector<16xf32>
      tpu.vector_store %arg7[%swap3A], %swap3A_688 {strides = array<i32>} : memref<15360xf32, #tpu.memory_space<vmem>>, vector<16xf32>,
    }
    %scan3A_545 = arith.constant 100 : i32
    %add3A_546 = arith.constant 35200 : i32
    %add3A_547 = arith.addi %mul3A_2, %add3A_546 : i32
    %add3A_548 = arith.constant 11200 : i32
    %add3A_549 = arith.addi %add3A_547, %add3A_548 : i32
    %dma_start3A_550 = arith.constant 12160 : i32
    %dma_start3A_551 = tpu.memref_slice %arg7[%dma_start3A_550] : memref<15360xf32, #tpu.memory_space<vmem>> -> memref<1600xf32, #tpu.memory_space<vmem>>
    %dma_start3A_552 = tpu.memref_slice %arg5[%add3A_549] : memref<1638400xf32, #tpu.memory_space<hbm>> -> memref<1600xf32, #tpu.memory_space<hbm>>
    %dma_start3A_553 = tpu.memref_slice %arg5[%add3A_549] : memref<1638400xf32, #tpu.memory_space<hbm>> -> memref<1600xf32, #tpu.memory_space<hbm>>
    %dma_start3A_554 = arith.constant 12160 : i32
    %dma_start3A_555 = tpu.memref_slice %arg7[%dma_start3A_554] : memref<15360xf32, #tpu.memory_space<vmem>> -> memref<1600xf32, #tpu.memory_space<vmem>>
    tpu.enqueue_dma source(%dma_start3A_555 : memref<1600xf32, #tpu.memory_space<vmem>>) target(%dma_start3A_553 : memref<1600xf32, #tpu.memory_space<hbm>>) target_semaphore(%arg22 : memref<!tpu.dma_semaphore, #tpu.memory_space<semaphore_mem>>)
    "tpu.trace_stop"() : () -> ()
    "tpu.trace_start"() <{level = 10 : i32, message = "gather_drain"}> : () -> ()
    %dma_wait3A_556 = arith.constant 7040 : i32
    %dma_wait3A_557 = tpu.memref_slice %arg7[%dma_wait3A_556] : memref<15360xf32, #tpu.memory_space<vmem>> -> memref<3520xf32, #tpu.memory_space<vmem>>
    %dma_wait3A_558 = arith.constant 28160 : i32
    %dma_wait3A_559 = tpu.memref_slice %arg6[%dma_wait3A_558] : memref<51200xi32, #tpu.memory_space<vmem>> -> memref<3520xi32, #tpu.memory_space<vmem>>
    %dma_wait3A_560 = arith.constant 0 : i32
    %dma_wait3A_561 = tpu.memref_slice %arg9[%dma_wait3A_560] : memref<1000000xf32, #tpu.memory_space<vmem_shared>> -> memref<1000000xf32, #tpu.memory_space<vmem_shared>>
    tpu.wait_indirect_dma semaphore(%arg14 : memref<!tpu.dma_semaphore, #tpu.memory_space<semaphore_mem>>) src(%dma_wait3A_561 : memref<1000000xf32, #tpu.memory_space<vmem_shared>>) dst(%dma_wait3A_557 : memref<3520xf32, #tpu.memory_space<vmem>>)
    %scan3A_562 = arith.constant 0 : i32
    %scan3A_563 = arith.constant 0 : i32
    %scan3A_564 = arith.constant 220 : i32
    %scan3A_565 = arith.addi %scan3A_563, %scan3A_564 : i32
    %scan3A_566 = arith.constant 1 : i32
    scf.for %scan3A_676 = %scan3A_563 to %scan3A_565 step %scan3A_566  : i32 {
      %mul3A_677 = arith.constant 16 : i32
      %mul3A_678 = arith.muli %scan3A_676, %mul3A_677 : i32
      %add3A_679 = arith.constant 7040 : i32
      %add3A_680 = arith.addi %add3A_679, %mul3A_678 : i32
      %get3A_681 = arith.index_cast %add3A_680 : i32 to index
      %get3A_682 = tpu.vector_load %arg7[%get3A_681] {strides = array<i32>} : memref<15360xf32, #tpu.memory_space<vmem>>, vector<16xf32>,
      %get3A_683 = vector.shape_cast %get3A_682 : vector<16xf32> to vector<16xf32>
      %mul3A_684 = vector.broadcast %squeeze3A : f32 to vector<16xf32>
      %mul3A_685 = arith.mulf %get3A_683, %mul3A_684 : vector<16xf32>
      %swap3A = arith.index_cast %add3A_680 : i32 to index
      %swap3A_686 = tpu.vector_load %arg7[%swap3A] {strides = array<i32>} : memref<15360xf32, #tpu.memory_space<vmem>>, vector<16xf32>,
      %swap3A_687 = vector.shape_cast %swap3A_686 : vector<16xf32> to vector<16xf32>
      %swap3A_688 = vector.shape_cast %mul3A_685 : vector<16xf32> to vector<16xf32>
      tpu.vector_store %arg7[%swap3A], %swap3A_688 {strides = array<i32>} : memref<15360xf32, #tpu.memory_space<vmem>>, vector<16xf32>,
    }
    %scan3A_567 = arith.constant 220 : i32
    %add3A_568 = arith.constant 28160 : i32
    %add3A_569 = arith.addi %mul3A_2, %add3A_568 : i32
    %dma_start3A_570 = arith.constant 7040 : i32
    %dma_start3A_571 = tpu.memref_slice %arg7[%dma_start3A_570] : memref<15360xf32, #tpu.memory_space<vmem>> -> memref<3520xf32, #tpu.memory_space<vmem>>
    %dma_start3A_572 = tpu.memref_slice %arg5[%add3A_569] : memref<1638400xf32, #tpu.memory_space<hbm>> -> memref<3520xf32, #tpu.memory_space<hbm>>
    %dma_start3A_573 = tpu.memref_slice %arg5[%add3A_569] : memref<1638400xf32, #tpu.memory_space<hbm>> -> memref<3520xf32, #tpu.memory_space<hbm>>
    %dma_start3A_574 = arith.constant 7040 : i32
    %dma_start3A_575 = tpu.memref_slice %arg7[%dma_start3A_574] : memref<15360xf32, #tpu.memory_space<vmem>> -> memref<3520xf32, #tpu.memory_space<vmem>>
    tpu.enqueue_dma source(%dma_start3A_575 : memref<3520xf32, #tpu.memory_space<vmem>>) target(%dma_start3A_573 : memref<3520xf32, #tpu.memory_space<hbm>>) target_semaphore(%arg20 : memref<!tpu.dma_semaphore, #tpu.memory_space<semaphore_mem>>)
    %dma_wait3A_576 = arith.constant 13760 : i32
    %dma_wait3A_577 = tpu.memref_slice %arg7[%dma_wait3A_576] : memref<15360xf32, #tpu.memory_space<vmem>> -> memref<1600xf32, #tpu.memory_space<vmem>>
    %dma_wait3A_578 = arith.constant 48000 : i32
    %dma_wait3A_579 = tpu.memref_slice %arg6[%dma_wait3A_578] : memref<51200xi32, #tpu.memory_space<vmem>> -> memref<1600xi32, #tpu.memory_space<vmem>>
    %dma_wait3A_580 = arith.constant 0 : i32
    %dma_wait3A_581 = tpu.memref_slice %arg2[%dma_wait3A_580] : memref<1000000xf32, #tpu.memory_space<hbm>> -> memref<1000000xf32, #tpu.memory_space<hbm>>
    tpu.wait_indirect_dma semaphore(%arg17 : memref<!tpu.dma_semaphore, #tpu.memory_space<semaphore_mem>>) src(%dma_wait3A_581 : memref<1000000xf32, #tpu.memory_space<hbm>>) dst(%dma_wait3A_577 : memref<1600xf32, #tpu.memory_space<vmem>>)
    %scan3A_582 = arith.constant 0 : i32
    %scan3A_583 = arith.constant 0 : i32
    %scan3A_584 = arith.constant 100 : i32
    %scan3A_585 = arith.addi %scan3A_583, %scan3A_584 : i32
    %scan3A_586 = arith.constant 1 : i32
    scf.for %scan3A_676 = %scan3A_583 to %scan3A_585 step %scan3A_586  : i32 {
      %mul3A_677 = arith.constant 16 : i32
      %mul3A_678 = arith.muli %scan3A_676, %mul3A_677 : i32
      %add3A_679 = arith.constant 13760 : i32
      %add3A_680 = arith.addi %add3A_679, %mul3A_678 : i32
      %get3A_681 = arith.index_cast %add3A_680 : i32 to index
      %get3A_682 = tpu.vector_load %arg7[%get3A_681] {strides = array<i32>} : memref<15360xf32, #tpu.memory_space<vmem>>, vector<16xf32>,
      %get3A_683 = vector.shape_cast %get3A_682 : vector<16xf32> to vector<16xf32>
      %mul3A_684 = vector.broadcast %squeeze3A : f32 to vector<16xf32>
      %mul3A_685 = arith.mulf %get3A_683, %mul3A_684 : vector<16xf32>
      %swap3A = arith.index_cast %add3A_680 : i32 to index
      %swap3A_686 = tpu.vector_load %arg7[%swap3A] {strides = array<i32>} : memref<15360xf32, #tpu.memory_space<vmem>>, vector<16xf32>,
      %swap3A_687 = vector.shape_cast %swap3A_686 : vector<16xf32> to vector<16xf32>
      %swap3A_688 = vector.shape_cast %mul3A_685 : vector<16xf32> to vector<16xf32>
      tpu.vector_store %arg7[%swap3A], %swap3A_688 {strides = array<i32>} : memref<15360xf32, #tpu.memory_space<vmem>>, vector<16xf32>,
    }
    %scan3A_587 = arith.constant 100 : i32
    %add3A_588 = arith.constant 35200 : i32
    %add3A_589 = arith.addi %mul3A_2, %add3A_588 : i32
    %add3A_590 = arith.constant 12800 : i32
    %add3A_591 = arith.addi %add3A_589, %add3A_590 : i32
    %dma_start3A_592 = arith.constant 13760 : i32
    %dma_start3A_593 = tpu.memref_slice %arg7[%dma_start3A_592] : memref<15360xf32, #tpu.memory_space<vmem>> -> memref<1600xf32, #tpu.memory_space<vmem>>
    %dma_start3A_594 = tpu.memref_slice %arg5[%add3A_591] : memref<1638400xf32, #tpu.memory_space<hbm>> -> memref<1600xf32, #tpu.memory_space<hbm>>
    %dma_start3A_595 = tpu.memref_slice %arg5[%add3A_591] : memref<1638400xf32, #tpu.memory_space<hbm>> -> memref<1600xf32, #tpu.memory_space<hbm>>
    %dma_start3A_596 = arith.constant 13760 : i32
    %dma_start3A_597 = tpu.memref_slice %arg7[%dma_start3A_596] : memref<15360xf32, #tpu.memory_space<vmem>> -> memref<1600xf32, #tpu.memory_space<vmem>>
    tpu.enqueue_dma source(%dma_start3A_597 : memref<1600xf32, #tpu.memory_space<vmem>>) target(%dma_start3A_595 : memref<1600xf32, #tpu.memory_space<hbm>>) target_semaphore(%arg23 : memref<!tpu.dma_semaphore, #tpu.memory_space<semaphore_mem>>)
    %dma_wait3A_598 = arith.constant 0 : i32
    %dma_wait3A_599 = tpu.memref_slice %arg7[%dma_wait3A_598] : memref<15360xf32, #tpu.memory_space<vmem>> -> memref<3520xf32, #tpu.memory_space<vmem>>
    %dma_wait3A_600 = arith.constant 31680 : i32
    %dma_wait3A_601 = tpu.memref_slice %arg6[%dma_wait3A_600] : memref<51200xi32, #tpu.memory_space<vmem>> -> memref<3520xi32, #tpu.memory_space<vmem>>
    %dma_wait3A_602 = arith.constant 0 : i32
    %dma_wait3A_603 = tpu.memref_slice %arg9[%dma_wait3A_602] : memref<1000000xf32, #tpu.memory_space<vmem_shared>> -> memref<1000000xf32, #tpu.memory_space<vmem_shared>>
    tpu.wait_indirect_dma semaphore(%arg12 : memref<!tpu.dma_semaphore, #tpu.memory_space<semaphore_mem>>) src(%dma_wait3A_603 : memref<1000000xf32, #tpu.memory_space<vmem_shared>>) dst(%dma_wait3A_599 : memref<3520xf32, #tpu.memory_space<vmem>>)
    %scan3A_604 = arith.constant 0 : i32
    %scan3A_605 = arith.constant 0 : i32
    %scan3A_606 = arith.constant 220 : i32
    %scan3A_607 = arith.addi %scan3A_605, %scan3A_606 : i32
    %scan3A_608 = arith.constant 1 : i32
    scf.for %scan3A_676 = %scan3A_605 to %scan3A_607 step %scan3A_608  : i32 {
      %mul3A_677 = arith.constant 16 : i32
      %mul3A_678 = arith.muli %scan3A_676, %mul3A_677 : i32
      %add3A_679 = arith.constant 0 : i32
      %add3A_680 = arith.addi %add3A_679, %mul3A_678 : i32
      %get3A_681 = arith.index_cast %add3A_680 : i32 to index
      %get3A_682 = tpu.vector_load %arg7[%get3A_681] {strides = array<i32>} : memref<15360xf32, #tpu.memory_space<vmem>>, vector<16xf32>,
      %get3A_683 = vector.shape_cast %get3A_682 : vector<16xf32> to vector<16xf32>
      %mul3A_684 = vector.broadcast %squeeze3A : f32 to vector<16xf32>
      %mul3A_685 = arith.mulf %get3A_683, %mul3A_684 : vector<16xf32>
      %swap3A = arith.index_cast %add3A_680 : i32 to index
      %swap3A_686 = tpu.vector_load %arg7[%swap3A] {strides = array<i32>} : memref<15360xf32, #tpu.memory_space<vmem>>, vector<16xf32>,
      %swap3A_687 = vector.shape_cast %swap3A_686 : vector<16xf32> to vector<16xf32>
      %swap3A_688 = vector.shape_cast %mul3A_685 : vector<16xf32> to vector<16xf32>
      tpu.vector_store %arg7[%swap3A], %swap3A_688 {strides = array<i32>} : memref<15360xf32, #tpu.memory_space<vmem>>, vector<16xf32>,
    }
    %scan3A_609 = arith.constant 220 : i32
    %add3A_610 = arith.constant 31680 : i32
    %add3A_611 = arith.addi %mul3A_2, %add3A_610 : i32
    %dma_start3A_612 = arith.constant 0 : i32
    %dma_start3A_613 = tpu.memref_slice %arg7[%dma_start3A_612] : memref<15360xf32, #tpu.memory_space<vmem>> -> memref<3520xf32, #tpu.memory_space<vmem>>
    %dma_start3A_614 = tpu.memref_slice %arg5[%add3A_611] : memref<1638400xf32, #tpu.memory_space<hbm>> -> memref<3520xf32, #tpu.memory_space<hbm>>
    %dma_start3A_615 = tpu.memref_slice %arg5[%add3A_611] : memref<1638400xf32, #tpu.memory_space<hbm>> -> memref<3520xf32, #tpu.memory_space<hbm>>
    %dma_start3A_616 = arith.constant 0 : i32
    %dma_start3A_617 = tpu.memref_slice %arg7[%dma_start3A_616] : memref<15360xf32, #tpu.memory_space<vmem>> -> memref<3520xf32, #tpu.memory_space<vmem>>
    tpu.enqueue_dma source(%dma_start3A_617 : memref<3520xf32, #tpu.memory_space<vmem>>) target(%dma_start3A_615 : memref<3520xf32, #tpu.memory_space<hbm>>) target_semaphore(%arg18 : memref<!tpu.dma_semaphore, #tpu.memory_space<semaphore_mem>>)
    %dma_wait3A_618 = arith.constant 10560 : i32
    %dma_wait3A_619 = tpu.memref_slice %arg7[%dma_wait3A_618] : memref<15360xf32, #tpu.memory_space<vmem>> -> memref<1600xf32, #tpu.memory_space<vmem>>
    %dma_wait3A_620 = arith.constant 49600 : i32
    %dma_wait3A_621 = tpu.memref_slice %arg6[%dma_wait3A_620] : memref<51200xi32, #tpu.memory_space<vmem>> -> memref<1600xi32, #tpu.memory_space<vmem>>
    %dma_wait3A_622 = arith.constant 0 : i32
    %dma_wait3A_623 = tpu.memref_slice %arg2[%dma_wait3A_622] : memref<1000000xf32, #tpu.memory_space<hbm>> -> memref<1000000xf32, #tpu.memory_space<hbm>>
    tpu.wait_indirect_dma semaphore(%arg15 : memref<!tpu.dma_semaphore, #tpu.memory_space<semaphore_mem>>) src(%dma_wait3A_623 : memref<1000000xf32, #tpu.memory_space<hbm>>) dst(%dma_wait3A_619 : memref<1600xf32, #tpu.memory_space<vmem>>)
    %scan3A_624 = arith.constant 0 : i32
    %scan3A_625 = arith.constant 0 : i32
    %scan3A_626 = arith.constant 100 : i32
    %scan3A_627 = arith.addi %scan3A_625, %scan3A_626 : i32
    %scan3A_628 = arith.constant 1 : i32
    scf.for %scan3A_676 = %scan3A_625 to %scan3A_627 step %scan3A_628  : i32 {
      %mul3A_677 = arith.constant 16 : i32
      %mul3A_678 = arith.muli %scan3A_676, %mul3A_677 : i32
      %add3A_679 = arith.constant 10560 : i32
      %add3A_680 = arith.addi %add3A_679, %mul3A_678 : i32
      %get3A_681 = arith.index_cast %add3A_680 : i32 to index
      %get3A_682 = tpu.vector_load %arg7[%get3A_681] {strides = array<i32>} : memref<15360xf32, #tpu.memory_space<vmem>>, vector<16xf32>,
      %get3A_683 = vector.shape_cast %get3A_682 : vector<16xf32> to vector<16xf32>
      %mul3A_684 = vector.broadcast %squeeze3A : f32 to vector<16xf32>
      %mul3A_685 = arith.mulf %get3A_683, %mul3A_684 : vector<16xf32>
      %swap3A = arith.index_cast %add3A_680 : i32 to index
      %swap3A_686 = tpu.vector_load %arg7[%swap3A] {strides = array<i32>} : memref<15360xf32, #tpu.memory_space<vmem>>, vector<16xf32>,
      %swap3A_687 = vector.shape_cast %swap3A_686 : vector<16xf32> to vector<16xf32>
      %swap3A_688 = vector.shape_cast %mul3A_685 : vector<16xf32> to vector<16xf32>
      tpu.vector_store %arg7[%swap3A], %swap3A_688 {strides = array<i32>} : memref<15360xf32, #tpu.memory_space<vmem>>, vector<16xf32>,
    }
    %scan3A_629 = arith.constant 100 : i32
    %add3A_630 = arith.constant 35200 : i32
    %add3A_631 = arith.addi %mul3A_2, %add3A_630 : i32
    %add3A_632 = arith.constant 14400 : i32
    %add3A_633 = arith.addi %add3A_631, %add3A_632 : i32
    %dma_start3A_634 = arith.constant 10560 : i32
    %dma_start3A_635 = tpu.memref_slice %arg7[%dma_start3A_634] : memref<15360xf32, #tpu.memory_space<vmem>> -> memref<1600xf32, #tpu.memory_space<vmem>>
    %dma_start3A_636 = tpu.memref_slice %arg5[%add3A_633] : memref<1638400xf32, #tpu.memory_space<hbm>> -> memref<1600xf32, #tpu.memory_space<hbm>>
    %dma_start3A_637 = tpu.memref_slice %arg5[%add3A_633] : memref<1638400xf32, #tpu.memory_space<hbm>> -> memref<1600xf32, #tpu.memory_space<hbm>>
    %dma_start3A_638 = arith.constant 10560 : i32
    %dma_start3A_639 = tpu.memref_slice %arg7[%dma_start3A_638] : memref<15360xf32, #tpu.memory_space<vmem>> -> memref<1600xf32, #tpu.memory_space<vmem>>
    tpu.enqueue_dma source(%dma_start3A_639 : memref<1600xf32, #tpu.memory_space<vmem>>) target(%dma_start3A_637 : memref<1600xf32, #tpu.memory_space<hbm>>) target_semaphore(%arg21 : memref<!tpu.dma_semaphore, #tpu.memory_space<semaphore_mem>>)
    %dma_wait3A_640 = arith.constant 0 : i32
    %dma_wait3A_641 = tpu.memref_slice %arg7[%dma_wait3A_640] : memref<15360xf32, #tpu.memory_space<vmem>> -> memref<3520xf32, #tpu.memory_space<vmem>>
    %dma_wait3A_642 = tpu.memref_slice %arg5[%add3A_611] : memref<1638400xf32, #tpu.memory_space<hbm>> -> memref<3520xf32, #tpu.memory_space<hbm>>
    %dma_wait3A_643 = tpu.memref_slice %arg5[%add3A_611] : memref<1638400xf32, #tpu.memory_space<hbm>> -> memref<3520xf32, #tpu.memory_space<hbm>>
    %dma_wait3A_644 = arith.constant 0 : i32
    %dma_wait3A_645 = tpu.memref_slice %arg7[%dma_wait3A_644] : memref<15360xf32, #tpu.memory_space<vmem>> -> memref<3520xf32, #tpu.memory_space<vmem>>
    tpu.wait_dma2 semaphore(%arg18 : memref<!tpu.dma_semaphore, #tpu.memory_space<semaphore_mem>>) src(%dma_wait3A_645 : memref<3520xf32, #tpu.memory_space<vmem>>) dst(%dma_wait3A_643 : memref<3520xf32, #tpu.memory_space<hbm>>)
    %dma_wait3A_646 = arith.constant 10560 : i32
    %dma_wait3A_647 = tpu.memref_slice %arg7[%dma_wait3A_646] : memref<15360xf32, #tpu.memory_space<vmem>> -> memref<1600xf32, #tpu.memory_space<vmem>>
    %dma_wait3A_648 = tpu.memref_slice %arg5[%add3A_633] : memref<1638400xf32, #tpu.memory_space<hbm>> -> memref<1600xf32, #tpu.memory_space<hbm>>
    %dma_wait3A_649 = tpu.memref_slice %arg5[%add3A_633] : memref<1638400xf32, #tpu.memory_space<hbm>> -> memref<1600xf32, #tpu.memory_space<hbm>>
    %dma_wait3A_650 = arith.constant 10560 : i32
    %dma_wait3A_651 = tpu.memref_slice %arg7[%dma_wait3A_650] : memref<15360xf32, #tpu.memory_space<vmem>> -> memref<1600xf32, #tpu.memory_space<vmem>>
    tpu.wait_dma2 semaphore(%arg21 : memref<!tpu.dma_semaphore, #tpu.memory_space<semaphore_mem>>) src(%dma_wait3A_651 : memref<1600xf32, #tpu.memory_space<vmem>>) dst(%dma_wait3A_649 : memref<1600xf32, #tpu.memory_space<hbm>>)
    %dma_wait3A_652 = arith.constant 3520 : i32
    %dma_wait3A_653 = tpu.memref_slice %arg7[%dma_wait3A_652] : memref<15360xf32, #tpu.memory_space<vmem>> -> memref<3520xf32, #tpu.memory_space<vmem>>
    %dma_wait3A_654 = tpu.memref_slice %arg5[%add3A_527] : memref<1638400xf32, #tpu.memory_space<hbm>> -> memref<3520xf32, #tpu.memory_space<hbm>>
    %dma_wait3A_655 = tpu.memref_slice %arg5[%add3A_527] : memref<1638400xf32, #tpu.memory_space<hbm>> -> memref<3520xf32, #tpu.memory_space<hbm>>
    %dma_wait3A_656 = arith.constant 3520 : i32
    %dma_wait3A_657 = tpu.memref_slice %arg7[%dma_wait3A_656] : memref<15360xf32, #tpu.memory_space<vmem>> -> memref<3520xf32, #tpu.memory_space<vmem>>
    tpu.wait_dma2 semaphore(%arg19 : memref<!tpu.dma_semaphore, #tpu.memory_space<semaphore_mem>>) src(%dma_wait3A_657 : memref<3520xf32, #tpu.memory_space<vmem>>) dst(%dma_wait3A_655 : memref<3520xf32, #tpu.memory_space<hbm>>)
    %dma_wait3A_658 = arith.constant 12160 : i32
    %dma_wait3A_659 = tpu.memref_slice %arg7[%dma_wait3A_658] : memref<15360xf32, #tpu.memory_space<vmem>> -> memref<1600xf32, #tpu.memory_space<vmem>>
    %dma_wait3A_660 = tpu.memref_slice %arg5[%add3A_549] : memref<1638400xf32, #tpu.memory_space<hbm>> -> memref<1600xf32, #tpu.memory_space<hbm>>
    %dma_wait3A_661 = tpu.memref_slice %arg5[%add3A_549] : memref<1638400xf32, #tpu.memory_space<hbm>> -> memref<1600xf32, #tpu.memory_space<hbm>>
    %dma_wait3A_662 = arith.constant 12160 : i32
    %dma_wait3A_663 = tpu.memref_slice %arg7[%dma_wait3A_662] : memref<15360xf32, #tpu.memory_space<vmem>> -> memref<1600xf32, #tpu.memory_space<vmem>>
    tpu.wait_dma2 semaphore(%arg22 : memref<!tpu.dma_semaphore, #tpu.memory_space<semaphore_mem>>) src(%dma_wait3A_663 : memref<1600xf32, #tpu.memory_space<vmem>>) dst(%dma_wait3A_661 : memref<1600xf32, #tpu.memory_space<hbm>>)
    %dma_wait3A_664 = arith.constant 7040 : i32
    %dma_wait3A_665 = tpu.memref_slice %arg7[%dma_wait3A_664] : memref<15360xf32, #tpu.memory_space<vmem>> -> memref<3520xf32, #tpu.memory_space<vmem>>
    %dma_wait3A_666 = tpu.memref_slice %arg5[%add3A_569] : memref<1638400xf32, #tpu.memory_space<hbm>> -> memref<3520xf32, #tpu.memory_space<hbm>>
    %dma_wait3A_667 = tpu.memref_slice %arg5[%add3A_569] : memref<1638400xf32, #tpu.memory_space<hbm>> -> memref<3520xf32, #tpu.memory_space<hbm>>
    %dma_wait3A_668 = arith.constant 7040 : i32
    %dma_wait3A_669 = tpu.memref_slice %arg7[%dma_wait3A_668] : memref<15360xf32, #tpu.memory_space<vmem>> -> memref<3520xf32, #tpu.memory_space<vmem>>
    tpu.wait_dma2 semaphore(%arg20 : memref<!tpu.dma_semaphore, #tpu.memory_space<semaphore_mem>>) src(%dma_wait3A_669 : memref<3520xf32, #tpu.memory_space<vmem>>) dst(%dma_wait3A_667 : memref<3520xf32, #tpu.memory_space<hbm>>)
    %dma_wait3A_670 = arith.constant 13760 : i32
    %dma_wait3A_671 = tpu.memref_slice %arg7[%dma_wait3A_670] : memref<15360xf32, #tpu.memory_space<vmem>> -> memref<1600xf32, #tpu.memory_space<vmem>>
    %dma_wait3A_672 = tpu.memref_slice %arg5[%add3A_591] : memref<1638400xf32, #tpu.memory_space<hbm>> -> memref<1600xf32, #tpu.memory_space<hbm>>
    %dma_wait3A_673 = tpu.memref_slice %arg5[%add3A_591] : memref<1638400xf32, #tpu.memory_space<hbm>> -> memref<1600xf32, #tpu.memory_space<hbm>>
    %dma_wait3A_674 = arith.constant 13760 : i32
    %dma_wait3A_675 = tpu.memref_slice %arg7[%dma_wait3A_674] : memref<15360xf32, #tpu.memory_space<vmem>> -> memref<1600xf32, #tpu.memory_space<vmem>>
    tpu.wait_dma2 semaphore(%arg23 : memref<!tpu.dma_semaphore, #tpu.memory_space<semaphore_mem>>) src(%dma_wait3A_675 : memref<1600xf32, #tpu.memory_space<vmem>>) dst(%dma_wait3A_673 : memref<1600xf32, #tpu.memory_space<hbm>>)
    "tpu.trace_stop"() : () -> ()
    return
  }
}

</mosaic_0001>

<sc_bundles>
// kernel: kernel.3.cloned.1.call-start
scs
__scs_entry_jumppad:
0x0: {  	(pc) =	sbr.rel $0x88, $3  }
0x1: {  	(tag) =	ssettag $0x0;
	lr =	simm.s32 $0x1  }
0x2: {  	[smem:$0x3F9E] =	sst lr;
	_ =	strace $0xD0000000  }
0x3: {  	_ = 	snop  }
0x4: {  	_ = 	snop  }
0x5: {  	_ = 	snop  }
0x6: {  	_ = 	snop  }
0x7: {  	_ = 	snop  }
__scs_overlays_trampoline_lowered:
0x8: {  	[smem:$0x3FAD] =	sst s0  }
0x9: {  	[smem:$0x3FAE] =	sst s1  }
0xa: {  	[smem:$0x3FAF] =	sst s2  }
0xb: {  	[smem:$0x3FB0] =	sst s3  }
0xc: {  	[smem:$0x3FB1] =	sst s4  }
0xd: {  	[smem:$0x3FB2] =	sst s5  }
0xe: {  	[smem:$0x3FB3] =	sst s6  }
0xf: {  	[smem:$0x3FB4] =	sst s7  }
0x10: {  	[smem:$0x3FB5] =	sst s8  }
0x11: {  	[smem:$0x3FB6] =	sst s9;
	s0 =	simm.s32 @!p0 $0x0  }
0x12: {  	s1 =	sld [smem:$0x3F9C];
	s0 =	simm.s32 @p0 $0x1  }
0x13: {  	[smem:$0x3FB7] =	sst s0;
	s0 =	simm.s32 @!p1 $0x0  }
0x14: {  	s2 =	sld [smem:$0x3F9B];
	s0 =	simm.s32 @p1 $0x1  }
0x15: {  	[smem:$0x3FB8] =	sst s0;
	s0 =	simm.s32 @!p2 $0x0  }
0x16: {  	s3 =	sld [smem:$0x3FDB];
	s0 =	simm.s32 @p2 $0x1  }
0x17: {  	s4 =	simm.s32 $0x1BF5;
	[smem:$0x3FBA] =	sst s0  }
0x18: {  	s0 =	sld [smem:$0x3F9D];
	_ =	swait.ge [sflag:s4], $0x0  }
0x19: {  	s7 =	sld [smem:$0x3F9E]  }
0x1a: {  	s8 =	sadd.s32 $0xFFFFE003, lr  }
0x1b: {  	s9 =	sadd.s32 $0xFFFFFEF7, lr;
	s5 =	simm.s32 $0xFFFFFFFF;
	p2 =	slt.u32 s8, $0xFFFFF086  }
0x1c: {  	p1 =	slt.u32 s9, $0xF7A;
	s5 =	simm.s32 @!p2 $0x0  }
0x1d: {  	s5 =	simm.s32 @p1 $0x1;
	p0 =	seq.s32 s7, s2  }
0x1e: {  	s7 =	smul.u32 @!p0 $0xF7A, s2;
	p2 =	seq.s32 @!p0 s5, $0x0  }
0x1f: {  	s9 =	smul.u32 $0xF7A, s1;
	s8 =	simm.s32 @!p0 $0x1BF5;
	p2 =	por !p2, p0  }
0x20: {  	[sflag:s8] =	ssyncset.s32 @!p0 $0xFFFFF086;
	s6 =	sadd.s32 @!p0 s3, s7;
	s7 =	simm.s32 @!p0 $0x108  }
0x21: {  	s3 =	sadd.s32 s3, s9;
	s6 =	sadd.s32 @!p0 $0x88, s6;
	s7 =	simm.s32 @p2 $0x1082  }
0x22: {  	[simem:s7], [sflag:s8] =	dma.local @!p0 [hbm:s6], $0xF7A  }
0x23: {  	s9 =	sor.u32 $0xD0000000, s2;
	s6 =	simm.s32 $0x108;
	_ =	swait.ge @!p0 [sflag:s8], $0x0  }
0x24: {  	s3 =	sadd.s32 $0x88, s3;
	s6 =	simm.s32 @!p1 $0x1082;
	[sflag:s4] =	ssyncset.s32 $0xFFFFF086  }
0x25: {  	[simem:s6], [sflag:s4] =	dma.local [hbm:s3], $0xF7A  }
0x26: {  	[smem:$0x3F9E] =	sst s1;
	(tag) =	ssettag s2;
	_ =	strace s9  }
0x27: {  	s1 =	sld [smem:$0x3FAE]  }
0x28: {  	s2 =	sld [smem:$0x3FAF]  }
0x29: {  	s4 =	sld [smem:$0x3FB1]  }
0x2a: {  	p0 =	seq.s32 s5, $0x0;
	s5 =	sld [smem:$0x3FB2]  }
0x2b: {  	s6 =	sld [smem:$0x3FB3]  }
0x2c: {  	s7 =	sld [smem:$0x3FB4]  }
0x2d: {  	s3 =	simm.s32 $0x108;
	s8 =	sld [smem:$0x3FB5]  }
0x2e: {  	s3 =	simm.s32 @!p0 $0x1082;
	s9 =	sld [smem:$0x3FB6]  }
0x2f: {  	lr =	sadd.s32 s0, s3;
	s0 =	sld [smem:$0x3FAD]  }
0x30: {  	s3 =	sld [smem:$0x3FB0]  }
0x31: {  	[smem:$0x3FB9] =	sst s10  }
0x32: {  	s10 =	sld [smem:$0x3FB7];
	_ =	sdelay $0x3  }
0x33: {  	p0 =	seq.s32 s10, $0x1;
	s10 =	sld [smem:$0x3FB9];
	_ =	sdelay $0x3  }
0x34: {  	[smem:$0x3FB9] =	sst s10  }
0x35: {  	s10 =	sld [smem:$0x3FB8];
	_ =	sdelay $0x3  }
0x36: {  	p1 =	seq.s32 s10, $0x1;
	s10 =	sld [smem:$0x3FB9];
	_ =	sdelay $0x3  }
0x37: {  	[smem:$0x3FB9] =	sst s10  }
0x38: {  	s10 =	sld [smem:$0x3FBA]  }
0x39: {  	_ = 	snop;
	(pc) =	sbr.ind lr, $3  }
0x3a: {  	_ = 	snop  }
0x3b: {  	_ = 	snop  }
0x3c: {  	p2 =	seq.s32 s10, $0x1;
	s10 =	sld [smem:$0x3FB9]  }
0x3d: {  	_ =	shalt  }
0x3e: {  	_ =	shalt  }
0x3f: {  	_ =	shalt  }
0x40: {  	_ =	shalt  }
0x41: {  	_ =	shalt  }
0x42: {  	_ =	shalt  }
0x43: {  	_ =	shalt  }
0x44: {  	_ =	shalt  }
0x45: {  	_ =	shalt  }
0x46: {  	_ =	shalt  }
0x47: {  	_ =	shalt  }
0x48: {  	_ =	shalt  }
0x49: {  	_ =	shalt  }
0x4a: {  	_ =	shalt  }
0x4b: {  	_ =	shalt  }
0x4c: {  	_ =	shalt  }
0x4d: {  	_ =	shalt  }
0x4e: {  	_ =	shalt  }
0x4f: {  	_ =	shalt  }
0x50: {  	_ =	shalt  }
0x51: {  	_ =	shalt  }
0x52: {  	_ =	shalt  }
0x53: {  	_ =	shalt  }
0x54: {  	_ =	shalt  }
0x55: {  	_ =	shalt  }
0x56: {  	_ =	shalt  }
0x57: {  	_ =	shalt  }
0x58: {  	_ =	shalt  }
0x59: {  	_ =	shalt  }
0x5a: {  	_ =	shalt  }
0x5b: {  	_ =	shalt  }
0x5c: {  	_ =	shalt  }
0x5d: {  	_ =	shalt  }
0x5e: {  	_ =	shalt  }
0x5f: {  	_ =	shalt  }
0x60: {  	_ =	shalt  }
0x61: {  	_ =	shalt  }
0x62: {  	_ =	shalt  }
0x63: {  	_ =	shalt  }
0x64: {  	_ =	shalt  }
0x65: {  	_ =	shalt  }
0x66: {  	_ =	shalt  }
0x67: {  	_ =	shalt  }
0x68: {  	_ =	shalt  }
0x69: {  	_ =	shalt  }
0x6a: {  	_ =	shalt  }
0x6b: {  	_ =	shalt  }
0x6c: {  	_ =	shalt  }
0x6d: {  	_ =	shalt  }
0x6e: {  	_ =	shalt  }
0x6f: {  	_ =	shalt  }
0x70: {  	_ =	shalt  }
0x71: {  	_ =	shalt  }
0x72: {  	_ =	shalt  }
0x73: {  	_ =	shalt  }
0x74: {  	_ =	shalt  }
0x75: {  	_ =	shalt  }
0x76: {  	_ =	shalt  }
0x77: {  	_ =	shalt  }
0x78: {  	_ =	shalt  }
0x79: {  	_ =	shalt  }
0x7a: {  	_ =	shalt  }
0x7b: {  	_ =	shalt  }
0x7c: {  	_ =	shalt  }
0x7d: {  	_ =	shalt  }
0x7e: {  	_ =	shalt  }
0x7f: {  	_ =	shalt  }
0x80: {  	_ =	shalt  }
0x81: {  	_ =	shalt  }
0x82: {  	_ =	shalt  }
0x83: {  	_ =	shalt  }
0x84: {  	_ =	shalt  }
0x85: {  	_ =	shalt  }
0x86: {  	_ =	shalt  }
0x87: {  	_ =	shalt  }
.Lfunc_end0:
.L_simem_size_0:
called_computation_lowered:
.L_overlay_start_0:
0x88: {  	s2 =	sld [smem:$0x3FD9]  }
0x89: {  	s3 =	sld [smem:$0x3FFE];
	_ =	sdelay $0x1  }
0x8a: {  	s1 =	srdreg.scid  }
0x8b: {  	s0 =	sand.u32 $0x1, s1  }
0x8c: {  	s18 =	sshll.u32 s0, $0xA;
	s2 =	sadd.s32 s3, s2  }
0x8d: {  	s2 =	sadd.s32 s2, s18  }
0x8e: {  	[smem:$0x3FC5] =	sst s2  }
0x8f: {  	_ = 	snop  }
0x90: {  	s2 =	sld [smem:$0x3FC9]  }
0x91: {  	s19 =	sld [smem:$0x3FC8]  }
0x92: {  	s4 =	sld [smem:$0x3FC7]  }
0x93: {  	s5 =	sld [smem:$0x3FD0];
	(tm) =	ssettm $0x1  }
0x94: {  	s6 =	sld [smem:$0x3FFB];
	_ =	sdelay $0x3  }
0x95: {  	_ =	strace s6  }
0x96: {  	s6 =	sld [smem:$0x3FFC];
	_ =	sdelay $0x3  }
0x97: {  	_ =	strace s6  }
0x98: {  	s6 =	sld [smem:$0x3FFD];
	_ =	sdelay $0x3  }
0x99: {  	_ =	strace s6  }
0x9a: {  	_ =	strace $0x8FFFFFFF  }
0x9b: {  	s20 =	sld [smem:$0x3FDB];
	_ =	sdelay $0x1  }
0x9c: {  	s7 =	simm.s32 $_scs_section_size  }
0x9d: {  	s8 =	simm.s32 $_size__tile_overlayer_lowered;
	s9 =	simm.s32 $_tile_overlayer_lowered  }
0x9e: {  	s23 =	simm.s32 $0x1BFF;
	s22 =	sshll.u32 s9, $0x1;
	s6 =	sadd.s32 s7, s20  }
0x9f: {  	s10 =	simm.s32 $0x0;
	s21 =	sshll.u32 s8, $0x1;
	s8 =	sadd.s32 s22, s6  }
0xa0: {  	[timem:s10], [sflag:s23] =	dma.local [hbm:s8], s21  }
0xa1: {  	_ =	swait.ge [sflag:s23], s21  }
0xa2: {  	s7 =	ssub.s32 $0x0, s21;
	[sflag:s23] =	ssyncset.done $0x0  }
0xa3: {  	[sflag:s23] =	ssyncadd.s32 s7;
	_ =	sdelay $0x1  }
0xa4: {  	s24 =	simm.s32 $0x1B8B  }
0xa5: {  	_ =	swait.ge [sflag:s24], $0x1  }
0xa6: {  	[sflag:s24] =	ssyncset.done $0x0  }
0xa7: {  	s25 =	simm.s32 $0x1B8E;
	[sflag:s24] =	ssyncadd.s32 $0xFFFFFFFF  }
0xa8: {  	s26 =	simm.s32 $execute0_lowered;
	[smem:$0x3FD2] =	sst s25  }
0xa9: {  	s7 =	sshll.u32 s26, $0x1;
	_ =	strace $0x80000046;
	[dreg:$0x1] =	wrdreg $0xFFFFFFFF  }
0xaa: {  	s28 =	simm.s32 $_size_execute0_lowered;
	s6 =	sadd.s32 s6, s7;
	[dreg:$0x0] =	wrdreg $0x0  }
0xab: {  	s7 =	sshll.u32 s28, $0x1;
	[dreg:$0x2] =	wrdreg s6  }
0xac: {  	[dreg:$0x3] =	wrdreg s7  }
0xad: {  	[dreg:$0x4] =	wrdreg $0xC0  }
0xae: {  	_ =	task [dreg:s10], $0x5FFFF  }
0xaf: {  	[dreg:$0x1] =	wrdreg $0xFFFFFFFF  }
0xb0: {  	[dreg:$0x0] =	wrdreg $0x60  }
0xb1: {  	[dreg:$0x2] =	wrdreg s2  }
0xb2: {  	[dreg:$0x3] =	wrdreg s19  }
0xb3: {  	[dreg:$0x4] =	wrdreg s4  }
0xb4: {  	[dreg:$0x5] =	wrdreg s5  }
0xb5: {  	[dreg:$0x6] =	wrdreg $0x104800  }
0xb6: {  	[dreg:$0x7] =	wrdreg $0x9  }
0xb7: {  	_ =	task.clear_ibuf [dreg:s10], $0x8FFFF;
	_ =	strace $0x90000046  }
0xb8: {  	s29 =	simm.s32 $0x9;
	_ =	strace $0x8000004C  }
0xb9: {  	_ =	swait.ge [sflag:s29], $0x1  }
0xba: {  	[sflag:s29] =	ssyncadd.s32 $0xFFFFFFFF  }
0xbb: {  	_ =	strace $0x9000004C  }
0xbc: {  	_ =	sfence  }
0xbd: {  	s30 =	sld [smem:$0x0];
	_ =	sdelay $0x2  }
0xbe: {  	s31 =	sshll.u32 s1, $0xD;
	s1 =	sshrl.u32 s1, $0x2  }
0xbf: {  	s3 =	sand.u32 $0x4000, s31;
	s1 =	sadd.s32 s1, s30  }
0xc0: {  	s0 =	sor.u32 s3, s0;
	s1 =	sshll.u32 s1, $0x11  }
0xc1: {  	s0 =	sor.u32 s1, s0  }
0xc2: {  	s0 =	sadd.s32 $0x8F2B, s0  }
0xc3: {  	[sflag:s0] =	ssyncadd.remote.s32 $0x1  }
0xc4: {  	_ =	sfence.sel $0xFFFF  }
0xc5: {  	[dreg:$0x0] =	wrdreg $0xFFFFFFFF;
	(pc) =	sbr.abs _section_cstart, $3  }
0xc6: {  	[dreg:$0x1] =	wrdreg $0xFFFFFFFF  }
0xc7: {  	_ =	task.clear_ibuf [dreg:s10], $0x2FFFF;
	_ =	strace $0x9FFFFFFF  }
0xc8: {  	(tm) =	ssettm $0x7FFFFFFF  }
0xc9: {  	_ =	shalt  }
tec
execute0_lowered:
.L_overlay_start_1:
0x0: {  	(tag) =	ssettag $0x1  }
0x1: {  	s1 =	rddreg [dreg:$0x0]  }
0x2: {  	s0 =	rddreg [dreg:$0x2]  }
0x3: {  	s2 =	srdreg.scid;
	s3 =	rddreg [dreg:$0x3]  }
0x4: {  	s12 =	stileid.u32;
	s4 =	rddreg [dreg:$0x4];
	s2 =	sand.u32 $0x1, s2  }
0x5: {  	s5 =	sshll.u32 s12, $0x1;
	s7 =	smul.u32 $0xF420, s12;
	p0 =	seq.s32 s12, $0xF  }
0x6: {  	s6 =	sor.u32 s2, s5;
	s5 =	simm.s32 $0x0;
	s2 =	ssub.s32 $0x2, s2  }
0x7: {  	[smem:$0x7FF] =	sst s5;
	s8 =	sshrl.u32 s2, $0x1;
	s21 =	sadd.s32 $0x1B20, s7  }
0x8: {  	s13 =	sadd.s32 s7, s4;
	s10 =	sadd.s32 $0x5160, s7;
	_ =	strace $0x80000047  }
0x9: {  	s2 =	ssub.s32 s2, s8;
	s8 =	sadd.s32 s21, s4;
	[dreg:$0x9] =	wrdreg s13  }
0xa: {  	s11 =	sadd.s32 $0x6C80, s7;
	s17 =	sadd.s32 s10, s4;
	[dreg:$0xb] =	wrdreg s8  }
0xb: {  	s24 =	sadd.s32 $0x3640, s7;
	s20 =	sadd.s32 s11, s4;
	[dreg:$0xf] =	wrdreg s17  }
0xc: {  	s26 =	sshrl.u32 s10, $0x3;
	s10 =	sadd.s32 $0x1CCCA, s1;
	[dreg:$0x11] =	wrdreg s20  }
0xd: {  	s14 =	sshrl.u32 s11, $0x3;
	s11 =	sadd.s32 $0x1CFD8, s1;
	[dreg:$0x1b] =	wrdreg s10  }
0xe: {  	s9 =	sshrl.u32 s21, $0x3;
	s12 =	sadd.s32 $0x1870, s13;
	[dreg:$0x1c] =	wrdreg s11  }
0xf: {  	s25 =	sshrl.u32 s24, $0x3;
	s23 =	sadd.s32 s1, s9;
	[dreg:$0x1d] =	wrdreg s12  }
0x10: {  	s16 =	sadd.s32 $0x87A0, s7;
	s9 =	sadd.s32 s1, s25;
	[dreg:$0x8] =	wrdreg s23  }
0x11: {  	s18 =	sshrl.u32 s16, $0x3;
	s15 =	sadd.s32 s1, s14;
	[dreg:$0xa] =	wrdreg s9  }
0x12: {  	s19 =	sadd.s32 $0xA2C0, s7;
	s8 =	sadd.s32 s1, s18;
	[dreg:$0xe] =	wrdreg s15  }
0x13: {  	s25 =	sadd.s32 s19, s4;
	[dreg:$0x10] =	wrdreg s8  }
0x14: {  	s14 =	sadd.s32 $0x1D2E6, s1;
	[dreg:$0x15] =	wrdreg s25  }
0x15: {  	s6 =	smul.u32 $0xC800, s6;
	s17 =	sadd.s32 $0x4950, s13;
	[dreg:$0x1e] =	wrdreg s14  }
0x16: {  	s21 =	sshrl.u32 s19, $0x3;
	s18 =	sadd.s32 $0x1D902, s1;
	[smem:$0x7DF] =	sst s17  }
0x17: {  	s6 =	sshrl.u32 s6, $0x3;
	s19 =	sadd.s32 $0x61C0, s13;
	[smem:$0x7E0] =	sst s18  }
0x18: {  	s0 =	sadd.s32 s0, s6;
	[smem:$0x7E1] =	sst s19  }
0x19: {  	s9 =	sadd.s32 s1, s26;
	[dreg:$0x6] =	wrdreg s0  }
0x1a: {  	s8 =	sadd.s32 s1, s21;
	[dreg:$0xc] =	wrdreg s9  }
0x1b: {  	s15 =	sadd.s32 $0x30E0, s13;
	[dreg:$0x12] =	wrdreg s8  }
0x1c: {  	s21 =	sadd.s32 $0x1DC10, s1;
	[dreg:$0x1f] =	wrdreg s15  }
0x1d: {  	s22 =	sshrl.u32 s7, $0x3;
	s25 =	sadd.s32 $0x1E22C, s1;
	[smem:$0x7E2] =	sst s21  }
0x1e: {  	s20 =	sadd.s32 s3, s6;
	s6 =	sadd.s32 $0xDBF0, s13;
	[smem:$0x7E6] =	sst s25  }
0x1f: {  	s0 =	sadd.s32 s1, s22;
	[smem:$0x7EA] =	sst s6  }
0x20: {  	s8 =	smax.u32 s2, $0x1;
	[dreg:$0x7] =	wrdreg s0  }
0x21: {  	s9 =	sadd.s32 $0x1C9BC, s1;
	[dreg:$0x19] =	wrdreg s8  }
0x22: {  	s2 =	sadd.s32 $0x1E53A, s1;
	[dreg:$0x1a] =	wrdreg s9  }
0x23: {  	s10 =	sadd.s32 $0x370, s20;
	[smem:$0x7E8] =	sst s2  }
0x24: {  	s11 =	sadd.s32 $0x12C0, s20;
	[smem:$0x7EE] =	sst s10  }
0x25: {  	s12 =	sadd.s32 $0x528, s20;
	[smem:$0x7EF] =	sst s11  }
0x26: {  	s14 =	sadd.s32 $0x6E0, s20;
	[smem:$0x7F0] =	sst s12  }
0x27: {  	s15 =	sadd.s32 $0x1450, s20;
	[smem:$0x7F2] =	sst s14  }
0x28: {  	s17 =	sadd.s32 $0x1518, s20;
	[smem:$0x7F3] =	sst s15  }
0x29: {  	s18 =	sadd.s32 $0xA50, s20;
	[smem:$0x7F5] =	sst s17  }
0x2a: {  	s28 =	simm.s32 $0xD5C0;
	s19 =	sadd.s32 $0x15E0, s20;
	[smem:$0x7F6] =	sst s18  }
0x2b: {  	s29 =	simm.s32 $0xF780;
	s21 =	sadd.s32 $0xC08, s20;
	[smem:$0x7F7] =	sst s19  }
0x2c: {  	s30 =	simm.s32 $0xE380;
	s25 =	sadd.s32 $0xF78, s20;
	[smem:$0x7F8] =	sst s21  }
0x2d: {  	s31 =	simm.s32 $0xFDC0;
	s0 =	sadd.s32 s24, s4;
	[smem:$0x7FC] =	sst s25  }
0x2e: {  	s22 =	sadd.s32 $0xBDE0, s7;
	s8 =	sadd.s32 $0x1B8, s20;
	[dreg:$0xd] =	wrdreg s0  }
0x2f: {  	s6 =	simm.s32 $0x4;
	s9 =	sadd.s32 $0x11F8, s20;
	[smem:$0x7EC] =	sst s8  }
0x30: {  	s23 =	sshrl.u32 s22, $0x3;
	s0 =	sadd.s32 s16, s4;
	[smem:$0x7ED] =	sst s9  }
0x31: {  	s24 =	sadd.s32 $0xD900, s7;
	s3 =	sadd.s32 s1, s23;
	[dreg:$0x13] =	wrdreg s0  }
0x32: {  	s15 =	simm.s32 $0xF;
	s7 =	sadd.s32 s24, s4;
	[dreg:$0x14] =	wrdreg s3  }
0x33: {  	s17 =	simm.s32 $0xE600;
	s16 =	sadd.s32 $0x1D5F4, s1;
	[dreg:$0x18] =	wrdreg s7  }
0x34: {  	s18 =	simm.s32 $0x3;
	s23 =	sadd.s32 $0x1DF1E, s1;
	[smem:$0x7DE] =	sst s16  }
0x35: {  	s26 =	sshrl.u32 s24, $0x3;
	s24 =	sadd.s32 $0x92A0, s13;
	[smem:$0x7E4] =	sst s23  }
0x36: {  	s19 =	simm.s32 $0x9;
	s3 =	sadd.s32 s1, s26;
	[smem:$0x7E5] =	sst s24  }
0x37: {  	s21 =	simm.s32 $0x2;
	s0 =	sadd.s32 s22, s4;
	[dreg:$0x16] =	wrdreg s3  }
0x38: {  	s25 =	simm.s32 $0xF140;
	s22 =	sadd.s32 $0x7A30, s13;
	[dreg:$0x17] =	wrdreg s0  }
0x39: {  	s2 =	simm.s32 $0x7;
	s26 =	sadd.s32 $0xAB10, s13;
	[smem:$0x7E3] =	sst s22  }
0x3a: {  	s10 =	simm.s32 $0x8;
	s7 =	sadd.s32 $0x1130, s20;
	[smem:$0x7E7] =	sst s26  }
0x3b: {  	s11 =	simm.s32 $0xB;
	s16 =	sadd.s32 $0x898, s20;
	[smem:$0x7EB] =	sst s7  }
0x3c: {  	s12 =	simm.s32 $0xE;
	s23 =	sadd.s32 $0xDC0, s20;
	[smem:$0x7F4] =	sst s16  }
0x3d: {  	s8 =	simm.s32 $0x5;
	s24 =	sadd.s32 $0x1770, s20;
	[smem:$0x7FA] =	sst s23  }
0x3e: {  	s3 =	sadd.s32 $0xC380, s13;
	s13 =	sadd.s32 $0x1388, s20;
	[smem:$0x7FB] =	sst s24  }
0x3f: {  	s22 =	sadd.s32 $0x16A8, s20;
	s26 =	sadd.s32 $0x1838, s20;
	[smem:$0x7E9] =	sst s3  }
0x40: {  	s16 =	simm.s32 $0xC800;
	s23 =	simm.s32 $0xDC0;
	[smem:$0x7F1] =	sst s13  }
0x41: {  	s24 =	simm.s32 $0x640;
	s0 =	simm.s32 $0xC;
	[smem:$0x7F9] =	sst s22  }
0x42: {  	s7 =	simm.s32 $0xD;
	[smem:$0x7FD] =	sst s26;
	s26 =	simm.s32 $0xA  }
0x43: {  	s22 =	simm.s32 $0x1;
	s3 =	simm.s32 $0x6;
	s13 =	simm.s32 $0x0  }
.LBB2_1:
0x44: {  	s9 =	rddreg [dreg:$0x6]  }
0x45: {  	[tilespmem:s5], [sflag:$0x1] =	stream.linear.gather [hbm4b:s9+s5], $0xC800, $0x38;
	[tilespmem:$0x1F8A8] =	vst v63  }
0x46: {  	s14 =	simm.s32 $0x10400;
	s9 =	rddreg [dreg:$0x1]  }
0x47: {  	[tilespmem:s14], [sflag:$0xF] =	stream.linear.gather [hbm4b:s9+s5], $0x1, $0x38;
	[tilespmem:$0x1F8A8] =	vst v63  }
0x48: {  	_ =	swait.ge [sflag:s15], $0x1  }
0x49: {  	[sflag:s15] =	ssyncset.done $0x0  }
0x4a: {  	[sflag:s15] =	ssyncadd.s32 $0xFFFFFFFF  }
0x4b: {  	v0 =	vld [tilespmem:$0x10400];
	_ =	sdelay $0x4  }
0x4c: {  	(erf) = vrcp.f32 v0;
	_ =	sdelay $0x5  }
.Ltmp0:
0x4d: {  	_ = 	snop;
	(pc) =	sbr.rel @!p0 .LBB2_2-.Ltmp0, $3  }
0x4e: {  	_ =	sdelay $0x1  }
0x4f: {  	v0 =	vpop (erf)  }
0x50: {  	_ =	strace $0x80000048  }
0x51: {  	s9 =	rddreg [dreg:$0x1a]  }
0x52: {  	[tilespmem:s16], [sflag:$0x3] =	stream.linear.gather [hbm4b:s9+s5], $0x1870, $0x200038;
	[tilespmem:$0x1F8A8] =	vst v63  }
0x53: {  	s14 =	rddreg [dreg:$0x1b]  }
0x54: {  	[tilespmem:s17], [sflag:$0x4] =	stream.linear.gather [hbm4b:s14+s5], $0x1870, $0x200038;
	[tilespmem:$0x1F8A8] =	vst v63  }
0x55: {  	_ =	swait.ge [sflag:s18], $0x1870  }
0x56: {  	[sflag:s18] =	ssyncset.done $0x0  }
0x57: {  	s14 =	rddreg [dreg:$0x9];
	[sflag:s18] =	ssyncadd.s32 $0xFFFFE790  }
0x58: {  	[spmem:s14] =	stream.linear.scatter [tilespmem:s16], [sflag:$0x9], $0x1870, $0x200038;
	[tilespmem:$0x1F8A8] =	vst v63  }
0x59: {  	_ =	swait.ge [sflag:s19], $0x1870  }
0x5a: {  	[sflag:s19] =	ssyncset.done $0x0  }
0x5b: {  	s14 =	rddreg [dreg:$0x1c];
	[sflag:s19] =	ssyncadd.s32 $0xFFFFE790  }
0x5c: {  	[tilespmem:s16], [sflag:$0x3] =	stream.linear.gather [hbm4b:s14+s5], $0x1870, $0x200038;
	[tilespmem:$0x1F8A8] =	vst v63  }
0x5d: {  	_ =	swait.ge [sflag:s6], $0x1870  }
0x5e: {  	[sflag:s6] =	ssyncset.done $0x0  }
0x5f: {  	s14 =	rddreg [dreg:$0x1d];
	[sflag:s6] =	ssyncadd.s32 $0xFFFFE790  }
0x60: {  	[spmem:s14] =	stream.linear.scatter [tilespmem:s17], [sflag:$0xA], $0x1870, $0x200038;
	[tilespmem:$0x1F8A8] =	vst v63  }
0x61: {  	_ =	swait.ge [sflag:s26], $0x1870  }
0x62: {  	[sflag:s26] =	ssyncset.done $0x0  }
0x63: {  	s14 =	rddreg [dreg:$0x1e];
	[sflag:s26] =	ssyncadd.s32 $0xFFFFE790  }
0x64: {  	[tilespmem:s17], [sflag:$0x4] =	stream.linear.gather [hbm4b:s14+s5], $0x1870, $0x200038;
	[tilespmem:$0x1F8A8] =	vst v63  }
0x65: {  	_ =	swait.ge [sflag:s18], $0x1870  }
0x66: {  	[sflag:s18] =	ssyncset.done $0x0  }
0x67: {  	s14 =	rddreg [dreg:$0x1f];
	[sflag:s18] =	ssyncadd.s32 $0xFFFFE790  }
0x68: {  	[spmem:s14] =	stream.linear.scatter [tilespmem:s16], [sflag:$0x9], $0x1870, $0x200038;
	[tilespmem:$0x1F8A8] =	vst v63  }
0x69: {  	_ =	swait.ge [sflag:s19], $0x1870  }
0x6a: {  	s14 =	sld [smem:$0x7DE]  }
0x6b: {  	[sflag:s19] =	ssyncset.done $0x0  }
0x6c: {  	[sflag:s19] =	ssyncadd.s32 $0xFFFFE790  }
0x6d: {  	[tilespmem:s16], [sflag:$0x3] =	stream.linear.gather [hbm4b:s14+s5], $0x1870, $0x200038;
	[tilespmem:$0x1F8A8] =	vst v63  }
0x6e: {  	_ =	swait.ge [sflag:s6], $0x1870  }
0x6f: {  	s14 =	sld [smem:$0x7DF]  }
0x70: {  	[sflag:s6] =	ssyncset.done $0x0  }
0x71: {  	[sflag:s6] =	ssyncadd.s32 $0xFFFFE790  }
0x72: {  	[spmem:s14] =	stream.linear.scatter [tilespmem:s17], [sflag:$0xA], $0x1870, $0x200038;
	[tilespmem:$0x1F8A8] =	vst v63  }
0x73: {  	_ =	swait.ge [sflag:s26], $0x1870  }
0x74: {  	s14 =	sld [smem:$0x7E0]  }
0x75: {  	[sflag:s26] =	ssyncset.done $0x0  }
0x76: {  	[sflag:s26] =	ssyncadd.s32 $0xFFFFE790  }
0x77: {  	[tilespmem:s17], [sflag:$0x4] =	stream.linear.gather [hbm4b:s14+s5], $0x1870, $0x200038;
	[tilespmem:$0x1F8A8] =	vst v63  }
0x78: {  	_ =	swait.ge [sflag:s18], $0x1870  }
0x79: {  	s14 =	sld [smem:$0x7E1]  }
0x7a: {  	[sflag:s18] =	ssyncset.done $0x0  }
0x7b: {  	[sflag:s18] =	ssyncadd.s32 $0xFFFFE790  }
0x7c: {  	[spmem:s14] =	stream.linear.scatter [tilespmem:s16], [sflag:$0x9], $0x1870, $0x200038;
	[tilespmem:$0x1F8A8] =	vst v63  }
0x7d: {  	_ =	swait.ge [sflag:s19], $0x1870  }
0x7e: {  	s14 =	sld [smem:$0x7E2]  }
0x7f: {  	[sflag:s19] =	ssyncset.done $0x0  }
0x80: {  	[sflag:s19] =	ssyncadd.s32 $0xFFFFE790  }
0x81: {  	[tilespmem:s16], [sflag:$0x3] =	stream.linear.gather [hbm4b:s14+s5], $0x1870, $0x200038;
	[tilespmem:$0x1F8A8] =	vst v63  }
0x82: {  	_ =	swait.ge [sflag:s6], $0x1870  }
0x83: {  	s14 =	sld [smem:$0x7E3]  }
0x84: {  	[sflag:s6] =	ssyncset.done $0x0  }
0x85: {  	[sflag:s6] =	ssyncadd.s32 $0xFFFFE790  }
0x86: {  	[spmem:s14] =	stream.linear.scatter [tilespmem:s17], [sflag:$0xA], $0x1870, $0x200038;
	[tilespmem:$0x1F8A8] =	vst v63  }
0x87: {  	_ =	swait.ge [sflag:s26], $0x1870  }
0x88: {  	s14 =	sld [smem:$0x7E4]  }
0x89: {  	[sflag:s26] =	ssyncset.done $0x0  }
0x8a: {  	[sflag:s26] =	ssyncadd.s32 $0xFFFFE790  }
0x8b: {  	[tilespmem:s17], [sflag:$0x4] =	stream.linear.gather [hbm4b:s14+s5], $0x1870, $0x200038;
	[tilespmem:$0x1F8A8] =	vst v63  }
0x8c: {  	_ =	swait.ge [sflag:s18], $0x1870  }
0x8d: {  	s14 =	sld [smem:$0x7E5]  }
0x8e: {  	[sflag:s18] =	ssyncset.done $0x0  }
0x8f: {  	[sflag:s18] =	ssyncadd.s32 $0xFFFFE790  }
0x90: {  	[spmem:s14] =	stream.linear.scatter [tilespmem:s16], [sflag:$0x9], $0x1870, $0x200038;
	[tilespmem:$0x1F8A8] =	vst v63  }
0x91: {  	_ =	swait.ge [sflag:s19], $0x1870  }
0x92: {  	s14 =	sld [smem:$0x7E6]  }
0x93: {  	[sflag:s19] =	ssyncset.done $0x0  }
0x94: {  	[sflag:s19] =	ssyncadd.s32 $0xFFFFE790  }
0x95: {  	[tilespmem:s16], [sflag:$0x3] =	stream.linear.gather [hbm4b:s14+s5], $0x1870, $0x200038;
	[tilespmem:$0x1F8A8] =	vst v63  }
0x96: {  	_ =	swait.ge [sflag:s6], $0x1870  }
0x97: {  	s14 =	sld [smem:$0x7E7]  }
0x98: {  	[sflag:s6] =	ssyncset.done $0x0  }
0x99: {  	[sflag:s6] =	ssyncadd.s32 $0xFFFFE790  }
0x9a: {  	[spmem:s14] =	stream.linear.scatter [tilespmem:s17], [sflag:$0xA], $0x1870, $0x200038;
	[tilespmem:$0x1F8A8] =	vst v63  }
0x9b: {  	_ =	swait.ge [sflag:s26], $0x1870  }
0x9c: {  	s14 =	sld [smem:$0x7E8]  }
0x9d: {  	[sflag:s26] =	ssyncset.done $0x0  }
0x9e: {  	[sflag:s26] =	ssyncadd.s32 $0xFFFFE790  }
0x9f: {  	[tilespmem:s17], [sflag:$0x4] =	stream.linear.gather [hbm4b:s14+s5], $0x1870, $0x200038;
	[tilespmem:$0x1F8A8] =	vst v63  }
0xa0: {  	_ =	swait.ge [sflag:s18], $0x1870  }
0xa1: {  	s14 =	sld [smem:$0x7E9]  }
0xa2: {  	[sflag:s18] =	ssyncset.done $0x0  }
0xa3: {  	[sflag:s18] =	ssyncadd.s32 $0xFFFFE790  }
0xa4: {  	[spmem:s14] =	stream.linear.scatter [tilespmem:s16], [sflag:$0x9], $0x1870, $0x200038;
	[tilespmem:$0x1F8A8] =	vst v63  }
0xa5: {  	_ =	swait.ge [sflag:s6], $0x1870  }
0xa6: {  	[sflag:s6] =	ssyncset.done $0x0  }
0xa7: {  	[sflag:s6] =	ssyncadd.s32 $0xFFFFE790  }
0xa8: {  	_ =	swait.ge [sflag:s19], $0x1870  }
0xa9: {  	s14 =	sld [smem:$0x7EA]  }
0xaa: {  	[sflag:s19] =	ssyncset.done $0x0  }
.Ltmp1:
0xab: {  	[sflag:s19] =	ssyncadd.s32 $0xFFFFE790;
	(pc) =	sbr.rel .LBB2_4-.Ltmp1, $4  }
0xac: {  	[spmem:s14] =	stream.linear.scatter [tilespmem:s17], [sflag:$0x2], $0x1870, $0x200038;
	[tilespmem:$0x1F8A8] =	vst v63  }
0xad: {  	_ =	swait.ge [sflag:s21], $0x1870  }
0xae: {  	[sflag:s21] =	ssyncset.done $0x0  }
0xaf: {  	[sflag:s21] =	ssyncadd.s32 $0xFFFFE790  }
.LBB2_2:
0xb0: {  	s9 =	rddreg [dreg:$0x7]  }
0xb1: {  	[tilespmem:s16], [sflag:$0x3] =	stream.linear.gather [hbm4b:s9+s5], $0x1B20, $0x200038;
	[tilespmem:$0x1F8A8] =	vst v63  }
0xb2: {  	s14 =	rddreg [dreg:$0x8]  }
0xb3: {  	[tilespmem:s17], [sflag:$0x4] =	stream.linear.gather [hbm4b:s14+s5], $0x1B20, $0x200038;
	[tilespmem:$0x1F8A8] =	vst v63  }
0xb4: {  	_ =	swait.ge [sflag:s18], $0x1B20  }
0xb5: {  	[sflag:s18] =	ssyncset.done $0x0  }
0xb6: {  	s14 =	rddreg [dreg:$0x9];
	[sflag:s18] =	ssyncadd.s32 $0xFFFFE4E0  }
0xb7: {  	[spmem:s14] =	stream.linear.scatter [tilespmem:s16], [sflag:$0x9], $0x1B20, $0x200038;
	[tilespmem:$0x1F8A8] =	vst v63  }
0xb8: {  	_ =	swait.ge [sflag:s19], $0x1B20  }
0xb9: {  	[sflag:s19] =	ssyncset.done $0x0  }
0xba: {  	s14 =	rddreg [dreg:$0xa];
	[sflag:s19] =	ssyncadd.s32 $0xFFFFE4E0  }
0xbb: {  	[tilespmem:s16], [sflag:$0x3] =	stream.linear.gather [hbm4b:s14+s5], $0x1B20, $0x200038;
	[tilespmem:$0x1F8A8] =	vst v63  }
0xbc: {  	_ =	swait.ge [sflag:s6], $0x1B20  }
0xbd: {  	[sflag:s6] =	ssyncset.done $0x0  }
0xbe: {  	s14 =	rddreg [dreg:$0xb];
	[sflag:s6] =	ssyncadd.s32 $0xFFFFE4E0  }
0xbf: {  	[spmem:s14] =	stream.linear.scatter [tilespmem:s17], [sflag:$0xA], $0x1B20, $0x200038;
	[tilespmem:$0x1F8A8] =	vst v63  }
0xc0: {  	_ =	swait.ge [sflag:s26], $0x1B20  }
0xc1: {  	[sflag:s26] =	ssyncset.done $0x0  }
0xc2: {  	s14 =	rddreg [dreg:$0xc];
	[sflag:s26] =	ssyncadd.s32 $0xFFFFE4E0  }
0xc3: {  	[tilespmem:s17], [sflag:$0x4] =	stream.linear.gather [hbm4b:s14+s5], $0x1B20, $0x200038;
	[tilespmem:$0x1F8A8] =	vst v63  }
0xc4: {  	_ =	swait.ge [sflag:s18], $0x1B20  }
0xc5: {  	[sflag:s18] =	ssyncset.done $0x0  }
0xc6: {  	s14 =	rddreg [dreg:$0xd];
	[sflag:s18] =	ssyncadd.s32 $0xFFFFE4E0  }
0xc7: {  	[spmem:s14] =	stream.linear.scatter [tilespmem:s16], [sflag:$0x9], $0x1B20, $0x200038;
	[tilespmem:$0x1F8A8] =	vst v63  }
0xc8: {  	_ =	swait.ge [sflag:s19], $0x1B20  }
0xc9: {  	[sflag:s19] =	ssyncset.done $0x0  }
0xca: {  	s14 =	rddreg [dreg:$0xe];
	[sflag:s19] =	ssyncadd.s32 $0xFFFFE4E0  }
0xcb: {  	[tilespmem:s16], [sflag:$0x3] =	stream.linear.gather [hbm4b:s14+s5], $0x1B20, $0x200038;
	[tilespmem:$0x1F8A8] =	vst v63  }
0xcc: {  	_ =	swait.ge [sflag:s6], $0x1B20  }
0xcd: {  	[sflag:s6] =	ssyncset.done $0x0  }
0xce: {  	s14 =	rddreg [dreg:$0xf];
	[sflag:s6] =	ssyncadd.s32 $0xFFFFE4E0  }
0xcf: {  	[spmem:s14] =	stream.linear.scatter [tilespmem:s17], [sflag:$0xA], $0x1B20, $0x200038;
	[tilespmem:$0x1F8A8] =	vst v63  }
0xd0: {  	_ =	swait.ge [sflag:s26], $0x1B20  }
0xd1: {  	[sflag:s26] =	ssyncset.done $0x0  }
0xd2: {  	s14 =	rddreg [dreg:$0x10];
	[sflag:s26] =	ssyncadd.s32 $0xFFFFE4E0  }
0xd3: {  	[tilespmem:s17], [sflag:$0x4] =	stream.linear.gather [hbm4b:s14+s5], $0x1B20, $0x200038;
	[tilespmem:$0x1F8A8] =	vst v63  }
0xd4: {  	_ =	swait.ge [sflag:s18], $0x1B20  }
0xd5: {  	[sflag:s18] =	ssyncset.done $0x0  }
0xd6: {  	s14 =	rddreg [dreg:$0x11];
	[sflag:s18] =	ssyncadd.s32 $0xFFFFE4E0  }
0xd7: {  	[spmem:s14] =	stream.linear.scatter [tilespmem:s16], [sflag:$0x9], $0x1B20, $0x200038;
	[tilespmem:$0x1F8A8] =	vst v63  }
0xd8: {  	_ =	swait.ge [sflag:s19], $0x1B20  }
0xd9: {  	[sflag:s19] =	ssyncset.done $0x0  }
0xda: {  	s14 =	rddreg [dreg:$0x12];
	[sflag:s19] =	ssyncadd.s32 $0xFFFFE4E0  }
0xdb: {  	[tilespmem:s16], [sflag:$0x3] =	stream.linear.gather [hbm4b:s14+s5], $0x1B20, $0x200038;
	[tilespmem:$0x1F8A8] =	vst v63  }
0xdc: {  	_ =	swait.ge [sflag:s6], $0x1B20  }
0xdd: {  	[sflag:s6] =	ssyncset.done $0x0  }
0xde: {  	s14 =	rddreg [dreg:$0x13];
	[sflag:s6] =	ssyncadd.s32 $0xFFFFE4E0  }
0xdf: {  	[spmem:s14] =	stream.linear.scatter [tilespmem:s17], [sflag:$0xA], $0x1B20, $0x200038;
	[tilespmem:$0x1F8A8] =	vst v63  }
0xe0: {  	_ =	swait.ge [sflag:s26], $0x1B20  }
0xe1: {  	[sflag:s26] =	ssyncset.done $0x0  }
0xe2: {  	s14 =	rddreg [dreg:$0x14];
	[sflag:s26] =	ssyncadd.s32 $0xFFFFE4E0  }
0xe3: {  	[tilespmem:s17], [sflag:$0x4] =	stream.linear.gather [hbm4b:s14+s5], $0x1B20, $0x200038;
	[tilespmem:$0x1F8A8] =	vst v63  }
0xe4: {  	_ =	swait.ge [sflag:s18], $0x1B20  }
0xe5: {  	[sflag:s18] =	ssyncset.done $0x0  }
0xe6: {  	s14 =	rddreg [dreg:$0x15];
	[sflag:s18] =	ssyncadd.s32 $0xFFFFE4E0  }
0xe7: {  	[spmem:s14] =	stream.linear.scatter [tilespmem:s16], [sflag:$0x9], $0x1B20, $0x200038;
	[tilespmem:$0x1F8A8] =	vst v63  }
0xe8: {  	_ =	swait.ge [sflag:s19], $0x1B20  }
0xe9: {  	[sflag:s19] =	ssyncset.done $0x0  }
0xea: {  	s14 =	rddreg [dreg:$0x16];
	[sflag:s19] =	ssyncadd.s32 $0xFFFFE4E0  }
0xeb: {  	[tilespmem:s16], [sflag:$0x3] =	stream.linear.gather [hbm4b:s14+s5], $0x1B20, $0x200038;
	[tilespmem:$0x1F8A8] =	vst v63  }
0xec: {  	_ =	swait.ge [sflag:s6], $0x1B20  }
0xed: {  	[sflag:s6] =	ssyncset.done $0x0  }
0xee: {  	s14 =	rddreg [dreg:$0x17];
	[sflag:s6] =	ssyncadd.s32 $0xFFFFE4E0  }
0xef: {  	[spmem:s14] =	stream.linear.scatter [tilespmem:s17], [sflag:$0xA], $0x1B20, $0x200038;
	[tilespmem:$0x1F8A8] =	vst v63  }
0xf0: {  	_ =	swait.ge [sflag:s18], $0x1B20  }
0xf1: {  	[sflag:s18] =	ssyncset.done $0x0  }
0xf2: {  	[sflag:s18] =	ssyncadd.s32 $0xFFFFE4E0  }
0xf3: {  	_ =	swait.ge [sflag:s26], $0x1B20  }
0xf4: {  	[sflag:s26] =	ssyncset.done $0x0  }
0xf5: {  	s14 =	rddreg [dreg:$0x18];
	[sflag:s26] =	ssyncadd.s32 $0xFFFFE4E0  }
0xf6: {  	[spmem:s14] =	stream.linear.scatter [tilespmem:s16], [sflag:$0x2], $0x1B20, $0x200038;
	[tilespmem:$0x1F8A8] =	vst v63  }
0xf7: {  	_ =	swait.ge [sflag:s21], $0x1B20  }
0xf8: {  	[sflag:s21] =	ssyncset.done $0x0  }
0xf9: {  	[sflag:s21] =	ssyncadd.s32 $0xFFFFE4E0  }
.LBB2_4:
0xfa: {  	_ =	swait.ge [sflag:s22], $0xC800  }
0xfb: {  	[sflag:s22] =	ssyncset.done $0x0  }
0xfc: {  	[sflag:s22] =	ssyncadd.s32 $0xFFFF3800  }
0xfd: {  	_ =	strace $0x90000048  }
0xfe: {  	_ =	strace $0x80000049  }
0xff: {  	[bflag:$0x0] =	sbarrier.arrive $0xFFFF  }
0x100: {  	_ =	strace $0x90000049  }
0x101: {  	s9 =	simm.s32 $0x0;
	_ =	strace $0x8000004A  }
0x102: {  	[tilespmem:s16], [sflag:$0x3] =	stream.indirect.gather [spmem:s4], $0x1, s9, s23, $0x2000b8;
	[tilespmem:$0x1F8A8] =	vst v63  }
0x103: {  	s14 =	simm.s32 $0x8980  }
0x104: {  	[tilespmem:s25], [sflag:$0x6] =	stream.indirect.gather [hbm4b:s1+s24], $0x1, s14, s24, $0x2000b8;
	[tilespmem:$0x1F8A8] =	vst v63  }
0x105: {  	_ = 	snop  }
0x106: {  	[tilespmem:s28], [sflag:$0x4] =	stream.indirect.gather [spmem:s4], $0x1, s23, s23, $0x2000b8;
	[tilespmem:$0x1F8A8] =	vst v63  }
0x107: {  	s14 =	simm.s32 $0x8FC0  }
0x108: {  	[tilespmem:s29], [sflag:$0x7] =	stream.indirect.gather [hbm4b:s1+s24], $0x1, s14, s24, $0x2000b8;
	[tilespmem:$0x1F8A8] =	vst v63  }
0x109: {  	s14 =	simm.s32 $0x1B80  }
0x10a: {  	[tilespmem:s30], [sflag:$0x5] =	stream.indirect.gather [spmem:s4], $0x1, s14, s23, $0x2000b8;
	[tilespmem:$0x1F8A8] =	vst v63  }
0x10b: {  	s14 =	simm.s32 $0x9600  }
0x10c: {  	[tilespmem:s31], [sflag:$0x8] =	stream.indirect.gather [hbm4b:s1+s24], $0x1, s14, s24, $0x2000b8;
	[tilespmem:$0x1F8A8] =	vst v63  }
0x10d: {  	_ =	swait.ge [sflag:s18], $0xDC0  }
0x10e: {  	[sflag:s18] =	ssyncset.done $0x0  }
0x10f: {  	v0 =	vbroadcast v0, $0x0;
	s9 =	simm.s32 $0x40;
	s14 =	simm.s32 $0x0;
	[sflag:s18] =	ssyncadd.s32 $0xFFFFF240  }
.LBB2_5:
0x110: {  	p1 =	sne.s32 s9, $0x36C0;
	v1 =	vld [tilespmem:s14+$0xC800];
	_ =	sdelay $0x2  }
.Ltmp2:
0x111: {  	(pc) =	sbr.rel @p1 .LBB2_5-.Ltmp2, $3  }
0x112: {  	_ = 	snop  }
0x113: {  	v1 =	vmul.f32 v1, v0;
	_ =	sdelay $0x1  }
0x114: {  	[tilespmem:s14+$0xC800] =	vst v1;
	s14 =	sshra.s32 s9, $0x2;
	s9 =	sadd.s32 $0x40, s9  }
0x115: {  	v1 =	vld [tilespmem:s14+$0xC800];
	_ =	sdelay $0x4  }
0x116: {  	v1 =	vmul.f32 v1, v0;
	_ =	sdelay $0x1  }
0x117: {  	s9 =	simm.s32 $0x0;
	[tilespmem:s14+$0xC800] =	vst v1  }
0x118: {  	[hbm4b:s20+s9] =	stream.linear.scatter [tilespmem:s16], [sflag:$0x9], $0xDC0, $0x200038;
	[tilespmem:$0x1F8A8] =	vst v63  }
0x119: {  	_ =	swait.ge [sflag:s3], $0x640  }
0x11a: {  	[sflag:s3] =	ssyncset.done $0x0  }
0x11b: {  	s14 =	simm.s32 $0x0;
	s9 =	simm.s32 $0x40;
	[sflag:s3] =	ssyncadd.s32 $0xFFFFF9C0  }
.LBB2_7:
0x11c: {  	p1 =	sne.s32 s9, $0x18C0;
	v1 =	vld [tilespmem:s14+$0xF140];
	_ =	sdelay $0x2  }
.Ltmp3:
0x11d: {  	(pc) =	sbr.rel @p1 .LBB2_7-.Ltmp3, $3  }
0x11e: {  	_ = 	snop  }
0x11f: {  	v1 =	vmul.f32 v1, v0;
	_ =	sdelay $0x1  }
0x120: {  	[tilespmem:s14+$0xF140] =	vst v1;
	s14 =	sshra.s32 s9, $0x2;
	s9 =	sadd.s32 $0x40, s9  }
0x121: {  	v1 =	vld [tilespmem:s14+$0xF140];
	_ =	sdelay $0x4  }
0x122: {  	v1 =	vmul.f32 v1, v0;
	_ =	sdelay $0x1  }
0x123: {  	[tilespmem:s14+$0xF140] =	vst v1;
	s14 =	sld [smem:$0x7EB];
	_ =	sdelay $0x1  }
0x124: {  	s9 =	simm.s32 $0x0  }
0x125: {  	[hbm4b:s14+s9] =	stream.linear.scatter [tilespmem:s25], [sflag:$0xC], $0x640, $0x200038;
	[tilespmem:$0x1F8A8] =	vst v63  }
0x126: {  	_ =	swait.ge [sflag:s19], $0xDC0  }
0x127: {  	[sflag:s19] =	ssyncset.done $0x0  }
0x128: {  	[sflag:s19] =	ssyncadd.s32 $0xFFFFF240  }
0x129: {  	_ =	swait.ge [sflag:s0], $0x640  }
0x12a: {  	[sflag:s0] =	ssyncset.done $0x0  }
0x12b: {  	s14 =	simm.s32 $0x2940;
	[sflag:s0] =	ssyncadd.s32 $0xFFFFF9C0  }
0x12c: {  	[tilespmem:s16], [sflag:$0x3] =	stream.indirect.gather [spmem:s4], $0x1, s14, s23, $0x2000b8;
	[tilespmem:$0x1F8A8] =	vst v63  }
0x12d: {  	s14 =	simm.s32 $0x9C40  }
0x12e: {  	[tilespmem:s25], [sflag:$0x6] =	stream.indirect.gather [hbm4b:s1+s24], $0x1, s14, s24, $0x2000b8;
	[tilespmem:$0x1F8A8] =	vst v63  }
0x12f: {  	_ =	swait.ge [sflag:s6], $0xDC0  }
0x130: {  	[sflag:s6] =	ssyncset.done $0x0  }
0x131: {  	s9 =	simm.s32 $0x40;
	s14 =	simm.s32 $0x0;
	[sflag:s6] =	ssyncadd.s32 $0xFFFFF240  }
.LBB2_9:
0x132: {  	p1 =	sne.s32 s9, $0x36C0;
	v1 =	vld [tilespmem:s14+$0xD5C0];
	_ =	sdelay $0x2  }
.Ltmp4:
0x133: {  	(pc) =	sbr.rel @p1 .LBB2_9-.Ltmp4, $3  }
0x134: {  	_ = 	snop  }
0x135: {  	v1 =	vmul.f32 v1, v0;
	_ =	sdelay $0x1  }
0x136: {  	[tilespmem:s14+$0xD5C0] =	vst v1;
	s14 =	sshra.s32 s9, $0x2;
	s9 =	sadd.s32 $0x40, s9  }
0x137: {  	v1 =	vld [tilespmem:s14+$0xD5C0];
	_ =	sdelay $0x4  }
0x138: {  	v1 =	vmul.f32 v1, v0;
	_ =	sdelay $0x1  }
0x139: {  	[tilespmem:s14+$0xD5C0] =	vst v1;
	s14 =	sld [smem:$0x7EC];
	_ =	sdelay $0x1  }
0x13a: {  	s9 =	simm.s32 $0x0  }
0x13b: {  	[hbm4b:s14+s9] =	stream.linear.scatter [tilespmem:s28], [sflag:$0xA], $0xDC0, $0x200038;
	[tilespmem:$0x1F8A8] =	vst v63  }
0x13c: {  	_ =	swait.ge [sflag:s2], $0x640  }
0x13d: {  	[sflag:s2] =	ssyncset.done $0x0  }
0x13e: {  	s14 =	sand.u32 $0x7F0, s9;
	s9 =	simm.s32 $0x10;
	[sflag:s2] =	ssyncadd.s32 $0xFFFFF9C0  }
.LBB2_11:
0x13f: {  	p1 =	sne.s32 s9, $0x630;
	v1 =	vld [tilespmem:s14+$0xF780];
	_ =	sdelay $0x2  }
.Ltmp5:
0x140: {  	(pc) =	sbr.rel @p1 .LBB2_11-.Ltmp5, $3  }
0x141: {  	_ = 	snop  }
0x142: {  	v1 =	vmul.f32 v1, v0;
	_ =	sdelay $0x1  }
0x143: {  	[tilespmem:s14+$0xF780] =	vst v1;
	s14 =	sand.u32 $0x7F0, s9;
	s9 =	sadd.s32 $0x10, s9  }
0x144: {  	v1 =	vld [tilespmem:s14+$0xF780];
	_ =	sdelay $0x4  }
0x145: {  	v1 =	vmul.f32 v1, v0;
	_ =	sdelay $0x1  }
0x146: {  	[tilespmem:s14+$0xF780] =	vst v1;
	s14 =	sld [smem:$0x7ED];
	_ =	sdelay $0x1  }
0x147: {  	s9 =	simm.s32 $0x0  }
0x148: {  	[hbm4b:s14+s9] =	stream.linear.scatter [tilespmem:s29], [sflag:$0xD], $0x640, $0x200038;
	[tilespmem:$0x1F8A8] =	vst v63  }
0x149: {  	_ =	swait.ge [sflag:s26], $0xDC0  }
0x14a: {  	[sflag:s26] =	ssyncset.done $0x0  }
0x14b: {  	[sflag:s26] =	ssyncadd.s32 $0xFFFFF240  }
0x14c: {  	_ =	swait.ge [sflag:s7], $0x640  }
0x14d: {  	[sflag:s7] =	ssyncset.done $0x0  }
0x14e: {  	s14 =	simm.s32 $0x3700;
	[sflag:s7] =	ssyncadd.s32 $0xFFFFF9C0  }
0x14f: {  	[tilespmem:s28], [sflag:$0x4] =	stream.indirect.gather [spmem:s4], $0x1, s14, s23, $0x2000b8;
	[tilespmem:$0x1F8A8] =	vst v63  }
0x150: {  	s14 =	simm.s32 $0xA280  }
0x151: {  	[tilespmem:s29], [sflag:$0x7] =	stream.indirect.gather [hbm4b:s1+s24], $0x1, s14, s24, $0x2000b8;
	[tilespmem:$0x1F8A8] =	vst v63  }
0x152: {  	_ =	swait.ge [sflag:s8], $0xDC0  }
0x153: {  	[sflag:s8] =	ssyncset.done $0x0  }
0x154: {  	s14 =	sand.u32 $0xFF0, s9;
	s9 =	simm.s32 $0x10;
	[sflag:s8] =	ssyncadd.s32 $0xFFFFF240  }
.LBB2_13:
0x155: {  	p1 =	sne.s32 s9, $0xDB0;
	v1 =	vld [tilespmem:s14+$0xE380];
	_ =	sdelay $0x2  }
.Ltmp6:
0x156: {  	(pc) =	sbr.rel @p1 .LBB2_13-.Ltmp6, $3  }
0x157: {  	_ = 	snop  }
0x158: {  	v1 =	vmul.f32 v1, v0;
	_ =	sdelay $0x1  }
0x159: {  	[tilespmem:s14+$0xE380] =	vst v1;
	s14 =	sand.u32 $0xFF0, s9;
	s9 =	sadd.s32 $0x10, s9  }
0x15a: {  	v1 =	vld [tilespmem:s14+$0xE380];
	_ =	sdelay $0x4  }
0x15b: {  	v1 =	vmul.f32 v1, v0;
	_ =	sdelay $0x1  }
0x15c: {  	[tilespmem:s14+$0xE380] =	vst v1;
	s14 =	sld [smem:$0x7EE];
	_ =	sdelay $0x1  }
0x15d: {  	s9 =	simm.s32 $0x0  }
0x15e: {  	[hbm4b:s14+s9] =	stream.linear.scatter [tilespmem:s30], [sflag:$0xB], $0xDC0, $0x200038;
	[tilespmem:$0x1F8A8] =	vst v63  }
0x15f: {  	_ =	swait.ge [sflag:s10], $0x640  }
0x160: {  	[sflag:s10] =	ssyncset.done $0x0  }
0x161: {  	s14 =	simm.s32 $0x0;
	s9 =	simm.s32 $0x40;
	[sflag:s10] =	ssyncadd.s32 $0xFFFFF9C0  }
.LBB2_15:
0x162: {  	p1 =	sne.s32 s9, $0x18C0;
	v1 =	vld [tilespmem:s14+$0xFDC0];
	_ =	sdelay $0x2  }
.Ltmp7:
0x163: {  	(pc) =	sbr.rel @p1 .LBB2_15-.Ltmp7, $3  }
0x164: {  	_ = 	snop  }
0x165: {  	v1 =	vmul.f32 v1, v0;
	_ =	sdelay $0x1  }
0x166: {  	[tilespmem:s14+$0xFDC0] =	vst v1;
	s14 =	sshra.s32 s9, $0x2;
	s9 =	sadd.s32 $0x40, s9  }
0x167: {  	v1 =	vld [tilespmem:s14+$0xFDC0];
	_ =	sdelay $0x4  }
0x168: {  	v1 =	vmul.f32 v1, v0;
	_ =	sdelay $0x1  }
0x169: {  	[tilespmem:s14+$0xFDC0] =	vst v1;
	s14 =	sld [smem:$0x7EF];
	_ =	sdelay $0x1  }
0x16a: {  	s9 =	simm.s32 $0x0  }
0x16b: {  	[hbm4b:s14+s9] =	stream.linear.scatter [tilespmem:s31], [sflag:$0xE], $0x640, $0x200038;
	[tilespmem:$0x1F8A8] =	vst v63  }
0x16c: {  	_ =	swait.ge [sflag:s11], $0xDC0  }
0x16d: {  	[sflag:s11] =	ssyncset.done $0x0  }
0x16e: {  	[sflag:s11] =	ssyncadd.s32 $0xFFFFF240  }
0x16f: {  	_ =	swait.ge [sflag:s12], $0x640  }
0x170: {  	[sflag:s12] =	ssyncset.done $0x0  }
0x171: {  	s14 =	simm.s32 $0x44C0;
	[sflag:s12] =	ssyncadd.s32 $0xFFFFF9C0  }
0x172: {  	[tilespmem:s30], [sflag:$0x5] =	stream.indirect.gather [spmem:s4], $0x1, s14, s23, $0x2000b8;
	[tilespmem:$0x1F8A8] =	vst v63  }
0x173: {  	s14 =	simm.s32 $0xA8C0  }
0x174: {  	[tilespmem:s31], [sflag:$0x8] =	stream.indirect.gather [hbm4b:s1+s24], $0x1, s14, s24, $0x2000b8;
	[tilespmem:$0x1F8A8] =	vst v63  }
0x175: {  	_ =	swait.ge [sflag:s18], $0xDC0  }
0x176: {  	[sflag:s18] =	ssyncset.done $0x0  }
0x177: {  	s9 =	simm.s32 $0x40;
	s14 =	simm.s32 $0x0;
	[sflag:s18] =	ssyncadd.s32 $0xFFFFF240  }
.LBB2_17:
0x178: {  	p1 =	sne.s32 s9, $0x36C0;
	v1 =	vld [tilespmem:s14+$0xC800];
	_ =	sdelay $0x2  }
.Ltmp8:
0x179: {  	(pc) =	sbr.rel @p1 .LBB2_17-.Ltmp8, $3  }
0x17a: {  	_ = 	snop  }
0x17b: {  	v1 =	vmul.f32 v1, v0;
	_ =	sdelay $0x1  }
0x17c: {  	[tilespmem:s14+$0xC800] =	vst v1;
	s14 =	sshra.s32 s9, $0x2;
	s9 =	sadd.s32 $0x40, s9  }
0x17d: {  	v1 =	vld [tilespmem:s14+$0xC800];
	_ =	sdelay $0x4  }
0x17e: {  	v1 =	vmul.f32 v1, v0;
	_ =	sdelay $0x1  }
0x17f: {  	[tilespmem:s14+$0xC800] =	vst v1;
	s14 =	sld [smem:$0x7F0];
	_ =	sdelay $0x1  }
0x180: {  	s9 =	simm.s32 $0x0  }
0x181: {  	[hbm4b:s14+s9] =	stream.linear.scatter [tilespmem:s16], [sflag:$0x9], $0xDC0, $0x200038;
	[tilespmem:$0x1F8A8] =	vst v63  }
0x182: {  	_ =	swait.ge [sflag:s3], $0x640  }
0x183: {  	[sflag:s3] =	ssyncset.done $0x0  }
0x184: {  	s14 =	simm.s32 $0x0;
	s9 =	simm.s32 $0x40;
	[sflag:s3] =	ssyncadd.s32 $0xFFFFF9C0  }
.LBB2_19:
0x185: {  	p1 =	sne.s32 s9, $0x18C0;
	v1 =	vld [tilespmem:s14+$0xF140];
	_ =	sdelay $0x2  }
.Ltmp9:
0x186: {  	(pc) =	sbr.rel @p1 .LBB2_19-.Ltmp9, $3  }
0x187: {  	_ = 	snop  }
0x188: {  	v1 =	vmul.f32 v1, v0;
	_ =	sdelay $0x1  }
0x189: {  	[tilespmem:s14+$0xF140] =	vst v1;
	s14 =	sshra.s32 s9, $0x2;
	s9 =	sadd.s32 $0x40, s9  }
0x18a: {  	v1 =	vld [tilespmem:s14+$0xF140];
	_ =	sdelay $0x4  }
0x18b: {  	v1 =	vmul.f32 v1, v0;
	_ =	sdelay $0x1  }
0x18c: {  	[tilespmem:s14+$0xF140] =	vst v1;
	s14 =	sld [smem:$0x7F1];
	_ =	sdelay $0x1  }
0x18d: {  	s9 =	simm.s32 $0x0  }
0x18e: {  	[hbm4b:s14+s9] =	stream.linear.scatter [tilespmem:s25], [sflag:$0xC], $0x640, $0x200038;
	[tilespmem:$0x1F8A8] =	vst v63  }
0x18f: {  	_ =	swait.ge [sflag:s19], $0xDC0  }
0x190: {  	[sflag:s19] =	ssyncset.done $0x0  }
0x191: {  	[sflag:s19] =	ssyncadd.s32 $0xFFFFF240  }
0x192: {  	_ =	swait.ge [sflag:s0], $0x640  }
0x193: {  	[sflag:s0] =	ssyncset.done $0x0  }
0x194: {  	s14 =	simm.s32 $0x5280;
	[sflag:s0] =	ssyncadd.s32 $0xFFFFF9C0  }
0x195: {  	[tilespmem:s16], [sflag:$0x3] =	stream.indirect.gather [spmem:s4], $0x1, s14, s23, $0x2000b8;
	[tilespmem:$0x1F8A8] =	vst v63  }
0x196: {  	s14 =	simm.s32 $0xAF00  }
0x197: {  	[tilespmem:s25], [sflag:$0x6] =	stream.indirect.gather [hbm4b:s1+s24], $0x1, s14, s24, $0x2000b8;
	[tilespmem:$0x1F8A8] =	vst v63  }
0x198: {  	_ =	swait.ge [sflag:s6], $0xDC0  }
0x199: {  	[sflag:s6] =	ssyncset.done $0x0  }
0x19a: {  	s9 =	simm.s32 $0x40;
	s14 =	simm.s32 $0x0;
	[sflag:s6] =	ssyncadd.s32 $0xFFFFF240  }
.LBB2_21:
0x19b: {  	p1 =	sne.s32 s9, $0x36C0;
	v1 =	vld [tilespmem:s14+$0xD5C0];
	_ =	sdelay $0x2  }
.Ltmp10:
0x19c: {  	(pc) =	sbr.rel @p1 .LBB2_21-.Ltmp10, $3  }
0x19d: {  	_ = 	snop  }
0x19e: {  	v1 =	vmul.f32 v1, v0;
	_ =	sdelay $0x1  }
0x19f: {  	[tilespmem:s14+$0xD5C0] =	vst v1;
	s14 =	sshra.s32 s9, $0x2;
	s9 =	sadd.s32 $0x40, s9  }
0x1a0: {  	v1 =	vld [tilespmem:s14+$0xD5C0];
	_ =	sdelay $0x4  }
0x1a1: {  	v1 =	vmul.f32 v1, v0;
	_ =	sdelay $0x1  }
0x1a2: {  	[tilespmem:s14+$0xD5C0] =	vst v1;
	s14 =	sld [smem:$0x7F2];
	_ =	sdelay $0x1  }
0x1a3: {  	s9 =	simm.s32 $0x0  }
0x1a4: {  	[hbm4b:s14+s9] =	stream.linear.scatter [tilespmem:s28], [sflag:$0xA], $0xDC0, $0x200038;
	[tilespmem:$0x1F8A8] =	vst v63  }
0x1a5: {  	_ =	swait.ge [sflag:s2], $0x640  }
0x1a6: {  	[sflag:s2] =	ssyncset.done $0x0  }
0x1a7: {  	s14 =	sand.u32 $0x7F0, s9;
	s9 =	simm.s32 $0x10;
	[sflag:s2] =	ssyncadd.s32 $0xFFFFF9C0  }
.LBB2_23:
0x1a8: {  	p1 =	sne.s32 s9, $0x630;
	v1 =	vld [tilespmem:s14+$0xF780];
	_ =	sdelay $0x2  }
.Ltmp11:
0x1a9: {  	(pc) =	sbr.rel @p1 .LBB2_23-.Ltmp11, $3  }
0x1aa: {  	_ = 	snop  }
0x1ab: {  	v1 =	vmul.f32 v1, v0;
	_ =	sdelay $0x1  }
0x1ac: {  	[tilespmem:s14+$0xF780] =	vst v1;
	s14 =	sand.u32 $0x7F0, s9;
	s9 =	sadd.s32 $0x10, s9  }
0x1ad: {  	v1 =	vld [tilespmem:s14+$0xF780];
	_ =	sdelay $0x4  }
0x1ae: {  	v1 =	vmul.f32 v1, v0;
	_ =	sdelay $0x1  }
0x1af: {  	[tilespmem:s14+$0xF780] =	vst v1;
	s14 =	sld [smem:$0x7F3];
	_ =	sdelay $0x1  }
0x1b0: {  	s9 =	simm.s32 $0x0  }
0x1b1: {  	[hbm4b:s14+s9] =	stream.linear.scatter [tilespmem:s29], [sflag:$0xD], $0x640, $0x200038;
	[tilespmem:$0x1F8A8] =	vst v63  }
0x1b2: {  	_ =	swait.ge [sflag:s26], $0xDC0  }
0x1b3: {  	[sflag:s26] =	ssyncset.done $0x0  }
0x1b4: {  	[sflag:s26] =	ssyncadd.s32 $0xFFFFF240  }
0x1b5: {  	_ =	swait.ge [sflag:s7], $0x640  }
0x1b6: {  	[sflag:s7] =	ssyncset.done $0x0  }
0x1b7: {  	s14 =	simm.s32 $0x6040;
	[sflag:s7] =	ssyncadd.s32 $0xFFFFF9C0  }
0x1b8: {  	[tilespmem:s28], [sflag:$0x4] =	stream.indirect.gather [spmem:s4], $0x1, s14, s23, $0x2000b8;
	[tilespmem:$0x1F8A8] =	vst v63  }
0x1b9: {  	s14 =	simm.s32 $0xB540  }
0x1ba: {  	[tilespmem:s29], [sflag:$0x7] =	stream.indirect.gather [hbm4b:s1+s24], $0x1, s14, s24, $0x2000b8;
	[tilespmem:$0x1F8A8] =	vst v63  }
0x1bb: {  	_ =	swait.ge [sflag:s8], $0xDC0  }
0x1bc: {  	[sflag:s8] =	ssyncset.done $0x0  }
0x1bd: {  	s14 =	sand.u32 $0xFF0, s9;
	s9 =	simm.s32 $0x10;
	[sflag:s8] =	ssyncadd.s32 $0xFFFFF240  }
.LBB2_25:
0x1be: {  	p1 =	sne.s32 s9, $0xDB0;
	v1 =	vld [tilespmem:s14+$0xE380];
	_ =	sdelay $0x2  }
.Ltmp12:
0x1bf: {  	(pc) =	sbr.rel @p1 .LBB2_25-.Ltmp12, $3  }
0x1c0: {  	_ = 	snop  }
0x1c1: {  	v1 =	vmul.f32 v1, v0;
	_ =	sdelay $0x1  }
0x1c2: {  	[tilespmem:s14+$0xE380] =	vst v1;
	s14 =	sand.u32 $0xFF0, s9;
	s9 =	sadd.s32 $0x10, s9  }
0x1c3: {  	v1 =	vld [tilespmem:s14+$0xE380];
	_ =	sdelay $0x4  }
0x1c4: {  	v1 =	vmul.f32 v1, v0;
	_ =	sdelay $0x1  }
0x1c5: {  	[tilespmem:s14+$0xE380] =	vst v1;
	s14 =	sld [smem:$0x7F4];
	_ =	sdelay $0x1  }
0x1c6: {  	s9 =	simm.s32 $0x0  }
0x1c7: {  	[hbm4b:s14+s9] =	stream.linear.scatter [tilespmem:s30], [sflag:$0xB], $0xDC0, $0x200038;
	[tilespmem:$0x1F8A8] =	vst v63  }
0x1c8: {  	_ =	swait.ge [sflag:s10], $0x640  }
0x1c9: {  	[sflag:s10] =	ssyncset.done $0x0  }
0x1ca: {  	s14 =	simm.s32 $0x0;
	s9 =	simm.s32 $0x40;
	[sflag:s10] =	ssyncadd.s32 $0xFFFFF9C0  }
.LBB2_27:
0x1cb: {  	p1 =	sne.s32 s9, $0x18C0;
	v1 =	vld [tilespmem:s14+$0xFDC0];
	_ =	sdelay $0x2  }
.Ltmp13:
0x1cc: {  	(pc) =	sbr.rel @p1 .LBB2_27-.Ltmp13, $3  }
0x1cd: {  	_ = 	snop  }
0x1ce: {  	v1 =	vmul.f32 v1, v0;
	_ =	sdelay $0x1  }
0x1cf: {  	[tilespmem:s14+$0xFDC0] =	vst v1;
	s14 =	sshra.s32 s9, $0x2;
	s9 =	sadd.s32 $0x40, s9  }
0x1d0: {  	v1 =	vld [tilespmem:s14+$0xFDC0];
	_ =	sdelay $0x4  }
0x1d1: {  	v1 =	vmul.f32 v1, v0;
	_ =	sdelay $0x1  }
0x1d2: {  	[tilespmem:s14+$0xFDC0] =	vst v1;
	s14 =	sld [smem:$0x7F5];
	_ =	sdelay $0x1  }
0x1d3: {  	s9 =	simm.s32 $0x0  }
0x1d4: {  	[hbm4b:s14+s9] =	stream.linear.scatter [tilespmem:s31], [sflag:$0xE], $0x640, $0x200038;
	[tilespmem:$0x1F8A8] =	vst v63  }
0x1d5: {  	_ =	swait.ge [sflag:s11], $0xDC0  }
0x1d6: {  	[sflag:s11] =	ssyncset.done $0x0  }
0x1d7: {  	[sflag:s11] =	ssyncadd.s32 $0xFFFFF240  }
0x1d8: {  	_ =	swait.ge [sflag:s12], $0x640  }
0x1d9: {  	[sflag:s12] =	ssyncset.done $0x0  }
0x1da: {  	s14 =	simm.s32 $0x6E00;
	[sflag:s12] =	ssyncadd.s32 $0xFFFFF9C0  }
0x1db: {  	[tilespmem:s30], [sflag:$0x5] =	stream.indirect.gather [spmem:s4], $0x1, s14, s23, $0x2000b8;
	[tilespmem:$0x1F8A8] =	vst v63  }
0x1dc: {  	s14 =	simm.s32 $0xBB80  }
0x1dd: {  	[tilespmem:s31], [sflag:$0x8] =	stream.indirect.gather [hbm4b:s1+s24], $0x1, s14, s24, $0x2000b8;
	[tilespmem:$0x1F8A8] =	vst v63  }
0x1de: {  	_ =	swait.ge [sflag:s18], $0xDC0  }
0x1df: {  	[sflag:s18] =	ssyncset.done $0x0  }
0x1e0: {  	s9 =	simm.s32 $0x40;
	s14 =	simm.s32 $0x0;
	[sflag:s18] =	ssyncadd.s32 $0xFFFFF240  }
.LBB2_29:
0x1e1: {  	p1 =	sne.s32 s9, $0x36C0;
	v1 =	vld [tilespmem:s14+$0xC800];
	_ =	sdelay $0x2  }
.Ltmp14:
0x1e2: {  	(pc) =	sbr.rel @p1 .LBB2_29-.Ltmp14, $3  }
0x1e3: {  	_ = 	snop  }
0x1e4: {  	v1 =	vmul.f32 v1, v0;
	_ =	sdelay $0x1  }
0x1e5: {  	[tilespmem:s14+$0xC800] =	vst v1;
	s14 =	sshra.s32 s9, $0x2;
	s9 =	sadd.s32 $0x40, s9  }
0x1e6: {  	v1 =	vld [tilespmem:s14+$0xC800];
	_ =	sdelay $0x4  }
0x1e7: {  	v1 =	vmul.f32 v1, v0;
	_ =	sdelay $0x1  }
0x1e8: {  	[tilespmem:s14+$0xC800] =	vst v1;
	s14 =	sld [smem:$0x7F6];
	_ =	sdelay $0x1  }
0x1e9: {  	s9 =	simm.s32 $0x0  }
0x1ea: {  	[hbm4b:s14+s9] =	stream.linear.scatter [tilespmem:s16], [sflag:$0x9], $0xDC0, $0x200038;
	[tilespmem:$0x1F8A8] =	vst v63  }
0x1eb: {  	_ =	swait.ge [sflag:s3], $0x640  }
0x1ec: {  	[sflag:s3] =	ssyncset.done $0x0  }
0x1ed: {  	s14 =	simm.s32 $0x0;
	s9 =	simm.s32 $0x40;
	[sflag:s3] =	ssyncadd.s32 $0xFFFFF9C0  }
.LBB2_31:
0x1ee: {  	p1 =	sne.s32 s9, $0x18C0;
	v1 =	vld [tilespmem:s14+$0xF140];
	_ =	sdelay $0x2  }
.Ltmp15:
0x1ef: {  	(pc) =	sbr.rel @p1 .LBB2_31-.Ltmp15, $3  }
0x1f0: {  	_ = 	snop  }
0x1f1: {  	v1 =	vmul.f32 v1, v0;
	_ =	sdelay $0x1  }
0x1f2: {  	[tilespmem:s14+$0xF140] =	vst v1;
	s14 =	sshra.s32 s9, $0x2;
	s9 =	sadd.s32 $0x40, s9  }
0x1f3: {  	v1 =	vld [tilespmem:s14+$0xF140];
	_ =	sdelay $0x4  }
0x1f4: {  	v1 =	vmul.f32 v1, v0;
	_ =	sdelay $0x1  }
0x1f5: {  	[tilespmem:s14+$0xF140] =	vst v1;
	s14 =	sld [smem:$0x7F7];
	_ =	sdelay $0x1  }
0x1f6: {  	s9 =	simm.s32 $0x0  }
0x1f7: {  	[hbm4b:s14+s9] =	stream.linear.scatter [tilespmem:s25], [sflag:$0xC], $0x640, $0x200038;
	[tilespmem:$0x1F8A8] =	vst v63  }
0x1f8: {  	_ =	swait.ge [sflag:s19], $0xDC0  }
0x1f9: {  	[sflag:s19] =	ssyncset.done $0x0  }
0x1fa: {  	[sflag:s19] =	ssyncadd.s32 $0xFFFFF240  }
0x1fb: {  	_ =	swait.ge [sflag:s0], $0x640  }
0x1fc: {  	[sflag:s0] =	ssyncset.done $0x0  }
0x1fd: {  	s14 =	simm.s32 $0x7BC0;
	[sflag:s0] =	ssyncadd.s32 $0xFFFFF9C0  }
0x1fe: {  	[tilespmem:s16], [sflag:$0x3] =	stream.indirect.gather [spmem:s4], $0x1, s14, s23, $0x2000b8;
	[tilespmem:$0x1F8A8] =	vst v63  }
0x1ff: {  	s14 =	simm.s32 $0xC1C0  }
0x200: {  	[tilespmem:s25], [sflag:$0x6] =	stream.indirect.gather [hbm4b:s1+s24], $0x1, s14, s24, $0x2000b8;
	[tilespmem:$0x1F8A8] =	vst v63  }
0x201: {  	_ =	swait.ge [sflag:s6], $0xDC0  }
0x202: {  	[sflag:s6] =	ssyncset.done $0x0  }
0x203: {  	s9 =	simm.s32 $0x40;
	s14 =	simm.s32 $0x0;
	[sflag:s6] =	ssyncadd.s32 $0xFFFFF240  }
.LBB2_33:
0x204: {  	p1 =	sne.s32 s9, $0x36C0;
	v1 =	vld [tilespmem:s14+$0xD5C0];
	_ =	sdelay $0x2  }
.Ltmp16:
0x205: {  	(pc) =	sbr.rel @p1 .LBB2_33-.Ltmp16, $3  }
0x206: {  	_ = 	snop  }
0x207: {  	v1 =	vmul.f32 v1, v0;
	_ =	sdelay $0x1  }
0x208: {  	[tilespmem:s14+$0xD5C0] =	vst v1;
	s14 =	sshra.s32 s9, $0x2;
	s9 =	sadd.s32 $0x40, s9  }
0x209: {  	v1 =	vld [tilespmem:s14+$0xD5C0];
	_ =	sdelay $0x4  }
0x20a: {  	v1 =	vmul.f32 v1, v0;
	_ =	sdelay $0x1  }
0x20b: {  	[tilespmem:s14+$0xD5C0] =	vst v1;
	s14 =	sld [smem:$0x7F8];
	_ =	sdelay $0x1  }
0x20c: {  	s9 =	simm.s32 $0x0  }
0x20d: {  	[hbm4b:s14+s9] =	stream.linear.scatter [tilespmem:s28], [sflag:$0xA], $0xDC0, $0x200038;
	[tilespmem:$0x1F8A8] =	vst v63  }
0x20e: {  	_ =	swait.ge [sflag:s2], $0x640  }
0x20f: {  	[sflag:s2] =	ssyncset.done $0x0  }
0x210: {  	s14 =	sand.u32 $0x7F0, s9;
	s9 =	simm.s32 $0x10;
	[sflag:s2] =	ssyncadd.s32 $0xFFFFF9C0  }
.LBB2_35:
0x211: {  	p1 =	sne.s32 s9, $0x630;
	v1 =	vld [tilespmem:s14+$0xF780];
	_ =	sdelay $0x2  }
.Ltmp17:
0x212: {  	(pc) =	sbr.rel @p1 .LBB2_35-.Ltmp17, $3  }
0x213: {  	_ = 	snop  }
0x214: {  	v1 =	vmul.f32 v1, v0;
	_ =	sdelay $0x1  }
0x215: {  	[tilespmem:s14+$0xF780] =	vst v1;
	s14 =	sand.u32 $0x7F0, s9;
	s9 =	sadd.s32 $0x10, s9  }
0x216: {  	v1 =	vld [tilespmem:s14+$0xF780];
	_ =	sdelay $0x4  }
0x217: {  	v1 =	vmul.f32 v1, v0;
	_ =	sdelay $0x1  }
0x218: {  	[tilespmem:s14+$0xF780] =	vst v1;
	s14 =	sld [smem:$0x7F9];
	_ =	sdelay $0x1  }
0x219: {  	s9 =	simm.s32 $0x0  }
0x21a: {  	[hbm4b:s14+s9] =	stream.linear.scatter [tilespmem:s29], [sflag:$0xD], $0x640, $0x200038;
	[tilespmem:$0x1F8A8] =	vst v63  }
0x21b: {  	_ =	strace $0x9000004A  }
0x21c: {  	_ =	strace $0x8000004B  }
0x21d: {  	_ =	swait.ge [sflag:s8], $0xDC0  }
0x21e: {  	[sflag:s8] =	ssyncset.done $0x0  }
0x21f: {  	s14 =	sand.u32 $0xFF0, s9;
	s9 =	simm.s32 $0x10;
	[sflag:s8] =	ssyncadd.s32 $0xFFFFF240  }
.LBB2_37:
0x220: {  	p1 =	sne.s32 s9, $0xDB0;
	v1 =	vld [tilespmem:s14+$0xE380];
	_ =	sdelay $0x2  }
.Ltmp18:
0x221: {  	(pc) =	sbr.rel @p1 .LBB2_37-.Ltmp18, $3  }
0x222: {  	_ = 	snop  }
0x223: {  	v1 =	vmul.f32 v1, v0;
	_ =	sdelay $0x1  }
0x224: {  	[tilespmem:s14+$0xE380] =	vst v1;
	s14 =	sand.u32 $0xFF0, s9;
	s9 =	sadd.s32 $0x10, s9  }
0x225: {  	v1 =	vld [tilespmem:s14+$0xE380];
	_ =	sdelay $0x4  }
0x226: {  	v1 =	vmul.f32 v1, v0;
	_ =	sdelay $0x1  }
0x227: {  	[tilespmem:s14+$0xE380] =	vst v1;
	s14 =	sld [smem:$0x7FA];
	_ =	sdelay $0x1  }
0x228: {  	s9 =	simm.s32 $0x0  }
0x229: {  	[hbm4b:s14+s9] =	stream.linear.scatter [tilespmem:s30], [sflag:$0xB], $0xDC0, $0x200038;
	[tilespmem:$0x1F8A8] =	vst v63  }
0x22a: {  	_ =	swait.ge [sflag:s10], $0x640  }
0x22b: {  	[sflag:s10] =	ssyncset.done $0x0  }
0x22c: {  	s14 =	simm.s32 $0x0;
	s9 =	simm.s32 $0x40;
	[sflag:s10] =	ssyncadd.s32 $0xFFFFF9C0  }
.LBB2_39:
0x22d: {  	p1 =	sne.s32 s9, $0x18C0;
	v1 =	vld [tilespmem:s14+$0xFDC0];
	_ =	sdelay $0x2  }
.Ltmp19:
0x22e: {  	(pc) =	sbr.rel @p1 .LBB2_39-.Ltmp19, $3  }
0x22f: {  	_ = 	snop  }
0x230: {  	v1 =	vmul.f32 v1, v0;
	_ =	sdelay $0x1  }
0x231: {  	[tilespmem:s14+$0xFDC0] =	vst v1;
	s14 =	sshra.s32 s9, $0x2;
	s9 =	sadd.s32 $0x40, s9  }
0x232: {  	v1 =	vld [tilespmem:s14+$0xFDC0];
	_ =	sdelay $0x4  }
0x233: {  	v1 =	vmul.f32 v1, v0;
	_ =	sdelay $0x1  }
0x234: {  	[tilespmem:s14+$0xFDC0] =	vst v1;
	s14 =	sld [smem:$0x7FB];
	_ =	sdelay $0x1  }
0x235: {  	s9 =	simm.s32 $0x0  }
0x236: {  	[hbm4b:s14+s9] =	stream.linear.scatter [tilespmem:s31], [sflag:$0xE], $0x640, $0x200038;
	[tilespmem:$0x1F8A8] =	vst v63  }
0x237: {  	_ =	swait.ge [sflag:s18], $0xDC0  }
0x238: {  	[sflag:s18] =	ssyncset.done $0x0  }
0x239: {  	s14 =	simm.s32 $0x0;
	s9 =	simm.s32 $0x40;
	[sflag:s18] =	ssyncadd.s32 $0xFFFFF240  }
.LBB2_41:
0x23a: {  	p1 =	sne.s32 s9, $0x36C0;
	v1 =	vld [tilespmem:s14+$0xC800];
	_ =	sdelay $0x2  }
.Ltmp20:
0x23b: {  	(pc) =	sbr.rel @p1 .LBB2_41-.Ltmp20, $3  }
0x23c: {  	_ = 	snop  }
0x23d: {  	v1 =	vmul.f32 v1, v0;
	_ =	sdelay $0x1  }
0x23e: {  	[tilespmem:s14+$0xC800] =	vst v1;
	s14 =	sshra.s32 s9, $0x2;
	s9 =	sadd.s32 $0x40, s9  }
0x23f: {  	v1 =	vld [tilespmem:s14+$0xC800];
	_ =	sdelay $0x4  }
0x240: {  	v1 =	vmul.f32 v1, v0;
	_ =	sdelay $0x1  }
0x241: {  	[tilespmem:s14+$0xC800] =	vst v1;
	s14 =	sld [smem:$0x7FC];
	_ =	sdelay $0x1  }
0x242: {  	s9 =	simm.s32 $0x0  }
0x243: {  	[hbm4b:s14+s9] =	stream.linear.scatter [tilespmem:s16], [sflag:$0x9], $0xDC0, $0x200038;
	[tilespmem:$0x1F8A8] =	vst v63  }
0x244: {  	_ =	swait.ge [sflag:s3], $0x640  }
0x245: {  	[sflag:s3] =	ssyncset.done $0x0  }
0x246: {  	s14 =	simm.s32 $0x0;
	s9 =	simm.s32 $0x40;
	[sflag:s3] =	ssyncadd.s32 $0xFFFFF9C0  }
.LBB2_43:
0x247: {  	p1 =	sne.s32 s9, $0x18C0;
	v1 =	vld [tilespmem:s14+$0xF140];
	_ =	sdelay $0x2  }
.Ltmp21:
0x248: {  	(pc) =	sbr.rel @p1 .LBB2_43-.Ltmp21, $3  }
0x249: {  	_ = 	snop  }
0x24a: {  	v1 =	vmul.f32 v1, v0;
	_ =	sdelay $0x1  }
0x24b: {  	[tilespmem:s14+$0xF140] =	vst v1;
	s14 =	sshra.s32 s9, $0x2;
	s9 =	sadd.s32 $0x40, s9  }
0x24c: {  	v1 =	vld [tilespmem:s14+$0xF140];
	_ =	sdelay $0x4  }
0x24d: {  	s9 =	sld [smem:$0x7FD];
	v0 =	vmul.f32 v1, v0;
	_ =	sdelay $0x1  }
0x24e: {  	[tilespmem:s14+$0xF140] =	vst v0  }
0x24f: {  	[hbm4b:s9+s5] =	stream.linear.scatter [tilespmem:s25], [sflag:$0xC], $0x640, $0x200038;
	[tilespmem:$0x1F8A8] =	vst v63  }
0x250: {  	_ =	swait.ge [sflag:s19], $0xDC0  }
0x251: {  	[sflag:s19] =	ssyncset.done $0x0  }
0x252: {  	[sflag:s19] =	ssyncadd.s32 $0xFFFFF240  }
0x253: {  	_ =	swait.ge [sflag:s0], $0x640  }
0x254: {  	[sflag:s0] =	ssyncset.done $0x0  }
0x255: {  	[sflag:s0] =	ssyncadd.s32 $0xFFFFF9C0  }
0x256: {  	_ =	swait.ge [sflag:s26], $0xDC0  }
0x257: {  	[sflag:s26] =	ssyncset.done $0x0  }
0x258: {  	[sflag:s26] =	ssyncadd.s32 $0xFFFFF240  }
0x259: {  	_ =	swait.ge [sflag:s7], $0x640  }
0x25a: {  	[sflag:s7] =	ssyncset.done $0x0  }
0x25b: {  	[sflag:s7] =	ssyncadd.s32 $0xFFFFF9C0  }
0x25c: {  	_ =	swait.ge [sflag:s11], $0xDC0  }
0x25d: {  	[sflag:s11] =	ssyncset.done $0x0  }
0x25e: {  	[sflag:s11] =	ssyncadd.s32 $0xFFFFF240  }
0x25f: {  	_ =	swait.ge [sflag:s12], $0x640  }
0x260: {  	s13 =	sadd.s32 $0x1, s13;
	s14 =	rddreg [dreg:$0x19]  }
0x261: {  	p1 =	sne.s32 s13, s14  }
.Ltmp22:
0x262: {  	_ = 	snop;
	(pc) =	sbr.rel @p1 .LBB2_1-.Ltmp22, $4  }
0x263: {  	_ = 	snop  }
0x264: {  	[sflag:s12] =	ssyncset.done $0x0  }
0x265: {  	[sflag:s12] =	ssyncadd.s32 $0xFFFFF9C0  }
0x266: {  	_ =	strace $0x9000004B  }
0x267: {  	_ =	sfence.sel $0x180000  }
0x268: {  	[bflag:$0x0] =	sbarrier.arrive $0xFFFF  }
0x269: {  	_ =	strace $0x90000047  }
0x26a: {  	s0 =	stileid.u32;
	[bflag:$0x2] =	sbarrier.arrive $0xFFFF  }
0x26b: {  	p0 =	sne.s32 s0, $0x0;
	s0 =	rddreg [dreg:$0x5]  }
0x26c: {  	s0 =	sadd.s32 @!p0 $0x100000, s0  }
0x26d: {  	[sflag:s0] =	ssyncadd.tile.s32 @!p0 $0x1;
	_ =	shalt  }
.Lfunc_end2:
_tile_overlayer_lowered:
.L_overlay_start_2:
0x26e: {  	(tag) =	ssettag $0x2  }
0x26f: {  	s0 =	rddreg [dreg:$0x0];
	s2 =	stileid.u32  }
0x270: {  	s1 =	rddreg [dreg:$0x1];
	p0 =	sne.s32 s2, $0x0  }
0x271: {  	s3 =	rddreg [dreg:$0x2];
	[bflag:$0x3] =	sbarrier.arrive $0xFFFF;
	s2 =	simm.s32 @!p0 $0x1C0F  }
0x272: {  	[timem:s3], [sflag:s2] =	dma.local @!p0 [hbm:s0], s1  }
0x273: {  	s0 =	simm.s32 @!p0 $0xF  }
0x274: {  	_ =	swait.ge @!p0 [sflag:s0], s1  }
0x275: {  	s1 =	ssub.s32 @!p0 $0x0, s1;
	[sflag:s0] =	ssyncset.done @!p0 $0x0  }
0x276: {  	[sflag:s0] =	ssyncadd.s32 @!p0 s1  }
0x277: {  	[bflag:$0x3] =	sbarrier.arrive $0xFFFF  }
0x278: {  	_ =	shalt  }

</sc_bundles>
